<compile_context>
chip_gen: v7x
topology: tpu7x:2x2x1
jax: 0.10.2.dev20260603
libtpu: 0.0.44.dev20260713+nightly
codegen_flags: <defaults>
</compile_context>

<pallas_src>
import functools
import math

import jax
import jax.numpy as jnp
from jax import lax
from jax.experimental import pallas as pl
from jax.experimental.pallas import tpu as pltpu
from jax.experimental.pallas import tpu_sc as plsc

S = 4096
D = 1024
M = 1024
TOPK = 32

NC = 2
NS = 16
L = 16
NW = NC * NS
ROWS_PER_W = S // NW
GROUPS = ROWS_PER_W // L

SBLK = 1024
NSB = S // SBLK

_UHI = 0x80000000


def _kv_body(x_ref, wk_ref, wv_ref, wp_ref, k_ref, vp_ref, mem_s, c_s):
    i = pl.program_id(0)

    @pl.when(i == 0)
    def _init():
        c_s[...] = jnp.zeros((1, D), jnp.float32)

    C = c_s[...]
    for c in range(SBLK // 128):
        base = c * 128

        def jbody(j, carry, base=base, C=C):
            accW, prevE = carry
            r0 = base + 4 * j
            accW = accW + x_ref[0, pl.ds(r0, 1), :]
            accW = accW + x_ref[0, pl.ds(r0 + 1, 1), :]
            accW = accW + x_ref[0, pl.ds(r0 + 2, 1), :]
            accW = accW + x_ref[0, pl.ds(r0 + 3, 1), :]
            E = accW + C
            mem_s[pl.ds(c * 32 + j, 1), :] = (E - prevE) * 0.25
            return accW, E
        accW, _ = lax.fori_loop(
            0, 32, jbody, (jnp.zeros((1, D), jnp.float32), C))
        C = C + accW
    c_s[...] = C

    mem = mem_s[...]
    k_ref[...] = lax.dot_general(mem, wk_ref[...], (((1,), (1,)), ((), ())),
                                 preferred_element_type=jnp.float32)
    v = lax.dot_general(mem, wv_ref[...], (((1,), (1,)), ((), ())),
                        preferred_element_type=jnp.float32)
    vp_ref[...] = lax.dot_general(v, wp_ref[...], (((1,), (1,)), ((), ())),
                                  preferred_element_type=jnp.float32)


def _kv_call(x3d, Wk, Wv, Wp):
    mblk = M // NSB
    return pl.pallas_call(
        _kv_body,
        grid=(NSB,),
        in_specs=[
            pl.BlockSpec((1, 4 * mblk, D), lambda i: (0, i, 0)),
            pl.BlockSpec((D, D), lambda i: (0, 0)),
            pl.BlockSpec((D, D), lambda i: (0, 0)),
            pl.BlockSpec((D, D), lambda i: (0, 0)),
        ],
        out_specs=[
            pl.BlockSpec((mblk, D), lambda i: (i, 0)),
            pl.BlockSpec((mblk, D), lambda i: (i, 0)),
        ],
        out_shape=[
            jax.ShapeDtypeStruct((M, D), jnp.float32),
            jax.ShapeDtypeStruct((M, D), jnp.float32),
        ],
        scratch_shapes=[
            pltpu.VMEM((M // NSB, D), jnp.float32),
            pltpu.VMEM((1, D), jnp.float32),
        ],
    )(x3d, Wk, Wv, Wp)


def _scores_body(x_ref, wq_ref, k_ref, st_ref, mx_ref):
    q = lax.dot_general(x_ref[0], wq_ref[...], (((1,), (1,)), ((), ())),
                        preferred_element_type=jnp.float32)
    st = lax.dot_general(k_ref[...], q, (((1,), (1,)), ((), ())),
                         preferred_element_type=jnp.float32)
    st = st * (1.0 / math.sqrt(D))
    st_ref[...] = st.reshape(M, SBLK // 128, 128)
    mx_ref[...] = jnp.max(st, axis=0, keepdims=True)


def _scores_call(x3d, Wq, kmat):
    return pl.pallas_call(
        _scores_body,
        grid=(NSB,),
        in_specs=[
            pl.BlockSpec((1, SBLK, D), lambda i: (0, i, 0)),
            pl.BlockSpec((D, D), lambda i: (0, 0)),
            pl.BlockSpec((M, D), lambda i: (0, 0)),
        ],
        out_specs=[
            pl.BlockSpec((M, SBLK // 128, 128), lambda i: (0, i, 0)),
            pl.BlockSpec((1, SBLK), lambda i: (0, i)),
        ],
        out_shape=[
            jax.ShapeDtypeStruct((M, S // 128, 128), jnp.float32),
            jax.ShapeDtypeStruct((1, S), jnp.float32),
        ],
    )(x3d, Wq, kmat)


def _mono_key(v):
    bi = plsc.bitcast(v, jnp.int32)
    flip = (bi >> 31) | jnp.int32(-0x80000000)
    return plsc.bitcast(bi ^ flip, jnp.uint32)


def _sc_topk_body(st_hbm, tau_hbm, tile_f, cand, hist, tau_buf,
                  sem0, sem1):
    wid = lax.axis_index("s") * NC + lax.axis_index("c")
    lane = lax.iota(jnp.int32, L)
    ones = jnp.ones((L,), jnp.int32)
    zeros_i = jnp.zeros((L,), jnp.int32)
    r32 = jnp.full((L,), TOPK, jnp.int32)

    @plsc.parallel_loop(0, 256, 1, unroll=8)
    def _zero(b):
        hist[pl.ds(b * L, L)] = zeros_i

    def issue(g, sem):
        gg = wid * GROUPS + g
        dst = tile_f.at[pl.ds((g % 2) * M, M), :]
        pltpu.async_copy(
            st_hbm.at[:, gg // 8, pl.ds((gg % 8) * L, L)], dst, sem)

    def drain(sem):
        pltpu.make_async_copy(st_hbm.at[:, 0, pl.ds(0, L)],
                              tile_f.at[pl.ds(0, M), :], sem).wait()

    def process(g):
        base = (g % 2) * M

        @plsc.parallel_loop(0, M, 1, unroll=8)
        def _pa(m):
            key = _mono_key(tile_f[base + m, :])
            byte = plsc.bitcast(key >> jnp.uint32(24), jnp.int32)
            plsc.addupdate_scatter(hist, [byte * L + lane], ones)

        def s1(i, sc):
            cum, found, bsel, rrem = sc
            b = 255 - i
            cntv = hist[pl.ds(b * L, L)]
            hist[pl.ds(b * L, L)] = zeros_i
            newcum = cum + cntv
            nf = jnp.logical_and(found == 0, newcum >= r32)
            bsel = jnp.where(nf, b, bsel)
            rrem = jnp.where(nf, r32 - cum, rrem)
            found = jnp.where(nf, 1, found)
            return newcum, found, bsel, rrem
        _, _, bsel, rank = plsc.parallel_loop(
            0, 256, 1, unroll=8,
            carry=(zeros_i, zeros_i, zeros_i, zeros_i))(s1)

        def pc(m, cnt):
            key = _mono_key(tile_f[base + m, :])
            byte = plsc.bitcast(key >> jnp.uint32(24), jnp.int32)
            c = byte == bsel
            plsc.store_scatter(cand, [cnt * L + lane],
                               plsc.bitcast(key, jnp.int32), mask=c)
            return cnt + jnp.where(c, 1, 0)
        cnt = plsc.parallel_loop(0, M, 1, unroll=8, carry=zeros_i)(pc)
        cmax = lax.reduce_max(cnt, (0,))

        prefix = plsc.bitcast(bsel, jnp.uint32) << jnp.uint32(24)

        for p in range(6):
            shift = 20 - 4 * p
            himask = jnp.uint32((0xFFFFFFFF << (shift + 4)) & 0xFFFFFFFF)

            def ph(i, himask=himask, shift=shift, prefix=prefix, cnt=cnt):
                key = plsc.bitcast(cand[pl.ds(i * L, L)], jnp.uint32)
                valid = jnp.logical_and(cnt > i, (key & himask) == prefix)
                nib = plsc.bitcast(
                    (key >> jnp.uint32(shift)) & jnp.uint32(0xF), jnp.int32)
                plsc.addupdate_scatter(hist, [nib * L + lane], ones,
                                       mask=valid)
            plsc.parallel_loop(0, cmax, 1, unroll=4)(ph)

            def s2(i, sc, rank=rank):
                cum, found, nsel, rrem = sc
                b = 15 - i
                cntv = hist[pl.ds(b * L, L)]
                hist[pl.ds(b * L, L)] = zeros_i
                newcum = cum + cntv
                nf = jnp.logical_and(found == 0, newcum >= rank)
                nsel = jnp.where(nf, b, nsel)
                rrem = jnp.where(nf, rank - cum, rrem)
                found = jnp.where(nf, 1, found)
                return newcum, found, nsel, rrem
            _, _, nsel, rank = plsc.parallel_loop(
                0, 16, 1, unroll=4,
                carry=(zeros_i, zeros_i, zeros_i, zeros_i))(s2)
            prefix = prefix | (plsc.bitcast(nsel, jnp.uint32)
                               << jnp.uint32(shift))

        bits = jnp.where(prefix >= jnp.uint32(_UHI),
                         prefix ^ jnp.uint32(_UHI), ~prefix)
        tau = plsc.bitcast(bits, jnp.float32)
        tau_buf[pl.ds(g * L, L)] = tau

    issue(0, sem0)

    def gbody(g, _):
        @pl.when(g % 2 == 0)
        def _d0():
            pltpu.make_async_copy(st_hbm.at[:, 0, pl.ds(0, L)],
                                  tile_f.at[pl.ds(0, M), :], sem0).wait()

        @pl.when(g % 2 == 1)
        def _d1():
            pltpu.make_async_copy(st_hbm.at[:, 0, pl.ds(0, L)],
                                  tile_f.at[pl.ds(0, M), :], sem1).wait()

        @pl.when(jnp.logical_and(g + 1 < GROUPS, (g + 1) % 2 == 0))
        def _i0():
            issue(g + 1, sem0)

        @pl.when(jnp.logical_and(g + 1 < GROUPS, (g + 1) % 2 == 1))
        def _i1():
            issue(g + 1, sem1)

        process(g)
        return 0
    lax.fori_loop(0, GROUPS, gbody, 0)

    pltpu.sync_copy(tau_buf, tau_hbm.at[pl.ds(wid * ROWS_PER_W, ROWS_PER_W)])


def _sc_topk_call(scoresT):
    mesh = plsc.VectorSubcoreMesh(core_axis_name="c", subcore_axis_name="s")
    fn = functools.partial(
        pl.kernel,
        out_type=jax.ShapeDtypeStruct((S,), jnp.float32),
        mesh=mesh,
        scratch_types=[
            pltpu.VMEM((2 * M, L), jnp.float32),
            pltpu.VMEM((M * L,), jnp.int32),
            pltpu.VMEM((256 * L,), jnp.int32),
            pltpu.VMEM((ROWS_PER_W,), jnp.float32),
            pltpu.SemaphoreType.DMA,
            pltpu.SemaphoreType.DMA,
        ],
        compiler_params=pltpu.CompilerParams(use_tc_tiling_on_sc=False,
                                             needs_layout_passes=False),
    )(_sc_topk_body)
    return fn(scoresT)


def _combine_body(st_ref, tau_ref, mx_ref, vp_ref, out_ref):
    st = st_ref[...].reshape(M, SBLK)
    tau = tau_ref[...]
    mx = mx_ref[...]
    w = jnp.where(st >= tau, jnp.exp(st - mx), 0.0)
    z = jnp.sum(w, axis=0, keepdims=True)
    wn = w / z
    out_ref[0] = lax.dot_general(wn, vp_ref[...], (((0,), (0,)), ((), ())),
                                 preferred_element_type=jnp.float32)


def _combine_call(scoresT, tau, mx, vp):
    return pl.pallas_call(
        _combine_body,
        grid=(NSB,),
        in_specs=[
            pl.BlockSpec((M, SBLK // 128, 128), lambda i: (0, i, 0)),
            pl.BlockSpec((1, SBLK), lambda i: (0, i)),
            pl.BlockSpec((1, SBLK), lambda i: (0, i)),
            pl.BlockSpec((M, D), lambda i: (0, 0)),
        ],
        out_specs=pl.BlockSpec((1, SBLK, D), lambda i: (0, i, 0)),
        out_shape=jax.ShapeDtypeStruct((1, S, D), jnp.float32),
    )(scoresT, tau, mx, vp)


def kernel(x, Wq, Wk, Wv, Wp):
    b, s, d = x.shape
    assert (b, s, d) == (1, S, D)
    kmat, vp = _kv_call(x, Wk, Wv, Wp)
    scoresT, mx = _scores_call(x, Wq, kmat)
    tau = _sc_topk_call(scoresT)
    return _combine_call(scoresT, tau.reshape(1, S), mx, vp)

# --- scband reference (transcript-rebuilt; emitter-appended) ---
"""Pipeline reference for scband-retrieval-memory-52810917871830 (READ-ONLY COPY).

The authoritative reference and input builder live on the scoring server;
editing this copy changes nothing except your own understanding.
"""

import jax, jax.numpy as jnp
import numpy as np
import math

B, S, D = 1, 4096, 1024
MEMORY_SLOTS = 1024
MEMORY_TOPK = 32
RETRIEVAL_WEIGHT = 1.0


def setup_inputs(seed: int = 0) -> dict:
    key = jax.random.key(seed)
    ks = jax.random.split(key, 5)
    x = jax.random.normal(ks[0], (B, S, D), dtype=jnp.float32)
    Wq = jax.random.normal(ks[1], (D, D), dtype=jnp.float32) * 0.02
    Wk = jax.random.normal(ks[2], (D, D), dtype=jnp.float32) * 0.02
    Wv = jax.random.normal(ks[3], (D, D), dtype=jnp.float32) * 0.02
    Wp = jax.random.normal(ks[4], (D, D), dtype=jnp.float32) * 0.02
    return {"x": x, "Wq": Wq, "Wk": Wk, "Wv": Wv, "Wp": Wp}


def _adaptive_avg_pool_1d(x, out_size):
    # Faithful to F.adaptive_avg_pool1d: bin i averages x[floor(i*S/out):ceil((i+1)*S/out)].
    b, s, d = x.shape
    idx = np.arange(out_size)
    starts = (idx * s) // out_size
    ends = -((-(idx + 1) * s) // out_size)  # ceil division
    csum = jnp.concatenate([jnp.zeros((b, 1, d), dtype=x.dtype), jnp.cumsum(x, axis=1)], axis=1)
    counts = jnp.asarray(ends - starts, dtype=x.dtype)
    pooled = (csum[:, ends, :] - csum[:, starts, :]) / counts[None, :, None]
    return pooled


def reference(x, Wq, Wk, Wv, Wp):
    b, s, d = x.shape
    num_slots = min(s, MEMORY_SLOTS)
    topk = min(num_slots, MEMORY_TOPK)
    memory_slots = _adaptive_avg_pool_1d(x, num_slots)            # [B, M, D]
    q = x @ Wq.T                                                   # [B, S, D]
    k = memory_slots @ Wk.T                                        # [B, M, D]
    v = memory_slots @ Wv.T                                        # [B, M, D]
    scores = jnp.einsum('bsd,bmd->bsm', q, k) * (1.0 / math.sqrt(d))  # [B, S, M]
    topk_scores, topk_indices = jax.lax.top_k(scores, topk)       # [B, S, K]
    topk_weights = jax.nn.softmax(topk_scores, axis=-1)           # [B, S, K]
    b_idx = jnp.arange(b)[:, None, None]
    retrieved = v[b_idx, topk_indices]                            # gather: [B, S, K, D]
    retrieved = (retrieved * topk_weights[..., None]).sum(axis=2)  # [B, S, D]
    # dropout p=0.0 (eval) is identity
    output = (retrieved @ Wp.T) * RETRIEVAL_WEIGHT
    return output

if __name__ == "__main__":
    import jax
    _d = setup_inputs()
    print(jax.jit(kernel)(*tuple(_d.values())))

</pallas_src>

<mosaic_0001>
#map = affine_map<(d0, d1) -> (0, 0, 0)>
#map1 = affine_map<(d0, d1) -> (0)>
module attributes {stable_mosaic.version = 14 : i64} {
  func.func @_sc_topk_body(%arg0: i32, %arg1: i32, %arg2: memref<1024x32x128xf32, #tpu.memory_space<hbm>>, %arg3: memref<4096xf32, #tpu.memory_space<hbm>>, %arg4: memref<2048x16xf32, #tpu.memory_space<vmem>>, %arg5: memref<16384xi32, #tpu.memory_space<vmem>>, %arg6: memref<4096xi32, #tpu.memory_space<vmem>>, %arg7: memref<128xf32, #tpu.memory_space<vmem>>, %arg8: memref<!tpu.dma_semaphore, #tpu.memory_space<semaphore_mem>>, %arg9: memref<!tpu.dma_semaphore, #tpu.memory_space<semaphore_mem>>) attributes {dimension_semantics = [#tpu.dimension_semantics<core_parallel>, #tpu.dimension_semantics<subcore_parallel>], iteration_bounds = array<i64: 2, 16>, scalar_prefetch = 0 : i64, scratch_operands = 6 : i64, tpu.core_type = #tpu.core_type<sc_vector_subcore>, window_params = [{transform_indices = #map}, {transform_indices = #map1}]} {
    %mul3A = arith.constant 2 : i32
    %mul3A_0 = arith.muli %arg1, %mul3A : i32
    %add3A = arith.addi %mul3A_0, %arg0 : i32
    %iota3A = tpu.iota {dimensions = array<i32: 0>} : vector<16xi32>
    %broadcast_in_dim3A = arith.constant 1 : i32
    %broadcast_in_dim3A_1 = vector.broadcast %broadcast_in_dim3A : i32 to vector<16xi32>
    %broadcast_in_dim3A_2 = arith.constant 0 : i32
    %broadcast_in_dim3A_3 = vector.broadcast %broadcast_in_dim3A_2 : i32 to vector<16xi32>
    %broadcast_in_dim3A_4 = arith.constant 32 : i32
    %broadcast_in_dim3A_5 = vector.broadcast %broadcast_in_dim3A_4 : i32 to vector<16xi32>
    %parallel_loop3A = arith.constant 0 : i32
    %parallel_loop3A_6 = arith.constant 256 : i32
    %parallel_loop3A_7 = arith.constant 1 : i32
    scf.for %parallel_loop3A_63 = %parallel_loop3A to %parallel_loop3A_6 step %parallel_loop3A_7  : i32 {
      %parallel_loop3A_64 = arith.constant 16 : i32
      %parallel_loop3A_65 = arith.muli %parallel_loop3A_63, %parallel_loop3A_64 : i32
      %parallel_loop3A_66 = arith.index_cast %parallel_loop3A_65 : i32 to index
      %parallel_loop3A_67 = tpu.vector_load %arg6[%parallel_loop3A_66] {strides = array<i32>} : memref<4096xi32, #tpu.memory_space<vmem>>, vector<16xi32>,
      tpu.vector_store %arg6[%parallel_loop3A_66], %broadcast_in_dim3A_3 {strides = array<i32>} : memref<4096xi32, #tpu.memory_space<vmem>>, vector<16xi32>,
    } {sc.loop_unroll_factor = 8 : i64, sc.parallel_access}
    %mul3A_8 = arith.constant 8 : i32
    %mul3A_9 = arith.muli %add3A, %mul3A_8 : i32
    %add3A_10 = arith.constant 0 : i32
    %add3A_11 = arith.addi %mul3A_9, %add3A_10 : i32
    %jit3A = arith.constant 8 : i32
    %div3A = arith.divsi %add3A_11, %jit3A : i32
    %sign3A = arith.constant 0 : i32
    %sign3A_12 = arith.cmpi sgt, %add3A_11, %sign3A : i32
    %sign3A_13 = arith.extui %sign3A_12 : i1 to i32
    %sign3A_14 = arith.constant 0 : i32
    %sign3A_15 = arith.cmpi slt, %add3A_11, %sign3A_14 : i32
    %sign3A_16 = arith.extui %sign3A_15 : i1 to i32
    %sign3A_17 = arith.subi %sign3A_13, %sign3A_16 : i32
    %sign3A_18 = arith.constant 0 : i32
    %sign3A_19 = arith.cmpi sgt, %jit3A, %sign3A_18 : i32
    %sign3A_20 = arith.extui %sign3A_19 : i1 to i32
    %sign3A_21 = arith.constant 0 : i32
    %sign3A_22 = arith.cmpi slt, %jit3A, %sign3A_21 : i32
    %sign3A_23 = arith.extui %sign3A_22 : i1 to i32
    %sign3A_24 = arith.subi %sign3A_20, %sign3A_23 : i32
    %ne3A = arith.cmpi ne, %sign3A_17, %sign3A_24 : i32
    %rem3A = arith.remsi %add3A_11, %jit3A : i32
    %ne3A_25 = arith.constant 0 : i32
    %ne3A_26 = arith.cmpi ne, %rem3A, %ne3A_25 : i32
    %and3A = arith.andi %ne3A, %ne3A_26 : i1
    %sub3A = arith.constant 1 : i32
    %sub3A_27 = arith.subi %div3A, %sub3A : i32
    %select_n3A = arith.select %and3A, %sub3A_27, %div3A : i32
    %jit3A_28 = arith.constant 8 : i32
    %eq3A = arith.constant 0 : i32
    %eq3A_29 = arith.cmpi eq, %jit3A_28, %eq3A : i32
    %jit3A_30 = arith.constant 1 : i32
    %select_n3A_31 = arith.select %eq3A_29, %jit3A_30, %jit3A_28 : i32
    %rem3A_32 = arith.remsi %add3A_11, %select_n3A_31 : i32
    %ne3A_33 = arith.constant 0 : i32
    %ne3A_34 = arith.cmpi ne, %rem3A_32, %ne3A_33 : i32
    %lt3A = arith.constant 0 : i32
    %lt3A_35 = arith.cmpi slt, %rem3A_32, %lt3A : i32
    %lt3A_36 = arith.constant 0 : i32
    %lt3A_37 = arith.cmpi slt, %select_n3A_31, %lt3A_36 : i32
    %ne3A_38 = arith.xori %lt3A_35, %lt3A_37 : i1
    %and3A_39 = arith.andi %ne3A_38, %ne3A_34 : i1
    %add3A_40 = arith.addi %rem3A_32, %select_n3A_31 : i32
    %select_n3A_41 = arith.select %and3A_39, %add3A_40, %rem3A_32 : i32
    %mul3A_42 = arith.constant 16 : i32
    %mul3A_43 = arith.muli %select_n3A_41, %mul3A_42 : i32
    %dma_start3A = arith.constant 0 : i32
    %dma_start3A_44 = arith.constant 0 : i32
    %dma_start3A_45 = tpu.memref_slice %arg4[%dma_start3A, %dma_start3A_44] : memref<2048x16xf32, #tpu.memory_space<vmem>> -> memref<1024x16xf32, #tpu.memory_space<vmem>>
    %dma_start3A_46 = arith.constant 0 : i32
    %dma_start3A_47 = tpu.memref_slice %arg2[%dma_start3A_46, %select_n3A, %mul3A_43] : memref<1024x32x128xf32, #tpu.memory_space<hbm>> -> memref<1024x1x16xf32, #tpu.memory_space<hbm>>
    %dma_start3A_48 = tpu.memref_squeeze %dma_start3A_47 : memref<1024x1x16xf32, #tpu.memory_space<hbm>> -> memref<1024x16xf32, #tpu.memory_space<hbm>>
    %dma_start3A_49 = arith.constant 0 : i32
    %dma_start3A_50 = arith.constant 0 : i32
    %dma_start3A_51 = tpu.memref_slice %arg4[%dma_start3A_49, %dma_start3A_50] : memref<2048x16xf32, #tpu.memory_space<vmem>> -> memref<1024x16xf32, #tpu.memory_space<vmem>>
    %dma_start3A_52 = arith.constant 0 : i32
    %dma_start3A_53 = tpu.memref_slice %arg2[%dma_start3A_52, %select_n3A, %mul3A_43] : memref<1024x32x128xf32, #tpu.memory_space<hbm>> -> memref<1024x1x16xf32, #tpu.memory_space<hbm>>
    %dma_start3A_54 = tpu.memref_squeeze %dma_start3A_53 : memref<1024x1x16xf32, #tpu.memory_space<hbm>> -> memref<1024x16xf32, #tpu.memory_space<hbm>>
    tpu.enqueue_dma source(%dma_start3A_54 : memref<1024x16xf32, #tpu.memory_space<hbm>>) target(%dma_start3A_51 : memref<1024x16xf32, #tpu.memory_space<vmem>>) target_semaphore(%arg8 : memref<!tpu.dma_semaphore, #tpu.memory_space<semaphore_mem>>)
    %scan3A = arith.constant 0 : i32
    %scan3A_55 = arith.constant 0 : i32
    %scan3A_56 = arith.constant 8 : i32
    %scan3A_57 = arith.addi %scan3A_55, %scan3A_56 : i32
    %scan3A_58 = arith.constant 1 : i32
    %scan3A_59 = scf.for %scan3A_63 = %scan3A_55 to %scan3A_57 step %scan3A_58 iter_args(%scan3A_64 = %scan3A) -> (i32)  : i32 {
      %jit3A_65 = arith.constant 2 : i32
      %eq3A_66 = arith.constant 0 : i32
      %eq3A_67 = arith.cmpi eq, %jit3A_65, %eq3A_66 : i32
      %jit3A_68 = arith.constant 1 : i32
      %select_n3A_69 = arith.select %eq3A_67, %jit3A_68, %jit3A_65 : i32
      %rem3A_70 = arith.remsi %scan3A_63, %select_n3A_69 : i32
      %ne3A_71 = arith.constant 0 : i32
      %ne3A_72 = arith.cmpi ne, %rem3A_70, %ne3A_71 : i32
      %lt3A_73 = arith.constant 0 : i32
      %lt3A_74 = arith.cmpi slt, %rem3A_70, %lt3A_73 : i32
      %lt3A_75 = arith.constant 0 : i32
      %lt3A_76 = arith.cmpi slt, %select_n3A_69, %lt3A_75 : i32
      %ne3A_77 = arith.xori %lt3A_74, %lt3A_76 : i1
      %and3A_78 = arith.andi %ne3A_77, %ne3A_72 : i1
      %add3A_79 = arith.addi %rem3A_70, %select_n3A_69 : i32
      %select_n3A_80 = arith.select %and3A_78, %add3A_79, %rem3A_70 : i32
      %eq3A_81 = arith.constant 0 : i32
      %eq3A_82 = arith.cmpi eq, %select_n3A_80, %eq3A_81 : i32
      %convert_element_type3A = arith.extui %eq3A_82 : i1 to i32
      %cond3A = arith.constant 0 : i32
      %cond3A_83 = arith.cmpi ne, %convert_element_type3A, %cond3A : i32
      scf.if %cond3A_83 {
        %dma_wait3A = arith.constant 0 : i32
        %dma_wait3A_281 = arith.constant 0 : i32
        %dma_wait3A_282 = arith.constant 0 : i32
        %dma_wait3A_283 = tpu.memref_slice %arg4[%dma_wait3A_281, %dma_wait3A_282] : memref<2048x16xf32, #tpu.memory_space<vmem>> -> memref<1024x16xf32, #tpu.memory_space<vmem>>
        %dma_wait3A_284 = arith.constant 0 : i32
        %dma_wait3A_285 = arith.constant 0 : i32
        %dma_wait3A_286 = tpu.memref_slice %arg2[%dma_wait3A_284, %dma_wait3A, %dma_wait3A_285] : memref<1024x32x128xf32, #tpu.memory_space<hbm>> -> memref<1024x1x16xf32, #tpu.memory_space<hbm>>
        %dma_wait3A_287 = tpu.memref_squeeze %dma_wait3A_286 : memref<1024x1x16xf32, #tpu.memory_space<hbm>> -> memref<1024x16xf32, #tpu.memory_space<hbm>>
        %dma_wait3A_288 = arith.constant 0 : i32
        %dma_wait3A_289 = arith.constant 0 : i32
        %dma_wait3A_290 = tpu.memref_slice %arg4[%dma_wait3A_288, %dma_wait3A_289] : memref<2048x16xf32, #tpu.memory_space<vmem>> -> memref<1024x16xf32, #tpu.memory_space<vmem>>
        %dma_wait3A_291 = arith.constant 0 : i32
        %dma_wait3A_292 = arith.constant 0 : i32
        %dma_wait3A_293 = tpu.memref_slice %arg2[%dma_wait3A_291, %dma_wait3A, %dma_wait3A_292] : memref<1024x32x128xf32, #tpu.memory_space<hbm>> -> memref<1024x1x16xf32, #tpu.memory_space<hbm>>
        %dma_wait3A_294 = tpu.memref_squeeze %dma_wait3A_293 : memref<1024x1x16xf32, #tpu.memory_space<hbm>> -> memref<1024x16xf32, #tpu.memory_space<hbm>>
        tpu.wait_dma2 semaphore(%arg8 : memref<!tpu.dma_semaphore, #tpu.memory_space<semaphore_mem>>) src(%dma_wait3A_294 : memref<1024x16xf32, #tpu.memory_space<hbm>>) dst(%dma_wait3A_290 : memref<1024x16xf32, #tpu.memory_space<vmem>>)
      } else {
      }
      %jit3A_84 = arith.constant 2 : i32
      %eq3A_85 = arith.constant 0 : i32
      %eq3A_86 = arith.cmpi eq, %jit3A_84, %eq3A_85 : i32
      %jit3A_87 = arith.constant 1 : i32
      %select_n3A_88 = arith.select %eq3A_86, %jit3A_87, %jit3A_84 : i32
      %rem3A_89 = arith.remsi %scan3A_63, %select_n3A_88 : i32
      %ne3A_90 = arith.constant 0 : i32
      %ne3A_91 = arith.cmpi ne, %rem3A_89, %ne3A_90 : i32
      %lt3A_92 = arith.constant 0 : i32
      %lt3A_93 = arith.cmpi slt, %rem3A_89, %lt3A_92 : i32
      %lt3A_94 = arith.constant 0 : i32
      %lt3A_95 = arith.cmpi slt, %select_n3A_88, %lt3A_94 : i32
      %ne3A_96 = arith.xori %lt3A_93, %lt3A_95 : i1
      %and3A_97 = arith.andi %ne3A_96, %ne3A_91 : i1
      %add3A_98 = arith.addi %rem3A_89, %select_n3A_88 : i32
      %select_n3A_99 = arith.select %and3A_97, %add3A_98, %rem3A_89 : i32
      %eq3A_100 = arith.constant 1 : i32
      %eq3A_101 = arith.cmpi eq, %select_n3A_99, %eq3A_100 : i32
      %convert_element_type3A_102 = arith.extui %eq3A_101 : i1 to i32
      %cond3A_103 = arith.constant 0 : i32
      %cond3A_104 = arith.cmpi ne, %convert_element_type3A_102, %cond3A_103 : i32
      scf.if %cond3A_104 {
        %dma_wait3A = arith.constant 0 : i32
        %dma_wait3A_281 = arith.constant 0 : i32
        %dma_wait3A_282 = arith.constant 0 : i32
        %dma_wait3A_283 = tpu.memref_slice %arg4[%dma_wait3A_281, %dma_wait3A_282] : memref<2048x16xf32, #tpu.memory_space<vmem>> -> memref<1024x16xf32, #tpu.memory_space<vmem>>
        %dma_wait3A_284 = arith.constant 0 : i32
        %dma_wait3A_285 = arith.constant 0 : i32
        %dma_wait3A_286 = tpu.memref_slice %arg2[%dma_wait3A_284, %dma_wait3A, %dma_wait3A_285] : memref<1024x32x128xf32, #tpu.memory_space<hbm>> -> memref<1024x1x16xf32, #tpu.memory_space<hbm>>
        %dma_wait3A_287 = tpu.memref_squeeze %dma_wait3A_286 : memref<1024x1x16xf32, #tpu.memory_space<hbm>> -> memref<1024x16xf32, #tpu.memory_space<hbm>>
        %dma_wait3A_288 = arith.constant 0 : i32
        %dma_wait3A_289 = arith.constant 0 : i32
        %dma_wait3A_290 = tpu.memref_slice %arg4[%dma_wait3A_288, %dma_wait3A_289] : memref<2048x16xf32, #tpu.memory_space<vmem>> -> memref<1024x16xf32, #tpu.memory_space<vmem>>
        %dma_wait3A_291 = arith.constant 0 : i32
        %dma_wait3A_292 = arith.constant 0 : i32
        %dma_wait3A_293 = tpu.memref_slice %arg2[%dma_wait3A_291, %dma_wait3A, %dma_wait3A_292] : memref<1024x32x128xf32, #tpu.memory_space<hbm>> -> memref<1024x1x16xf32, #tpu.memory_space<hbm>>
        %dma_wait3A_294 = tpu.memref_squeeze %dma_wait3A_293 : memref<1024x1x16xf32, #tpu.memory_space<hbm>> -> memref<1024x16xf32, #tpu.memory_space<hbm>>
        tpu.wait_dma2 semaphore(%arg9 : memref<!tpu.dma_semaphore, #tpu.memory_space<semaphore_mem>>) src(%dma_wait3A_294 : memref<1024x16xf32, #tpu.memory_space<hbm>>) dst(%dma_wait3A_290 : memref<1024x16xf32, #tpu.memory_space<vmem>>)
      } else {
      }
      %add3A_105 = arith.constant 1 : i32
      %add3A_106 = arith.addi %scan3A_63, %add3A_105 : i32
      %lt3A_107 = arith.constant 8 : i32
      %lt3A_108 = arith.cmpi slt, %add3A_106, %lt3A_107 : i32
      %add3A_109 = arith.constant 1 : i32
      %add3A_110 = arith.addi %scan3A_63, %add3A_109 : i32
      %jit3A_111 = arith.constant 2 : i32
      %eq3A_112 = arith.constant 0 : i32
      %eq3A_113 = arith.cmpi eq, %jit3A_111, %eq3A_112 : i32
      %jit3A_114 = arith.constant 1 : i32
      %select_n3A_115 = arith.select %eq3A_113, %jit3A_114, %jit3A_111 : i32
      %rem3A_116 = arith.remsi %add3A_110, %select_n3A_115 : i32
      %ne3A_117 = arith.constant 0 : i32
      %ne3A_118 = arith.cmpi ne, %rem3A_116, %ne3A_117 : i32
      %lt3A_119 = arith.constant 0 : i32
      %lt3A_120 = arith.cmpi slt, %rem3A_116, %lt3A_119 : i32
      %lt3A_121 = arith.constant 0 : i32
      %lt3A_122 = arith.cmpi slt, %select_n3A_115, %lt3A_121 : i32
      %ne3A_123 = arith.xori %lt3A_120, %lt3A_122 : i1
      %and3A_124 = arith.andi %ne3A_123, %ne3A_118 : i1
      %add3A_125 = arith.addi %rem3A_116, %select_n3A_115 : i32
      %select_n3A_126 = arith.select %and3A_124, %add3A_125, %rem3A_116 : i32
      %eq3A_127 = arith.constant 0 : i32
      %eq3A_128 = arith.cmpi eq, %select_n3A_126, %eq3A_127 : i32
      %and3A_129 = arith.andi %lt3A_108, %eq3A_128 : i1
      %convert_element_type3A_130 = arith.extui %and3A_129 : i1 to i32
      %cond3A_131 = arith.constant 0 : i32
      %cond3A_132 = arith.cmpi ne, %convert_element_type3A_130, %cond3A_131 : i32
      scf.if %cond3A_132 {
        %add3A_281 = arith.constant 1 : i32
        %add3A_282 = arith.addi %scan3A_63, %add3A_281 : i32
        %mul3A_283 = arith.constant 8 : i32
        %mul3A_284 = arith.muli %add3A, %mul3A_283 : i32
        %add3A_285 = arith.addi %mul3A_284, %add3A_282 : i32
        %jit3A_286 = arith.constant 2 : i32
        %eq3A_287 = arith.constant 0 : i32
        %eq3A_288 = arith.cmpi eq, %jit3A_286, %eq3A_287 : i32
        %jit3A_289 = arith.constant 1 : i32
        %select_n3A_290 = arith.select %eq3A_288, %jit3A_289, %jit3A_286 : i32
        %rem3A_291 = arith.remsi %add3A_282, %select_n3A_290 : i32
        %ne3A_292 = arith.constant 0 : i32
        %ne3A_293 = arith.cmpi ne, %rem3A_291, %ne3A_292 : i32
        %lt3A_294 = arith.constant 0 : i32
        %lt3A_295 = arith.cmpi slt, %rem3A_291, %lt3A_294 : i32
        %lt3A_296 = arith.constant 0 : i32
        %lt3A_297 = arith.cmpi slt, %select_n3A_290, %lt3A_296 : i32
        %ne3A_298 = arith.xori %lt3A_295, %lt3A_297 : i1
        %and3A_299 = arith.andi %ne3A_298, %ne3A_293 : i1
        %add3A_300 = arith.addi %rem3A_291, %select_n3A_290 : i32
        %select_n3A_301 = arith.select %and3A_299, %add3A_300, %rem3A_291 : i32
        %mul3A_302 = arith.constant 1024 : i32
        %mul3A_303 = arith.muli %select_n3A_301, %mul3A_302 : i32
        %jit3A_304 = arith.constant 8 : i32
        %div3A_305 = arith.divsi %add3A_285, %jit3A_304 : i32
        %sign3A_306 = arith.constant 0 : i32
        %sign3A_307 = arith.cmpi sgt, %add3A_285, %sign3A_306 : i32
        %sign3A_308 = arith.extui %sign3A_307 : i1 to i32
        %sign3A_309 = arith.constant 0 : i32
        %sign3A_310 = arith.cmpi slt, %add3A_285, %sign3A_309 : i32
        %sign3A_311 = arith.extui %sign3A_310 : i1 to i32
        %sign3A_312 = arith.subi %sign3A_308, %sign3A_311 : i32
        %sign3A_313 = arith.constant 0 : i32
        %sign3A_314 = arith.cmpi sgt, %jit3A_304, %sign3A_313 : i32
        %sign3A_315 = arith.extui %sign3A_314 : i1 to i32
        %sign3A_316 = arith.constant 0 : i32
        %sign3A_317 = arith.cmpi slt, %jit3A_304, %sign3A_316 : i32
        %sign3A_318 = arith.extui %sign3A_317 : i1 to i32
        %sign3A_319 = arith.subi %sign3A_315, %sign3A_318 : i32
        %ne3A_320 = arith.cmpi ne, %sign3A_312, %sign3A_319 : i32
        %rem3A_321 = arith.remsi %add3A_285, %jit3A_304 : i32
        %ne3A_322 = arith.constant 0 : i32
        %ne3A_323 = arith.cmpi ne, %rem3A_321, %ne3A_322 : i32
        %and3A_324 = arith.andi %ne3A_320, %ne3A_323 : i1
        %sub3A_325 = arith.constant 1 : i32
        %sub3A_326 = arith.subi %div3A_305, %sub3A_325 : i32
        %select_n3A_327 = arith.select %and3A_324, %sub3A_326, %div3A_305 : i32
        %jit3A_328 = arith.constant 8 : i32
        %eq3A_329 = arith.constant 0 : i32
        %eq3A_330 = arith.cmpi eq, %jit3A_328, %eq3A_329 : i32
        %jit3A_331 = arith.constant 1 : i32
        %select_n3A_332 = arith.select %eq3A_330, %jit3A_331, %jit3A_328 : i32
        %rem3A_333 = arith.remsi %add3A_285, %select_n3A_332 : i32
        %ne3A_334 = arith.constant 0 : i32
        %ne3A_335 = arith.cmpi ne, %rem3A_333, %ne3A_334 : i32
        %lt3A_336 = arith.constant 0 : i32
        %lt3A_337 = arith.cmpi slt, %rem3A_333, %lt3A_336 : i32
        %lt3A_338 = arith.constant 0 : i32
        %lt3A_339 = arith.cmpi slt, %select_n3A_332, %lt3A_338 : i32
        %ne3A_340 = arith.xori %lt3A_337, %lt3A_339 : i1
        %and3A_341 = arith.andi %ne3A_340, %ne3A_335 : i1
        %add3A_342 = arith.addi %rem3A_333, %select_n3A_332 : i32
        %select_n3A_343 = arith.select %and3A_341, %add3A_342, %rem3A_333 : i32
        %mul3A_344 = arith.constant 16 : i32
        %mul3A_345 = arith.muli %select_n3A_343, %mul3A_344 : i32
        %dma_start3A_346 = arith.constant 0 : i32
        %dma_start3A_347 = tpu.memref_slice %arg4[%mul3A_303, %dma_start3A_346] : memref<2048x16xf32, #tpu.memory_space<vmem>> -> memref<1024x16xf32, #tpu.memory_space<vmem>>
        %dma_start3A_348 = arith.constant 0 : i32
        %dma_start3A_349 = tpu.memref_slice %arg2[%dma_start3A_348, %select_n3A_327, %mul3A_345] : memref<1024x32x128xf32, #tpu.memory_space<hbm>> -> memref<1024x1x16xf32, #tpu.memory_space<hbm>>
        %dma_start3A_350 = tpu.memref_squeeze %dma_start3A_349 : memref<1024x1x16xf32, #tpu.memory_space<hbm>> -> memref<1024x16xf32, #tpu.memory_space<hbm>>
        %dma_start3A_351 = arith.constant 0 : i32
        %dma_start3A_352 = tpu.memref_slice %arg4[%mul3A_303, %dma_start3A_351] : memref<2048x16xf32, #tpu.memory_space<vmem>> -> memref<1024x16xf32, #tpu.memory_space<vmem>>
        %dma_start3A_353 = arith.constant 0 : i32
        %dma_start3A_354 = tpu.memref_slice %arg2[%dma_start3A_353, %select_n3A_327, %mul3A_345] : memref<1024x32x128xf32, #tpu.memory_space<hbm>> -> memref<1024x1x16xf32, #tpu.memory_space<hbm>>
        %dma_start3A_355 = tpu.memref_squeeze %dma_start3A_354 : memref<1024x1x16xf32, #tpu.memory_space<hbm>> -> memref<1024x16xf32, #tpu.memory_space<hbm>>
        tpu.enqueue_dma source(%dma_start3A_355 : memref<1024x16xf32, #tpu.memory_space<hbm>>) target(%dma_start3A_352 : memref<1024x16xf32, #tpu.memory_space<vmem>>) target_semaphore(%arg8 : memref<!tpu.dma_semaphore, #tpu.memory_space<semaphore_mem>>)
      } else {
      }
      %add3A_133 = arith.constant 1 : i32
      %add3A_134 = arith.addi %scan3A_63, %add3A_133 : i32
      %lt3A_135 = arith.constant 8 : i32
      %lt3A_136 = arith.cmpi slt, %add3A_134, %lt3A_135 : i32
      %add3A_137 = arith.constant 1 : i32
      %add3A_138 = arith.addi %scan3A_63, %add3A_137 : i32
      %jit3A_139 = arith.constant 2 : i32
      %eq3A_140 = arith.constant 0 : i32
      %eq3A_141 = arith.cmpi eq, %jit3A_139, %eq3A_140 : i32
      %jit3A_142 = arith.constant 1 : i32
      %select_n3A_143 = arith.select %eq3A_141, %jit3A_142, %jit3A_139 : i32
      %rem3A_144 = arith.remsi %add3A_138, %select_n3A_143 : i32
      %ne3A_145 = arith.constant 0 : i32
      %ne3A_146 = arith.cmpi ne, %rem3A_144, %ne3A_145 : i32
      %lt3A_147 = arith.constant 0 : i32
      %lt3A_148 = arith.cmpi slt, %rem3A_144, %lt3A_147 : i32
      %lt3A_149 = arith.constant 0 : i32
      %lt3A_150 = arith.cmpi slt, %select_n3A_143, %lt3A_149 : i32
      %ne3A_151 = arith.xori %lt3A_148, %lt3A_150 : i1
      %and3A_152 = arith.andi %ne3A_151, %ne3A_146 : i1
      %add3A_153 = arith.addi %rem3A_144, %select_n3A_143 : i32
      %select_n3A_154 = arith.select %and3A_152, %add3A_153, %rem3A_144 : i32
      %eq3A_155 = arith.constant 1 : i32
      %eq3A_156 = arith.cmpi eq, %select_n3A_154, %eq3A_155 : i32
      %and3A_157 = arith.andi %lt3A_136, %eq3A_156 : i1
      %convert_element_type3A_158 = arith.extui %and3A_157 : i1 to i32
      %cond3A_159 = arith.constant 0 : i32
      %cond3A_160 = arith.cmpi ne, %convert_element_type3A_158, %cond3A_159 : i32
      scf.if %cond3A_160 {
        %add3A_281 = arith.constant 1 : i32
        %add3A_282 = arith.addi %scan3A_63, %add3A_281 : i32
        %mul3A_283 = arith.constant 8 : i32
        %mul3A_284 = arith.muli %add3A, %mul3A_283 : i32
        %add3A_285 = arith.addi %mul3A_284, %add3A_282 : i32
        %jit3A_286 = arith.constant 2 : i32
        %eq3A_287 = arith.constant 0 : i32
        %eq3A_288 = arith.cmpi eq, %jit3A_286, %eq3A_287 : i32
        %jit3A_289 = arith.constant 1 : i32
        %select_n3A_290 = arith.select %eq3A_288, %jit3A_289, %jit3A_286 : i32
        %rem3A_291 = arith.remsi %add3A_282, %select_n3A_290 : i32
        %ne3A_292 = arith.constant 0 : i32
        %ne3A_293 = arith.cmpi ne, %rem3A_291, %ne3A_292 : i32
        %lt3A_294 = arith.constant 0 : i32
        %lt3A_295 = arith.cmpi slt, %rem3A_291, %lt3A_294 : i32
        %lt3A_296 = arith.constant 0 : i32
        %lt3A_297 = arith.cmpi slt, %select_n3A_290, %lt3A_296 : i32
        %ne3A_298 = arith.xori %lt3A_295, %lt3A_297 : i1
        %and3A_299 = arith.andi %ne3A_298, %ne3A_293 : i1
        %add3A_300 = arith.addi %rem3A_291, %select_n3A_290 : i32
        %select_n3A_301 = arith.select %and3A_299, %add3A_300, %rem3A_291 : i32
        %mul3A_302 = arith.constant 1024 : i32
        %mul3A_303 = arith.muli %select_n3A_301, %mul3A_302 : i32
        %jit3A_304 = arith.constant 8 : i32
        %div3A_305 = arith.divsi %add3A_285, %jit3A_304 : i32
        %sign3A_306 = arith.constant 0 : i32
        %sign3A_307 = arith.cmpi sgt, %add3A_285, %sign3A_306 : i32
        %sign3A_308 = arith.extui %sign3A_307 : i1 to i32
        %sign3A_309 = arith.constant 0 : i32
        %sign3A_310 = arith.cmpi slt, %add3A_285, %sign3A_309 : i32
        %sign3A_311 = arith.extui %sign3A_310 : i1 to i32
        %sign3A_312 = arith.subi %sign3A_308, %sign3A_311 : i32
        %sign3A_313 = arith.constant 0 : i32
        %sign3A_314 = arith.cmpi sgt, %jit3A_304, %sign3A_313 : i32
        %sign3A_315 = arith.extui %sign3A_314 : i1 to i32
        %sign3A_316 = arith.constant 0 : i32
        %sign3A_317 = arith.cmpi slt, %jit3A_304, %sign3A_316 : i32
        %sign3A_318 = arith.extui %sign3A_317 : i1 to i32
        %sign3A_319 = arith.subi %sign3A_315, %sign3A_318 : i32
        %ne3A_320 = arith.cmpi ne, %sign3A_312, %sign3A_319 : i32
        %rem3A_321 = arith.remsi %add3A_285, %jit3A_304 : i32
        %ne3A_322 = arith.constant 0 : i32
        %ne3A_323 = arith.cmpi ne, %rem3A_321, %ne3A_322 : i32
        %and3A_324 = arith.andi %ne3A_320, %ne3A_323 : i1
        %sub3A_325 = arith.constant 1 : i32
        %sub3A_326 = arith.subi %div3A_305, %sub3A_325 : i32
        %select_n3A_327 = arith.select %and3A_324, %sub3A_326, %div3A_305 : i32
        %jit3A_328 = arith.constant 8 : i32
        %eq3A_329 = arith.constant 0 : i32
        %eq3A_330 = arith.cmpi eq, %jit3A_328, %eq3A_329 : i32
        %jit3A_331 = arith.constant 1 : i32
        %select_n3A_332 = arith.select %eq3A_330, %jit3A_331, %jit3A_328 : i32
        %rem3A_333 = arith.remsi %add3A_285, %select_n3A_332 : i32
        %ne3A_334 = arith.constant 0 : i32
        %ne3A_335 = arith.cmpi ne, %rem3A_333, %ne3A_334 : i32
        %lt3A_336 = arith.constant 0 : i32
        %lt3A_337 = arith.cmpi slt, %rem3A_333, %lt3A_336 : i32
        %lt3A_338 = arith.constant 0 : i32
        %lt3A_339 = arith.cmpi slt, %select_n3A_332, %lt3A_338 : i32
        %ne3A_340 = arith.xori %lt3A_337, %lt3A_339 : i1
        %and3A_341 = arith.andi %ne3A_340, %ne3A_335 : i1
        %add3A_342 = arith.addi %rem3A_333, %select_n3A_332 : i32
        %select_n3A_343 = arith.select %and3A_341, %add3A_342, %rem3A_333 : i32
        %mul3A_344 = arith.constant 16 : i32
        %mul3A_345 = arith.muli %select_n3A_343, %mul3A_344 : i32
        %dma_start3A_346 = arith.constant 0 : i32
        %dma_start3A_347 = tpu.memref_slice %arg4[%mul3A_303, %dma_start3A_346] : memref<2048x16xf32, #tpu.memory_space<vmem>> -> memref<1024x16xf32, #tpu.memory_space<vmem>>
        %dma_start3A_348 = arith.constant 0 : i32
        %dma_start3A_349 = tpu.memref_slice %arg2[%dma_start3A_348, %select_n3A_327, %mul3A_345] : memref<1024x32x128xf32, #tpu.memory_space<hbm>> -> memref<1024x1x16xf32, #tpu.memory_space<hbm>>
        %dma_start3A_350 = tpu.memref_squeeze %dma_start3A_349 : memref<1024x1x16xf32, #tpu.memory_space<hbm>> -> memref<1024x16xf32, #tpu.memory_space<hbm>>
        %dma_start3A_351 = arith.constant 0 : i32
        %dma_start3A_352 = tpu.memref_slice %arg4[%mul3A_303, %dma_start3A_351] : memref<2048x16xf32, #tpu.memory_space<vmem>> -> memref<1024x16xf32, #tpu.memory_space<vmem>>
        %dma_start3A_353 = arith.constant 0 : i32
        %dma_start3A_354 = tpu.memref_slice %arg2[%dma_start3A_353, %select_n3A_327, %mul3A_345] : memref<1024x32x128xf32, #tpu.memory_space<hbm>> -> memref<1024x1x16xf32, #tpu.memory_space<hbm>>
        %dma_start3A_355 = tpu.memref_squeeze %dma_start3A_354 : memref<1024x1x16xf32, #tpu.memory_space<hbm>> -> memref<1024x16xf32, #tpu.memory_space<hbm>>
        tpu.enqueue_dma source(%dma_start3A_355 : memref<1024x16xf32, #tpu.memory_space<hbm>>) target(%dma_start3A_352 : memref<1024x16xf32, #tpu.memory_space<vmem>>) target_semaphore(%arg9 : memref<!tpu.dma_semaphore, #tpu.memory_space<semaphore_mem>>)
      } else {
      }
      %jit3A_161 = arith.constant 2 : i32
      %eq3A_162 = arith.constant 0 : i32
      %eq3A_163 = arith.cmpi eq, %jit3A_161, %eq3A_162 : i32
      %jit3A_164 = arith.constant 1 : i32
      %select_n3A_165 = arith.select %eq3A_163, %jit3A_164, %jit3A_161 : i32
      %rem3A_166 = arith.remsi %scan3A_63, %select_n3A_165 : i32
      %ne3A_167 = arith.constant 0 : i32
      %ne3A_168 = arith.cmpi ne, %rem3A_166, %ne3A_167 : i32
      %lt3A_169 = arith.constant 0 : i32
      %lt3A_170 = arith.cmpi slt, %rem3A_166, %lt3A_169 : i32
      %lt3A_171 = arith.constant 0 : i32
      %lt3A_172 = arith.cmpi slt, %select_n3A_165, %lt3A_171 : i32
      %ne3A_173 = arith.xori %lt3A_170, %lt3A_172 : i1
      %and3A_174 = arith.andi %ne3A_173, %ne3A_168 : i1
      %add3A_175 = arith.addi %rem3A_166, %select_n3A_165 : i32
      %select_n3A_176 = arith.select %and3A_174, %add3A_175, %rem3A_166 : i32
      %mul3A_177 = arith.constant 1024 : i32
      %mul3A_178 = arith.muli %select_n3A_176, %mul3A_177 : i32
      %parallel_loop3A_179 = arith.constant 0 : i32
      %parallel_loop3A_180 = arith.constant 1024 : i32
      %parallel_loop3A_181 = arith.constant 1 : i32
      scf.for %parallel_loop3A_281 = %parallel_loop3A_179 to %parallel_loop3A_180 step %parallel_loop3A_181  : i32 {
        %parallel_loop3A_282 = arith.addi %mul3A_178, %parallel_loop3A_281 : i32
        %parallel_loop3A_283 = arith.index_cast %parallel_loop3A_282 : i32 to index
        %parallel_loop3A_284 = arith.constant 0 : index
        %parallel_loop3A_285 = tpu.vector_load %arg4[%parallel_loop3A_283, %parallel_loop3A_284] {strides = array<i32>} : memref<2048x16xf32, #tpu.memory_space<vmem>>, vector<16xf32>,
        %parallel_loop3A_286 = vector.bitcast %parallel_loop3A_285 : vector<16xf32> to vector<16xi32>
        %parallel_loop3A_287 = arith.constant 31 : i32
        %parallel_loop3A_288 = vector.broadcast %parallel_loop3A_287 : i32 to vector<16xi32>
        %parallel_loop3A_289 = arith.shrsi %parallel_loop3A_286, %parallel_loop3A_288 : vector<16xi32>
        %parallel_loop3A_290 = arith.constant -2147483648 : i32
        %parallel_loop3A_291 = vector.broadcast %parallel_loop3A_290 : i32 to vector<16xi32>
        %parallel_loop3A_292 = arith.ori %parallel_loop3A_289, %parallel_loop3A_291 : vector<16xi32>
        %parallel_loop3A_293 = arith.xori %parallel_loop3A_286, %parallel_loop3A_292 : vector<16xi32>
        %parallel_loop3A_294 = vector.bitcast %parallel_loop3A_293 : vector<16xi32> to vector<16xi32>
        %parallel_loop3A_295 = arith.constant 24 : i32
        %parallel_loop3A_296 = vector.broadcast %parallel_loop3A_295 : i32 to vector<16xi32>
        %parallel_loop3A_297 = arith.shrui %parallel_loop3A_294, %parallel_loop3A_296 : vector<16xi32>
        %parallel_loop3A_298 = vector.bitcast %parallel_loop3A_297 : vector<16xi32> to vector<16xi32>
        %parallel_loop3A_299 = arith.constant 16 : i32
        %parallel_loop3A_300 = vector.broadcast %parallel_loop3A_299 : i32 to vector<16xi32>
        %parallel_loop3A_301 = arith.muli %parallel_loop3A_298, %parallel_loop3A_300 : vector<16xi32>
        %parallel_loop3A_302 = arith.addi %parallel_loop3A_301, %iota3A : vector<16xi32>
        tpu.vector_store_idx %arg6[%parallel_loop3A_302], %broadcast_in_dim3A_1 {add = true} : memref<4096xi32, #tpu.memory_space<vmem>>[vector<16xi32>], vector<16xi32>,
      } {sc.loop_unroll_factor = 8 : i64, sc.parallel_access}
      %parallel_loop3A_182 = arith.constant 0 : i32
      %parallel_loop3A_183 = arith.constant 256 : i32
      %parallel_loop3A_184 = arith.constant 1 : i32
      %parallel_loop3A_185:4 = scf.for %parallel_loop3A_281 = %parallel_loop3A_182 to %parallel_loop3A_183 step %parallel_loop3A_184 iter_args(%parallel_loop3A_282 = %broadcast_in_dim3A_3, %parallel_loop3A_283 = %broadcast_in_dim3A_3, %parallel_loop3A_284 = %broadcast_in_dim3A_3, %parallel_loop3A_285 = %broadcast_in_dim3A_3) -> (vector<16xi32>, vector<16xi32>, vector<16xi32>, vector<16xi32>)  : i32 {
        %parallel_loop3A_286 = arith.constant 255 : i32
        %parallel_loop3A_287 = arith.subi %parallel_loop3A_286, %parallel_loop3A_281 : i32
        %parallel_loop3A_288 = arith.constant 16 : i32
        %parallel_loop3A_289 = arith.muli %parallel_loop3A_287, %parallel_loop3A_288 : i32
        %parallel_loop3A_290 = arith.index_cast %parallel_loop3A_289 : i32 to index
        %parallel_loop3A_291 = tpu.vector_load %arg6[%parallel_loop3A_290] {strides = array<i32>} : memref<4096xi32, #tpu.memory_space<vmem>>, vector<16xi32>,
        %parallel_loop3A_292 = arith.constant 16 : i32
        %parallel_loop3A_293 = arith.muli %parallel_loop3A_287, %parallel_loop3A_292 : i32
        %parallel_loop3A_294 = arith.index_cast %parallel_loop3A_293 : i32 to index
        %parallel_loop3A_295 = tpu.vector_load %arg6[%parallel_loop3A_294] {strides = array<i32>} : memref<4096xi32, #tpu.memory_space<vmem>>, vector<16xi32>,
        tpu.vector_store %arg6[%parallel_loop3A_294], %broadcast_in_dim3A_3 {strides = array<i32>} : memref<4096xi32, #tpu.memory_space<vmem>>, vector<16xi32>,
        %parallel_loop3A_296 = arith.addi %parallel_loop3A_282, %parallel_loop3A_291 : vector<16xi32>
        %parallel_loop3A_297 = arith.constant 0 : i32
        %parallel_loop3A_298 = vector.broadcast %parallel_loop3A_297 : i32 to vector<16xi32>
        %parallel_loop3A_299 = arith.cmpi eq, %parallel_loop3A_283, %parallel_loop3A_298 : vector<16xi32>
        %parallel_loop3A_300 = arith.cmpi sge, %parallel_loop3A_296, %broadcast_in_dim3A_5 : vector<16xi32>
        %parallel_loop3A_301 = arith.andi %parallel_loop3A_299, %parallel_loop3A_300 : vector<16xi1>
        %parallel_loop3A_302 = vector.broadcast %parallel_loop3A_287 : i32 to vector<16xi32>
        %parallel_loop3A_303 = arith.select %parallel_loop3A_301, %parallel_loop3A_302, %parallel_loop3A_284 : vector<16xi1>, vector<16xi32>
        %parallel_loop3A_304 = arith.subi %broadcast_in_dim3A_5, %parallel_loop3A_282 : vector<16xi32>
        %parallel_loop3A_305 = arith.select %parallel_loop3A_301, %parallel_loop3A_304, %parallel_loop3A_285 : vector<16xi1>, vector<16xi32>
        %parallel_loop3A_306 = arith.constant 1 : i32
        %parallel_loop3A_307 = vector.broadcast %parallel_loop3A_306 : i32 to vector<16xi32>
        %parallel_loop3A_308 = arith.select %parallel_loop3A_301, %parallel_loop3A_307, %parallel_loop3A_283 : vector<16xi1>, vector<16xi32>
        scf.yield %parallel_loop3A_296, %parallel_loop3A_308, %parallel_loop3A_303, %parallel_loop3A_305 : vector<16xi32>, vector<16xi32>, vector<16xi32>, vector<16xi32>
      } {sc.loop_unroll_factor = 8 : i64, sc.parallel_access}
      %parallel_loop3A_186 = arith.constant 0 : i32
      %parallel_loop3A_187 = arith.constant 1024 : i32
      %parallel_loop3A_188 = arith.constant 1 : i32
      %parallel_loop3A_189 = scf.for %parallel_loop3A_281 = %parallel_loop3A_186 to %parallel_loop3A_187 step %parallel_loop3A_188 iter_args(%parallel_loop3A_282 = %broadcast_in_dim3A_3) -> (vector<16xi32>)  : i32 {
        %parallel_loop3A_283 = arith.addi %mul3A_178, %parallel_loop3A_281 : i32
        %parallel_loop3A_284 = arith.index_cast %parallel_loop3A_283 : i32 to index
        %parallel_loop3A_285 = arith.constant 0 : index
        %parallel_loop3A_286 = tpu.vector_load %arg4[%parallel_loop3A_284, %parallel_loop3A_285] {strides = array<i32>} : memref<2048x16xf32, #tpu.memory_space<vmem>>, vector<16xf32>,
        %parallel_loop3A_287 = vector.bitcast %parallel_loop3A_286 : vector<16xf32> to vector<16xi32>
        %parallel_loop3A_288 = arith.constant 31 : i32
        %parallel_loop3A_289 = vector.broadcast %parallel_loop3A_288 : i32 to vector<16xi32>
        %parallel_loop3A_290 = arith.shrsi %parallel_loop3A_287, %parallel_loop3A_289 : vector<16xi32>
        %parallel_loop3A_291 = arith.constant -2147483648 : i32
        %parallel_loop3A_292 = vector.broadcast %parallel_loop3A_291 : i32 to vector<16xi32>
        %parallel_loop3A_293 = arith.ori %parallel_loop3A_290, %parallel_loop3A_292 : vector<16xi32>
        %parallel_loop3A_294 = arith.xori %parallel_loop3A_287, %parallel_loop3A_293 : vector<16xi32>
        %parallel_loop3A_295 = vector.bitcast %parallel_loop3A_294 : vector<16xi32> to vector<16xi32>
        %parallel_loop3A_296 = arith.constant 24 : i32
        %parallel_loop3A_297 = vector.broadcast %parallel_loop3A_296 : i32 to vector<16xi32>
        %parallel_loop3A_298 = arith.shrui %parallel_loop3A_295, %parallel_loop3A_297 : vector<16xi32>
        %parallel_loop3A_299 = vector.bitcast %parallel_loop3A_298 : vector<16xi32> to vector<16xi32>
        %parallel_loop3A_300 = arith.cmpi eq, %parallel_loop3A_299, %parallel_loop3A_185#2 : vector<16xi32>
        %parallel_loop3A_301 = arith.constant 16 : i32
        %parallel_loop3A_302 = vector.broadcast %parallel_loop3A_301 : i32 to vector<16xi32>
        %parallel_loop3A_303 = arith.muli %parallel_loop3A_282, %parallel_loop3A_302 : vector<16xi32>
        %parallel_loop3A_304 = arith.addi %parallel_loop3A_303, %iota3A : vector<16xi32>
        %parallel_loop3A_305 = vector.bitcast %parallel_loop3A_295 : vector<16xi32> to vector<16xi32>
        tpu.vector_store_idx %arg5[%parallel_loop3A_304], %parallel_loop3A_305 masked %parallel_loop3A_300 : memref<16384xi32, #tpu.memory_space<vmem>>[vector<16xi32>], vector<16xi32>, vector<16xi1>
        %parallel_loop3A_306 = arith.constant 1 : i32
        %parallel_loop3A_307 = arith.constant 0 : i32
        %parallel_loop3A_308 = vector.broadcast %parallel_loop3A_306 : i32 to vector<16xi32>
        %parallel_loop3A_309 = vector.broadcast %parallel_loop3A_307 : i32 to vector<16xi32>
        %parallel_loop3A_310 = arith.select %parallel_loop3A_300, %parallel_loop3A_308, %parallel_loop3A_309 : vector<16xi1>, vector<16xi32>
        %parallel_loop3A_311 = arith.addi %parallel_loop3A_282, %parallel_loop3A_310 : vector<16xi32>
        scf.yield %parallel_loop3A_311 : vector<16xi32>
      } {sc.loop_unroll_factor = 8 : i64, sc.parallel_access}
      %reduce_max3A = arith.constant true
      %reduce_max3A_190 = vector.broadcast %reduce_max3A : i1 to vector<16xi1>
      %reduce_max3A_191 = arith.constant -2147483648 : i32
      %reduce_max3A_192 = vector.broadcast %reduce_max3A_191 : i32 to vector<16xi32>
      %reduce_max3A_193 = arith.xori %parallel_loop3A_189, %reduce_max3A_192 : vector<16xi32>
      %reduce_max3A_194 = tpu.scan <max>, %reduce_max3A_193 masked %reduce_max3A_190 : vector<16xi32>, vector<16xi1> -> vector<16xi32>
      %reduce_max3A_195 = arith.xori %reduce_max3A_194, %reduce_max3A_192 : vector<16xi32>
      %reduce_max3A_196 = vector.extract %reduce_max3A_195[15] : i32 from vector<16xi32>
      %bitcast3A = vector.bitcast %parallel_loop3A_185#2 : vector<16xi32> to vector<16xi32>
      %shift_left3A = arith.constant 24 : i32
      %shift_left3A_197 = vector.broadcast %shift_left3A : i32 to vector<16xi32>
      %shift_left3A_198 = arith.shli %bitcast3A, %shift_left3A_197 : vector<16xi32>
      %parallel_loop3A_199 = arith.constant 0 : i32
      %parallel_loop3A_200 = arith.constant 1 : i32
      %parallel_loop3A_201 = arith.constant -16777216 : i32
      scf.for %parallel_loop3A_281 = %parallel_loop3A_199 to %reduce_max3A_196 step %parallel_loop3A_200  : i32 {
        %parallel_loop3A_282 = arith.constant 16 : i32
        %parallel_loop3A_283 = arith.muli %parallel_loop3A_281, %parallel_loop3A_282 : i32
        %parallel_loop3A_284 = arith.index_cast %parallel_loop3A_283 : i32 to index
        %parallel_loop3A_285 = tpu.vector_load %arg5[%parallel_loop3A_284] {strides = array<i32>} : memref<16384xi32, #tpu.memory_space<vmem>>, vector<16xi32>,
        %parallel_loop3A_286 = vector.bitcast %parallel_loop3A_285 : vector<16xi32> to vector<16xi32>
        %parallel_loop3A_287 = vector.broadcast %parallel_loop3A_281 : i32 to vector<16xi32>
        %parallel_loop3A_288 = arith.cmpi sgt, %parallel_loop3A_189, %parallel_loop3A_287 : vector<16xi32>
        %parallel_loop3A_289 = vector.broadcast %parallel_loop3A_201 : i32 to vector<16xi32>
        %parallel_loop3A_290 = arith.andi %parallel_loop3A_286, %parallel_loop3A_289 : vector<16xi32>
        %parallel_loop3A_291 = arith.cmpi eq, %parallel_loop3A_290, %shift_left3A_198 : vector<16xi32>
        %parallel_loop3A_292 = arith.andi %parallel_loop3A_288, %parallel_loop3A_291 : vector<16xi1>
        %parallel_loop3A_293 = arith.constant 20 : i32
        %parallel_loop3A_294 = vector.broadcast %parallel_loop3A_293 : i32 to vector<16xi32>
        %parallel_loop3A_295 = arith.shrui %parallel_loop3A_286, %parallel_loop3A_294 : vector<16xi32>
        %parallel_loop3A_296 = arith.constant 15 : i32
        %parallel_loop3A_297 = vector.broadcast %parallel_loop3A_296 : i32 to vector<16xi32>
        %parallel_loop3A_298 = arith.andi %parallel_loop3A_295, %parallel_loop3A_297 : vector<16xi32>
        %parallel_loop3A_299 = vector.bitcast %parallel_loop3A_298 : vector<16xi32> to vector<16xi32>
        %parallel_loop3A_300 = arith.constant 16 : i32
        %parallel_loop3A_301 = vector.broadcast %parallel_loop3A_300 : i32 to vector<16xi32>
        %parallel_loop3A_302 = arith.muli %parallel_loop3A_299, %parallel_loop3A_301 : vector<16xi32>
        %parallel_loop3A_303 = arith.addi %parallel_loop3A_302, %iota3A : vector<16xi32>
        tpu.vector_store_idx %arg6[%parallel_loop3A_303], %broadcast_in_dim3A_1 masked %parallel_loop3A_292 {add = true} : memref<4096xi32, #tpu.memory_space<vmem>>[vector<16xi32>], vector<16xi32>, vector<16xi1>
      } {sc.loop_unroll_factor = 4 : i64, sc.parallel_access}
      %parallel_loop3A_202 = arith.constant 0 : i32
      %parallel_loop3A_203 = arith.constant 16 : i32
      %parallel_loop3A_204 = arith.constant 1 : i32
      %parallel_loop3A_205:4 = scf.for %parallel_loop3A_281 = %parallel_loop3A_202 to %parallel_loop3A_203 step %parallel_loop3A_204 iter_args(%parallel_loop3A_282 = %broadcast_in_dim3A_3, %parallel_loop3A_283 = %broadcast_in_dim3A_3, %parallel_loop3A_284 = %broadcast_in_dim3A_3, %parallel_loop3A_285 = %broadcast_in_dim3A_3) -> (vector<16xi32>, vector<16xi32>, vector<16xi32>, vector<16xi32>)  : i32 {
        %parallel_loop3A_286 = arith.constant 15 : i32
        %parallel_loop3A_287 = arith.subi %parallel_loop3A_286, %parallel_loop3A_281 : i32
        %parallel_loop3A_288 = arith.constant 16 : i32
        %parallel_loop3A_289 = arith.muli %parallel_loop3A_287, %parallel_loop3A_288 : i32
        %parallel_loop3A_290 = arith.index_cast %parallel_loop3A_289 : i32 to index
        %parallel_loop3A_291 = tpu.vector_load %arg6[%parallel_loop3A_290] {strides = array<i32>} : memref<4096xi32, #tpu.memory_space<vmem>>, vector<16xi32>,
        %parallel_loop3A_292 = arith.constant 16 : i32
        %parallel_loop3A_293 = arith.muli %parallel_loop3A_287, %parallel_loop3A_292 : i32
        %parallel_loop3A_294 = arith.index_cast %parallel_loop3A_293 : i32 to index
        %parallel_loop3A_295 = tpu.vector_load %arg6[%parallel_loop3A_294] {strides = array<i32>} : memref<4096xi32, #tpu.memory_space<vmem>>, vector<16xi32>,
        tpu.vector_store %arg6[%parallel_loop3A_294], %broadcast_in_dim3A_3 {strides = array<i32>} : memref<4096xi32, #tpu.memory_space<vmem>>, vector<16xi32>,
        %parallel_loop3A_296 = arith.addi %parallel_loop3A_282, %parallel_loop3A_291 : vector<16xi32>
        %parallel_loop3A_297 = arith.constant 0 : i32
        %parallel_loop3A_298 = vector.broadcast %parallel_loop3A_297 : i32 to vector<16xi32>
        %parallel_loop3A_299 = arith.cmpi eq, %parallel_loop3A_283, %parallel_loop3A_298 : vector<16xi32>
        %parallel_loop3A_300 = arith.cmpi sge, %parallel_loop3A_296, %parallel_loop3A_185#3 : vector<16xi32>
        %parallel_loop3A_301 = arith.andi %parallel_loop3A_299, %parallel_loop3A_300 : vector<16xi1>
        %parallel_loop3A_302 = vector.broadcast %parallel_loop3A_287 : i32 to vector<16xi32>
        %parallel_loop3A_303 = arith.select %parallel_loop3A_301, %parallel_loop3A_302, %parallel_loop3A_284 : vector<16xi1>, vector<16xi32>
        %parallel_loop3A_304 = arith.subi %parallel_loop3A_185#3, %parallel_loop3A_282 : vector<16xi32>
        %parallel_loop3A_305 = arith.select %parallel_loop3A_301, %parallel_loop3A_304, %parallel_loop3A_285 : vector<16xi1>, vector<16xi32>
        %parallel_loop3A_306 = arith.constant 1 : i32
        %parallel_loop3A_307 = vector.broadcast %parallel_loop3A_306 : i32 to vector<16xi32>
        %parallel_loop3A_308 = arith.select %parallel_loop3A_301, %parallel_loop3A_307, %parallel_loop3A_283 : vector<16xi1>, vector<16xi32>
        scf.yield %parallel_loop3A_296, %parallel_loop3A_308, %parallel_loop3A_303, %parallel_loop3A_305 : vector<16xi32>, vector<16xi32>, vector<16xi32>, vector<16xi32>
      } {sc.loop_unroll_factor = 4 : i64, sc.parallel_access}
      %bitcast3A_206 = vector.bitcast %parallel_loop3A_205#2 : vector<16xi32> to vector<16xi32>
      %shift_left3A_207 = arith.constant 20 : i32
      %shift_left3A_208 = vector.broadcast %shift_left3A_207 : i32 to vector<16xi32>
      %shift_left3A_209 = arith.shli %bitcast3A_206, %shift_left3A_208 : vector<16xi32>
      %or3A = arith.ori %shift_left3A_198, %shift_left3A_209 : vector<16xi32>
      %parallel_loop3A_210 = arith.constant 0 : i32
      %parallel_loop3A_211 = arith.constant 1 : i32
      %parallel_loop3A_212 = arith.constant -1048576 : i32
      scf.for %parallel_loop3A_281 = %parallel_loop3A_210 to %reduce_max3A_196 step %parallel_loop3A_211  : i32 {
        %parallel_loop3A_282 = arith.constant 16 : i32
        %parallel_loop3A_283 = arith.muli %parallel_loop3A_281, %parallel_loop3A_282 : i32
        %parallel_loop3A_284 = arith.index_cast %parallel_loop3A_283 : i32 to index
        %parallel_loop3A_285 = tpu.vector_load %arg5[%parallel_loop3A_284] {strides = array<i32>} : memref<16384xi32, #tpu.memory_space<vmem>>, vector<16xi32>,
        %parallel_loop3A_286 = vector.bitcast %parallel_loop3A_285 : vector<16xi32> to vector<16xi32>
        %parallel_loop3A_287 = vector.broadcast %parallel_loop3A_281 : i32 to vector<16xi32>
        %parallel_loop3A_288 = arith.cmpi sgt, %parallel_loop3A_189, %parallel_loop3A_287 : vector<16xi32>
        %parallel_loop3A_289 = vector.broadcast %parallel_loop3A_212 : i32 to vector<16xi32>
        %parallel_loop3A_290 = arith.andi %parallel_loop3A_286, %parallel_loop3A_289 : vector<16xi32>
        %parallel_loop3A_291 = arith.cmpi eq, %parallel_loop3A_290, %or3A : vector<16xi32>
        %parallel_loop3A_292 = arith.andi %parallel_loop3A_288, %parallel_loop3A_291 : vector<16xi1>
        %parallel_loop3A_293 = arith.constant 16 : i32
        %parallel_loop3A_294 = vector.broadcast %parallel_loop3A_293 : i32 to vector<16xi32>
        %parallel_loop3A_295 = arith.shrui %parallel_loop3A_286, %parallel_loop3A_294 : vector<16xi32>
        %parallel_loop3A_296 = arith.constant 15 : i32
        %parallel_loop3A_297 = vector.broadcast %parallel_loop3A_296 : i32 to vector<16xi32>
        %parallel_loop3A_298 = arith.andi %parallel_loop3A_295, %parallel_loop3A_297 : vector<16xi32>
        %parallel_loop3A_299 = vector.bitcast %parallel_loop3A_298 : vector<16xi32> to vector<16xi32>
        %parallel_loop3A_300 = arith.constant 16 : i32
        %parallel_loop3A_301 = vector.broadcast %parallel_loop3A_300 : i32 to vector<16xi32>
        %parallel_loop3A_302 = arith.muli %parallel_loop3A_299, %parallel_loop3A_301 : vector<16xi32>
        %parallel_loop3A_303 = arith.addi %parallel_loop3A_302, %iota3A : vector<16xi32>
        tpu.vector_store_idx %arg6[%parallel_loop3A_303], %broadcast_in_dim3A_1 masked %parallel_loop3A_292 {add = true} : memref<4096xi32, #tpu.memory_space<vmem>>[vector<16xi32>], vector<16xi32>, vector<16xi1>
      } {sc.loop_unroll_factor = 4 : i64, sc.parallel_access}
      %parallel_loop3A_213 = arith.constant 0 : i32
      %parallel_loop3A_214 = arith.constant 16 : i32
      %parallel_loop3A_215 = arith.constant 1 : i32
      %parallel_loop3A_216:4 = scf.for %parallel_loop3A_281 = %parallel_loop3A_213 to %parallel_loop3A_214 step %parallel_loop3A_215 iter_args(%parallel_loop3A_282 = %broadcast_in_dim3A_3, %parallel_loop3A_283 = %broadcast_in_dim3A_3, %parallel_loop3A_284 = %broadcast_in_dim3A_3, %parallel_loop3A_285 = %broadcast_in_dim3A_3) -> (vector<16xi32>, vector<16xi32>, vector<16xi32>, vector<16xi32>)  : i32 {
        %parallel_loop3A_286 = arith.constant 15 : i32
        %parallel_loop3A_287 = arith.subi %parallel_loop3A_286, %parallel_loop3A_281 : i32
        %parallel_loop3A_288 = arith.constant 16 : i32
        %parallel_loop3A_289 = arith.muli %parallel_loop3A_287, %parallel_loop3A_288 : i32
        %parallel_loop3A_290 = arith.index_cast %parallel_loop3A_289 : i32 to index
        %parallel_loop3A_291 = tpu.vector_load %arg6[%parallel_loop3A_290] {strides = array<i32>} : memref<4096xi32, #tpu.memory_space<vmem>>, vector<16xi32>,
        %parallel_loop3A_292 = arith.constant 16 : i32
        %parallel_loop3A_293 = arith.muli %parallel_loop3A_287, %parallel_loop3A_292 : i32
        %parallel_loop3A_294 = arith.index_cast %parallel_loop3A_293 : i32 to index
        %parallel_loop3A_295 = tpu.vector_load %arg6[%parallel_loop3A_294] {strides = array<i32>} : memref<4096xi32, #tpu.memory_space<vmem>>, vector<16xi32>,
        tpu.vector_store %arg6[%parallel_loop3A_294], %broadcast_in_dim3A_3 {strides = array<i32>} : memref<4096xi32, #tpu.memory_space<vmem>>, vector<16xi32>,
        %parallel_loop3A_296 = arith.addi %parallel_loop3A_282, %parallel_loop3A_291 : vector<16xi32>
        %parallel_loop3A_297 = arith.constant 0 : i32
        %parallel_loop3A_298 = vector.broadcast %parallel_loop3A_297 : i32 to vector<16xi32>
        %parallel_loop3A_299 = arith.cmpi eq, %parallel_loop3A_283, %parallel_loop3A_298 : vector<16xi32>
        %parallel_loop3A_300 = arith.cmpi sge, %parallel_loop3A_296, %parallel_loop3A_205#3 : vector<16xi32>
        %parallel_loop3A_301 = arith.andi %parallel_loop3A_299, %parallel_loop3A_300 : vector<16xi1>
        %parallel_loop3A_302 = vector.broadcast %parallel_loop3A_287 : i32 to vector<16xi32>
        %parallel_loop3A_303 = arith.select %parallel_loop3A_301, %parallel_loop3A_302, %parallel_loop3A_284 : vector<16xi1>, vector<16xi32>
        %parallel_loop3A_304 = arith.subi %parallel_loop3A_205#3, %parallel_loop3A_282 : vector<16xi32>
        %parallel_loop3A_305 = arith.select %parallel_loop3A_301, %parallel_loop3A_304, %parallel_loop3A_285 : vector<16xi1>, vector<16xi32>
        %parallel_loop3A_306 = arith.constant 1 : i32
        %parallel_loop3A_307 = vector.broadcast %parallel_loop3A_306 : i32 to vector<16xi32>
        %parallel_loop3A_308 = arith.select %parallel_loop3A_301, %parallel_loop3A_307, %parallel_loop3A_283 : vector<16xi1>, vector<16xi32>
        scf.yield %parallel_loop3A_296, %parallel_loop3A_308, %parallel_loop3A_303, %parallel_loop3A_305 : vector<16xi32>, vector<16xi32>, vector<16xi32>, vector<16xi32>
      } {sc.loop_unroll_factor = 4 : i64, sc.parallel_access}
      %bitcast3A_217 = vector.bitcast %parallel_loop3A_216#2 : vector<16xi32> to vector<16xi32>
      %shift_left3A_218 = arith.constant 16 : i32
      %shift_left3A_219 = vector.broadcast %shift_left3A_218 : i32 to vector<16xi32>
      %shift_left3A_220 = arith.shli %bitcast3A_217, %shift_left3A_219 : vector<16xi32>
      %or3A_221 = arith.ori %or3A, %shift_left3A_220 : vector<16xi32>
      %parallel_loop3A_222 = arith.constant 0 : i32
      %parallel_loop3A_223 = arith.constant 1 : i32
      %parallel_loop3A_224 = arith.constant -65536 : i32
      scf.for %parallel_loop3A_281 = %parallel_loop3A_222 to %reduce_max3A_196 step %parallel_loop3A_223  : i32 {
        %parallel_loop3A_282 = arith.constant 16 : i32
        %parallel_loop3A_283 = arith.muli %parallel_loop3A_281, %parallel_loop3A_282 : i32
        %parallel_loop3A_284 = arith.index_cast %parallel_loop3A_283 : i32 to index
        %parallel_loop3A_285 = tpu.vector_load %arg5[%parallel_loop3A_284] {strides = array<i32>} : memref<16384xi32, #tpu.memory_space<vmem>>, vector<16xi32>,
        %parallel_loop3A_286 = vector.bitcast %parallel_loop3A_285 : vector<16xi32> to vector<16xi32>
        %parallel_loop3A_287 = vector.broadcast %parallel_loop3A_281 : i32 to vector<16xi32>
        %parallel_loop3A_288 = arith.cmpi sgt, %parallel_loop3A_189, %parallel_loop3A_287 : vector<16xi32>
        %parallel_loop3A_289 = vector.broadcast %parallel_loop3A_224 : i32 to vector<16xi32>
        %parallel_loop3A_290 = arith.andi %parallel_loop3A_286, %parallel_loop3A_289 : vector<16xi32>
        %parallel_loop3A_291 = arith.cmpi eq, %parallel_loop3A_290, %or3A_221 : vector<16xi32>
        %parallel_loop3A_292 = arith.andi %parallel_loop3A_288, %parallel_loop3A_291 : vector<16xi1>
        %parallel_loop3A_293 = arith.constant 12 : i32
        %parallel_loop3A_294 = vector.broadcast %parallel_loop3A_293 : i32 to vector<16xi32>
        %parallel_loop3A_295 = arith.shrui %parallel_loop3A_286, %parallel_loop3A_294 : vector<16xi32>
        %parallel_loop3A_296 = arith.constant 15 : i32
        %parallel_loop3A_297 = vector.broadcast %parallel_loop3A_296 : i32 to vector<16xi32>
        %parallel_loop3A_298 = arith.andi %parallel_loop3A_295, %parallel_loop3A_297 : vector<16xi32>
        %parallel_loop3A_299 = vector.bitcast %parallel_loop3A_298 : vector<16xi32> to vector<16xi32>
        %parallel_loop3A_300 = arith.constant 16 : i32
        %parallel_loop3A_301 = vector.broadcast %parallel_loop3A_300 : i32 to vector<16xi32>
        %parallel_loop3A_302 = arith.muli %parallel_loop3A_299, %parallel_loop3A_301 : vector<16xi32>
        %parallel_loop3A_303 = arith.addi %parallel_loop3A_302, %iota3A : vector<16xi32>
        tpu.vector_store_idx %arg6[%parallel_loop3A_303], %broadcast_in_dim3A_1 masked %parallel_loop3A_292 {add = true} : memref<4096xi32, #tpu.memory_space<vmem>>[vector<16xi32>], vector<16xi32>, vector<16xi1>
      } {sc.loop_unroll_factor = 4 : i64, sc.parallel_access}
      %parallel_loop3A_225 = arith.constant 0 : i32
      %parallel_loop3A_226 = arith.constant 16 : i32
      %parallel_loop3A_227 = arith.constant 1 : i32
      %parallel_loop3A_228:4 = scf.for %parallel_loop3A_281 = %parallel_loop3A_225 to %parallel_loop3A_226 step %parallel_loop3A_227 iter_args(%parallel_loop3A_282 = %broadcast_in_dim3A_3, %parallel_loop3A_283 = %broadcast_in_dim3A_3, %parallel_loop3A_284 = %broadcast_in_dim3A_3, %parallel_loop3A_285 = %broadcast_in_dim3A_3) -> (vector<16xi32>, vector<16xi32>, vector<16xi32>, vector<16xi32>)  : i32 {
        %parallel_loop3A_286 = arith.constant 15 : i32
        %parallel_loop3A_287 = arith.subi %parallel_loop3A_286, %parallel_loop3A_281 : i32
        %parallel_loop3A_288 = arith.constant 16 : i32
        %parallel_loop3A_289 = arith.muli %parallel_loop3A_287, %parallel_loop3A_288 : i32
        %parallel_loop3A_290 = arith.index_cast %parallel_loop3A_289 : i32 to index
        %parallel_loop3A_291 = tpu.vector_load %arg6[%parallel_loop3A_290] {strides = array<i32>} : memref<4096xi32, #tpu.memory_space<vmem>>, vector<16xi32>,
        %parallel_loop3A_292 = arith.constant 16 : i32
        %parallel_loop3A_293 = arith.muli %parallel_loop3A_287, %parallel_loop3A_292 : i32
        %parallel_loop3A_294 = arith.index_cast %parallel_loop3A_293 : i32 to index
        %parallel_loop3A_295 = tpu.vector_load %arg6[%parallel_loop3A_294] {strides = array<i32>} : memref<4096xi32, #tpu.memory_space<vmem>>, vector<16xi32>,
        tpu.vector_store %arg6[%parallel_loop3A_294], %broadcast_in_dim3A_3 {strides = array<i32>} : memref<4096xi32, #tpu.memory_space<vmem>>, vector<16xi32>,
        %parallel_loop3A_296 = arith.addi %parallel_loop3A_282, %parallel_loop3A_291 : vector<16xi32>
        %parallel_loop3A_297 = arith.constant 0 : i32
        %parallel_loop3A_298 = vector.broadcast %parallel_loop3A_297 : i32 to vector<16xi32>
        %parallel_loop3A_299 = arith.cmpi eq, %parallel_loop3A_283, %parallel_loop3A_298 : vector<16xi32>
        %parallel_loop3A_300 = arith.cmpi sge, %parallel_loop3A_296, %parallel_loop3A_216#3 : vector<16xi32>
        %parallel_loop3A_301 = arith.andi %parallel_loop3A_299, %parallel_loop3A_300 : vector<16xi1>
        %parallel_loop3A_302 = vector.broadcast %parallel_loop3A_287 : i32 to vector<16xi32>
        %parallel_loop3A_303 = arith.select %parallel_loop3A_301, %parallel_loop3A_302, %parallel_loop3A_284 : vector<16xi1>, vector<16xi32>
        %parallel_loop3A_304 = arith.subi %parallel_loop3A_216#3, %parallel_loop3A_282 : vector<16xi32>
        %parallel_loop3A_305 = arith.select %parallel_loop3A_301, %parallel_loop3A_304, %parallel_loop3A_285 : vector<16xi1>, vector<16xi32>
        %parallel_loop3A_306 = arith.constant 1 : i32
        %parallel_loop3A_307 = vector.broadcast %parallel_loop3A_306 : i32 to vector<16xi32>
        %parallel_loop3A_308 = arith.select %parallel_loop3A_301, %parallel_loop3A_307, %parallel_loop3A_283 : vector<16xi1>, vector<16xi32>
        scf.yield %parallel_loop3A_296, %parallel_loop3A_308, %parallel_loop3A_303, %parallel_loop3A_305 : vector<16xi32>, vector<16xi32>, vector<16xi32>, vector<16xi32>
      } {sc.loop_unroll_factor = 4 : i64, sc.parallel_access}
      %bitcast3A_229 = vector.bitcast %parallel_loop3A_228#2 : vector<16xi32> to vector<16xi32>
      %shift_left3A_230 = arith.constant 12 : i32
      %shift_left3A_231 = vector.broadcast %shift_left3A_230 : i32 to vector<16xi32>
      %shift_left3A_232 = arith.shli %bitcast3A_229, %shift_left3A_231 : vector<16xi32>
      %or3A_233 = arith.ori %or3A_221, %shift_left3A_232 : vector<16xi32>
      %parallel_loop3A_234 = arith.constant 0 : i32
      %parallel_loop3A_235 = arith.constant 1 : i32
      %parallel_loop3A_236 = arith.constant -4096 : i32
      scf.for %parallel_loop3A_281 = %parallel_loop3A_234 to %reduce_max3A_196 step %parallel_loop3A_235  : i32 {
        %parallel_loop3A_282 = arith.constant 16 : i32
        %parallel_loop3A_283 = arith.muli %parallel_loop3A_281, %parallel_loop3A_282 : i32
        %parallel_loop3A_284 = arith.index_cast %parallel_loop3A_283 : i32 to index
        %parallel_loop3A_285 = tpu.vector_load %arg5[%parallel_loop3A_284] {strides = array<i32>} : memref<16384xi32, #tpu.memory_space<vmem>>, vector<16xi32>,
        %parallel_loop3A_286 = vector.bitcast %parallel_loop3A_285 : vector<16xi32> to vector<16xi32>
        %parallel_loop3A_287 = vector.broadcast %parallel_loop3A_281 : i32 to vector<16xi32>
        %parallel_loop3A_288 = arith.cmpi sgt, %parallel_loop3A_189, %parallel_loop3A_287 : vector<16xi32>
        %parallel_loop3A_289 = vector.broadcast %parallel_loop3A_236 : i32 to vector<16xi32>
        %parallel_loop3A_290 = arith.andi %parallel_loop3A_286, %parallel_loop3A_289 : vector<16xi32>
        %parallel_loop3A_291 = arith.cmpi eq, %parallel_loop3A_290, %or3A_233 : vector<16xi32>
        %parallel_loop3A_292 = arith.andi %parallel_loop3A_288, %parallel_loop3A_291 : vector<16xi1>
        %parallel_loop3A_293 = arith.constant 8 : i32
        %parallel_loop3A_294 = vector.broadcast %parallel_loop3A_293 : i32 to vector<16xi32>
        %parallel_loop3A_295 = arith.shrui %parallel_loop3A_286, %parallel_loop3A_294 : vector<16xi32>
        %parallel_loop3A_296 = arith.constant 15 : i32
        %parallel_loop3A_297 = vector.broadcast %parallel_loop3A_296 : i32 to vector<16xi32>
        %parallel_loop3A_298 = arith.andi %parallel_loop3A_295, %parallel_loop3A_297 : vector<16xi32>
        %parallel_loop3A_299 = vector.bitcast %parallel_loop3A_298 : vector<16xi32> to vector<16xi32>
        %parallel_loop3A_300 = arith.constant 16 : i32
        %parallel_loop3A_301 = vector.broadcast %parallel_loop3A_300 : i32 to vector<16xi32>
        %parallel_loop3A_302 = arith.muli %parallel_loop3A_299, %parallel_loop3A_301 : vector<16xi32>
        %parallel_loop3A_303 = arith.addi %parallel_loop3A_302, %iota3A : vector<16xi32>
        tpu.vector_store_idx %arg6[%parallel_loop3A_303], %broadcast_in_dim3A_1 masked %parallel_loop3A_292 {add = true} : memref<4096xi32, #tpu.memory_space<vmem>>[vector<16xi32>], vector<16xi32>, vector<16xi1>
      } {sc.loop_unroll_factor = 4 : i64, sc.parallel_access}
      %parallel_loop3A_237 = arith.constant 0 : i32
      %parallel_loop3A_238 = arith.constant 16 : i32
      %parallel_loop3A_239 = arith.constant 1 : i32
      %parallel_loop3A_240:4 = scf.for %parallel_loop3A_281 = %parallel_loop3A_237 to %parallel_loop3A_238 step %parallel_loop3A_239 iter_args(%parallel_loop3A_282 = %broadcast_in_dim3A_3, %parallel_loop3A_283 = %broadcast_in_dim3A_3, %parallel_loop3A_284 = %broadcast_in_dim3A_3, %parallel_loop3A_285 = %broadcast_in_dim3A_3) -> (vector<16xi32>, vector<16xi32>, vector<16xi32>, vector<16xi32>)  : i32 {
        %parallel_loop3A_286 = arith.constant 15 : i32
        %parallel_loop3A_287 = arith.subi %parallel_loop3A_286, %parallel_loop3A_281 : i32
        %parallel_loop3A_288 = arith.constant 16 : i32
        %parallel_loop3A_289 = arith.muli %parallel_loop3A_287, %parallel_loop3A_288 : i32
        %parallel_loop3A_290 = arith.index_cast %parallel_loop3A_289 : i32 to index
        %parallel_loop3A_291 = tpu.vector_load %arg6[%parallel_loop3A_290] {strides = array<i32>} : memref<4096xi32, #tpu.memory_space<vmem>>, vector<16xi32>,
        %parallel_loop3A_292 = arith.constant 16 : i32
        %parallel_loop3A_293 = arith.muli %parallel_loop3A_287, %parallel_loop3A_292 : i32
        %parallel_loop3A_294 = arith.index_cast %parallel_loop3A_293 : i32 to index
        %parallel_loop3A_295 = tpu.vector_load %arg6[%parallel_loop3A_294] {strides = array<i32>} : memref<4096xi32, #tpu.memory_space<vmem>>, vector<16xi32>,
        tpu.vector_store %arg6[%parallel_loop3A_294], %broadcast_in_dim3A_3 {strides = array<i32>} : memref<4096xi32, #tpu.memory_space<vmem>>, vector<16xi32>,
        %parallel_loop3A_296 = arith.addi %parallel_loop3A_282, %parallel_loop3A_291 : vector<16xi32>
        %parallel_loop3A_297 = arith.constant 0 : i32
        %parallel_loop3A_298 = vector.broadcast %parallel_loop3A_297 : i32 to vector<16xi32>
        %parallel_loop3A_299 = arith.cmpi eq, %parallel_loop3A_283, %parallel_loop3A_298 : vector<16xi32>
        %parallel_loop3A_300 = arith.cmpi sge, %parallel_loop3A_296, %parallel_loop3A_228#3 : vector<16xi32>
        %parallel_loop3A_301 = arith.andi %parallel_loop3A_299, %parallel_loop3A_300 : vector<16xi1>
        %parallel_loop3A_302 = vector.broadcast %parallel_loop3A_287 : i32 to vector<16xi32>
        %parallel_loop3A_303 = arith.select %parallel_loop3A_301, %parallel_loop3A_302, %parallel_loop3A_284 : vector<16xi1>, vector<16xi32>
        %parallel_loop3A_304 = arith.subi %parallel_loop3A_228#3, %parallel_loop3A_282 : vector<16xi32>
        %parallel_loop3A_305 = arith.select %parallel_loop3A_301, %parallel_loop3A_304, %parallel_loop3A_285 : vector<16xi1>, vector<16xi32>
        %parallel_loop3A_306 = arith.constant 1 : i32
        %parallel_loop3A_307 = vector.broadcast %parallel_loop3A_306 : i32 to vector<16xi32>
        %parallel_loop3A_308 = arith.select %parallel_loop3A_301, %parallel_loop3A_307, %parallel_loop3A_283 : vector<16xi1>, vector<16xi32>
        scf.yield %parallel_loop3A_296, %parallel_loop3A_308, %parallel_loop3A_303, %parallel_loop3A_305 : vector<16xi32>, vector<16xi32>, vector<16xi32>, vector<16xi32>
      } {sc.loop_unroll_factor = 4 : i64, sc.parallel_access}
      %bitcast3A_241 = vector.bitcast %parallel_loop3A_240#2 : vector<16xi32> to vector<16xi32>
      %shift_left3A_242 = arith.constant 8 : i32
      %shift_left3A_243 = vector.broadcast %shift_left3A_242 : i32 to vector<16xi32>
      %shift_left3A_244 = arith.shli %bitcast3A_241, %shift_left3A_243 : vector<16xi32>
      %or3A_245 = arith.ori %or3A_233, %shift_left3A_244 : vector<16xi32>
      %parallel_loop3A_246 = arith.constant 0 : i32
      %parallel_loop3A_247 = arith.constant 1 : i32
      %parallel_loop3A_248 = arith.constant -256 : i32
      scf.for %parallel_loop3A_281 = %parallel_loop3A_246 to %reduce_max3A_196 step %parallel_loop3A_247  : i32 {
        %parallel_loop3A_282 = arith.constant 16 : i32
        %parallel_loop3A_283 = arith.muli %parallel_loop3A_281, %parallel_loop3A_282 : i32
        %parallel_loop3A_284 = arith.index_cast %parallel_loop3A_283 : i32 to index
        %parallel_loop3A_285 = tpu.vector_load %arg5[%parallel_loop3A_284] {strides = array<i32>} : memref<16384xi32, #tpu.memory_space<vmem>>, vector<16xi32>,
        %parallel_loop3A_286 = vector.bitcast %parallel_loop3A_285 : vector<16xi32> to vector<16xi32>
        %parallel_loop3A_287 = vector.broadcast %parallel_loop3A_281 : i32 to vector<16xi32>
        %parallel_loop3A_288 = arith.cmpi sgt, %parallel_loop3A_189, %parallel_loop3A_287 : vector<16xi32>
        %parallel_loop3A_289 = vector.broadcast %parallel_loop3A_248 : i32 to vector<16xi32>
        %parallel_loop3A_290 = arith.andi %parallel_loop3A_286, %parallel_loop3A_289 : vector<16xi32>
        %parallel_loop3A_291 = arith.cmpi eq, %parallel_loop3A_290, %or3A_245 : vector<16xi32>
        %parallel_loop3A_292 = arith.andi %parallel_loop3A_288, %parallel_loop3A_291 : vector<16xi1>
        %parallel_loop3A_293 = arith.constant 4 : i32
        %parallel_loop3A_294 = vector.broadcast %parallel_loop3A_293 : i32 to vector<16xi32>
        %parallel_loop3A_295 = arith.shrui %parallel_loop3A_286, %parallel_loop3A_294 : vector<16xi32>
        %parallel_loop3A_296 = arith.constant 15 : i32
        %parallel_loop3A_297 = vector.broadcast %parallel_loop3A_296 : i32 to vector<16xi32>
        %parallel_loop3A_298 = arith.andi %parallel_loop3A_295, %parallel_loop3A_297 : vector<16xi32>
        %parallel_loop3A_299 = vector.bitcast %parallel_loop3A_298 : vector<16xi32> to vector<16xi32>
        %parallel_loop3A_300 = arith.constant 16 : i32
        %parallel_loop3A_301 = vector.broadcast %parallel_loop3A_300 : i32 to vector<16xi32>
        %parallel_loop3A_302 = arith.muli %parallel_loop3A_299, %parallel_loop3A_301 : vector<16xi32>
        %parallel_loop3A_303 = arith.addi %parallel_loop3A_302, %iota3A : vector<16xi32>
        tpu.vector_store_idx %arg6[%parallel_loop3A_303], %broadcast_in_dim3A_1 masked %parallel_loop3A_292 {add = true} : memref<4096xi32, #tpu.memory_space<vmem>>[vector<16xi32>], vector<16xi32>, vector<16xi1>
      } {sc.loop_unroll_factor = 4 : i64, sc.parallel_access}
      %parallel_loop3A_249 = arith.constant 0 : i32
      %parallel_loop3A_250 = arith.constant 16 : i32
      %parallel_loop3A_251 = arith.constant 1 : i32
      %parallel_loop3A_252:4 = scf.for %parallel_loop3A_281 = %parallel_loop3A_249 to %parallel_loop3A_250 step %parallel_loop3A_251 iter_args(%parallel_loop3A_282 = %broadcast_in_dim3A_3, %parallel_loop3A_283 = %broadcast_in_dim3A_3, %parallel_loop3A_284 = %broadcast_in_dim3A_3, %parallel_loop3A_285 = %broadcast_in_dim3A_3) -> (vector<16xi32>, vector<16xi32>, vector<16xi32>, vector<16xi32>)  : i32 {
        %parallel_loop3A_286 = arith.constant 15 : i32
        %parallel_loop3A_287 = arith.subi %parallel_loop3A_286, %parallel_loop3A_281 : i32
        %parallel_loop3A_288 = arith.constant 16 : i32
        %parallel_loop3A_289 = arith.muli %parallel_loop3A_287, %parallel_loop3A_288 : i32
        %parallel_loop3A_290 = arith.index_cast %parallel_loop3A_289 : i32 to index
        %parallel_loop3A_291 = tpu.vector_load %arg6[%parallel_loop3A_290] {strides = array<i32>} : memref<4096xi32, #tpu.memory_space<vmem>>, vector<16xi32>,
        %parallel_loop3A_292 = arith.constant 16 : i32
        %parallel_loop3A_293 = arith.muli %parallel_loop3A_287, %parallel_loop3A_292 : i32
        %parallel_loop3A_294 = arith.index_cast %parallel_loop3A_293 : i32 to index
        %parallel_loop3A_295 = tpu.vector_load %arg6[%parallel_loop3A_294] {strides = array<i32>} : memref<4096xi32, #tpu.memory_space<vmem>>, vector<16xi32>,
        tpu.vector_store %arg6[%parallel_loop3A_294], %broadcast_in_dim3A_3 {strides = array<i32>} : memref<4096xi32, #tpu.memory_space<vmem>>, vector<16xi32>,
        %parallel_loop3A_296 = arith.addi %parallel_loop3A_282, %parallel_loop3A_291 : vector<16xi32>
        %parallel_loop3A_297 = arith.constant 0 : i32
        %parallel_loop3A_298 = vector.broadcast %parallel_loop3A_297 : i32 to vector<16xi32>
        %parallel_loop3A_299 = arith.cmpi eq, %parallel_loop3A_283, %parallel_loop3A_298 : vector<16xi32>
        %parallel_loop3A_300 = arith.cmpi sge, %parallel_loop3A_296, %parallel_loop3A_240#3 : vector<16xi32>
        %parallel_loop3A_301 = arith.andi %parallel_loop3A_299, %parallel_loop3A_300 : vector<16xi1>
        %parallel_loop3A_302 = vector.broadcast %parallel_loop3A_287 : i32 to vector<16xi32>
        %parallel_loop3A_303 = arith.select %parallel_loop3A_301, %parallel_loop3A_302, %parallel_loop3A_284 : vector<16xi1>, vector<16xi32>
        %parallel_loop3A_304 = arith.subi %parallel_loop3A_240#3, %parallel_loop3A_282 : vector<16xi32>
        %parallel_loop3A_305 = arith.select %parallel_loop3A_301, %parallel_loop3A_304, %parallel_loop3A_285 : vector<16xi1>, vector<16xi32>
        %parallel_loop3A_306 = arith.constant 1 : i32
        %parallel_loop3A_307 = vector.broadcast %parallel_loop3A_306 : i32 to vector<16xi32>
        %parallel_loop3A_308 = arith.select %parallel_loop3A_301, %parallel_loop3A_307, %parallel_loop3A_283 : vector<16xi1>, vector<16xi32>
        scf.yield %parallel_loop3A_296, %parallel_loop3A_308, %parallel_loop3A_303, %parallel_loop3A_305 : vector<16xi32>, vector<16xi32>, vector<16xi32>, vector<16xi32>
      } {sc.loop_unroll_factor = 4 : i64, sc.parallel_access}
      %bitcast3A_253 = vector.bitcast %parallel_loop3A_252#2 : vector<16xi32> to vector<16xi32>
      %shift_left3A_254 = arith.constant 4 : i32
      %shift_left3A_255 = vector.broadcast %shift_left3A_254 : i32 to vector<16xi32>
      %shift_left3A_256 = arith.shli %bitcast3A_253, %shift_left3A_255 : vector<16xi32>
      %or3A_257 = arith.ori %or3A_245, %shift_left3A_256 : vector<16xi32>
      %parallel_loop3A_258 = arith.constant 0 : i32
      %parallel_loop3A_259 = arith.constant 1 : i32
      %parallel_loop3A_260 = arith.constant -16 : i32
      scf.for %parallel_loop3A_281 = %parallel_loop3A_258 to %reduce_max3A_196 step %parallel_loop3A_259  : i32 {
        %parallel_loop3A_282 = arith.constant 16 : i32
        %parallel_loop3A_283 = arith.muli %parallel_loop3A_281, %parallel_loop3A_282 : i32
        %parallel_loop3A_284 = arith.index_cast %parallel_loop3A_283 : i32 to index
        %parallel_loop3A_285 = tpu.vector_load %arg5[%parallel_loop3A_284] {strides = array<i32>} : memref<16384xi32, #tpu.memory_space<vmem>>, vector<16xi32>,
        %parallel_loop3A_286 = vector.bitcast %parallel_loop3A_285 : vector<16xi32> to vector<16xi32>
        %parallel_loop3A_287 = vector.broadcast %parallel_loop3A_281 : i32 to vector<16xi32>
        %parallel_loop3A_288 = arith.cmpi sgt, %parallel_loop3A_189, %parallel_loop3A_287 : vector<16xi32>
        %parallel_loop3A_289 = vector.broadcast %parallel_loop3A_260 : i32 to vector<16xi32>
        %parallel_loop3A_290 = arith.andi %parallel_loop3A_286, %parallel_loop3A_289 : vector<16xi32>
        %parallel_loop3A_291 = arith.cmpi eq, %parallel_loop3A_290, %or3A_257 : vector<16xi32>
        %parallel_loop3A_292 = arith.andi %parallel_loop3A_288, %parallel_loop3A_291 : vector<16xi1>
        %parallel_loop3A_293 = arith.constant 0 : i32
        %parallel_loop3A_294 = vector.broadcast %parallel_loop3A_293 : i32 to vector<16xi32>
        %parallel_loop3A_295 = arith.shrui %parallel_loop3A_286, %parallel_loop3A_294 : vector<16xi32>
        %parallel_loop3A_296 = arith.constant 15 : i32
        %parallel_loop3A_297 = vector.broadcast %parallel_loop3A_296 : i32 to vector<16xi32>
        %parallel_loop3A_298 = arith.andi %parallel_loop3A_295, %parallel_loop3A_297 : vector<16xi32>
        %parallel_loop3A_299 = vector.bitcast %parallel_loop3A_298 : vector<16xi32> to vector<16xi32>
        %parallel_loop3A_300 = arith.constant 16 : i32
        %parallel_loop3A_301 = vector.broadcast %parallel_loop3A_300 : i32 to vector<16xi32>
        %parallel_loop3A_302 = arith.muli %parallel_loop3A_299, %parallel_loop3A_301 : vector<16xi32>
        %parallel_loop3A_303 = arith.addi %parallel_loop3A_302, %iota3A : vector<16xi32>
        tpu.vector_store_idx %arg6[%parallel_loop3A_303], %broadcast_in_dim3A_1 masked %parallel_loop3A_292 {add = true} : memref<4096xi32, #tpu.memory_space<vmem>>[vector<16xi32>], vector<16xi32>, vector<16xi1>
      } {sc.loop_unroll_factor = 4 : i64, sc.parallel_access}
      %parallel_loop3A_261 = arith.constant 0 : i32
      %parallel_loop3A_262 = arith.constant 16 : i32
      %parallel_loop3A_263 = arith.constant 1 : i32
      %parallel_loop3A_264:4 = scf.for %parallel_loop3A_281 = %parallel_loop3A_261 to %parallel_loop3A_262 step %parallel_loop3A_263 iter_args(%parallel_loop3A_282 = %broadcast_in_dim3A_3, %parallel_loop3A_283 = %broadcast_in_dim3A_3, %parallel_loop3A_284 = %broadcast_in_dim3A_3, %parallel_loop3A_285 = %broadcast_in_dim3A_3) -> (vector<16xi32>, vector<16xi32>, vector<16xi32>, vector<16xi32>)  : i32 {
        %parallel_loop3A_286 = arith.constant 15 : i32
        %parallel_loop3A_287 = arith.subi %parallel_loop3A_286, %parallel_loop3A_281 : i32
        %parallel_loop3A_288 = arith.constant 16 : i32
        %parallel_loop3A_289 = arith.muli %parallel_loop3A_287, %parallel_loop3A_288 : i32
        %parallel_loop3A_290 = arith.index_cast %parallel_loop3A_289 : i32 to index
        %parallel_loop3A_291 = tpu.vector_load %arg6[%parallel_loop3A_290] {strides = array<i32>} : memref<4096xi32, #tpu.memory_space<vmem>>, vector<16xi32>,
        %parallel_loop3A_292 = arith.constant 16 : i32
        %parallel_loop3A_293 = arith.muli %parallel_loop3A_287, %parallel_loop3A_292 : i32
        %parallel_loop3A_294 = arith.index_cast %parallel_loop3A_293 : i32 to index
        %parallel_loop3A_295 = tpu.vector_load %arg6[%parallel_loop3A_294] {strides = array<i32>} : memref<4096xi32, #tpu.memory_space<vmem>>, vector<16xi32>,
        tpu.vector_store %arg6[%parallel_loop3A_294], %broadcast_in_dim3A_3 {strides = array<i32>} : memref<4096xi32, #tpu.memory_space<vmem>>, vector<16xi32>,
        %parallel_loop3A_296 = arith.addi %parallel_loop3A_282, %parallel_loop3A_291 : vector<16xi32>
        %parallel_loop3A_297 = arith.constant 0 : i32
        %parallel_loop3A_298 = vector.broadcast %parallel_loop3A_297 : i32 to vector<16xi32>
        %parallel_loop3A_299 = arith.cmpi eq, %parallel_loop3A_283, %parallel_loop3A_298 : vector<16xi32>
        %parallel_loop3A_300 = arith.cmpi sge, %parallel_loop3A_296, %parallel_loop3A_252#3 : vector<16xi32>
        %parallel_loop3A_301 = arith.andi %parallel_loop3A_299, %parallel_loop3A_300 : vector<16xi1>
        %parallel_loop3A_302 = vector.broadcast %parallel_loop3A_287 : i32 to vector<16xi32>
        %parallel_loop3A_303 = arith.select %parallel_loop3A_301, %parallel_loop3A_302, %parallel_loop3A_284 : vector<16xi1>, vector<16xi32>
        %parallel_loop3A_304 = arith.subi %parallel_loop3A_252#3, %parallel_loop3A_282 : vector<16xi32>
        %parallel_loop3A_305 = arith.select %parallel_loop3A_301, %parallel_loop3A_304, %parallel_loop3A_285 : vector<16xi1>, vector<16xi32>
        %parallel_loop3A_306 = arith.constant 1 : i32
        %parallel_loop3A_307 = vector.broadcast %parallel_loop3A_306 : i32 to vector<16xi32>
        %parallel_loop3A_308 = arith.select %parallel_loop3A_301, %parallel_loop3A_307, %parallel_loop3A_283 : vector<16xi1>, vector<16xi32>
        scf.yield %parallel_loop3A_296, %parallel_loop3A_308, %parallel_loop3A_303, %parallel_loop3A_305 : vector<16xi32>, vector<16xi32>, vector<16xi32>, vector<16xi32>
      } {sc.loop_unroll_factor = 4 : i64, sc.parallel_access}
      %bitcast3A_265 = vector.bitcast %parallel_loop3A_264#2 : vector<16xi32> to vector<16xi32>
      %shift_left3A_266 = arith.constant 0 : i32
      %shift_left3A_267 = vector.broadcast %shift_left3A_266 : i32 to vector<16xi32>
      %shift_left3A_268 = arith.shli %bitcast3A_265, %shift_left3A_267 : vector<16xi32>
      %or3A_269 = arith.ori %or3A_257, %shift_left3A_268 : vector<16xi32>
      %ge3A = arith.constant -2147483648 : i32
      %ge3A_270 = vector.broadcast %ge3A : i32 to vector<16xi32>
      %ge3A_271 = arith.cmpi uge, %or3A_269, %ge3A_270 : vector<16xi32>
      %xor3A = arith.constant -2147483648 : i32
      %xor3A_272 = vector.broadcast %xor3A : i32 to vector<16xi32>
      %xor3A_273 = arith.xori %or3A_269, %xor3A_272 : vector<16xi32>
      %not3A = arith.constant dense<-1> : vector<16xi32>
      %not3A_274 = arith.xori %or3A_269, %not3A : vector<16xi32>
      %select_n3A_275 = arith.select %ge3A_271, %xor3A_273, %not3A_274 : vector<16xi1>, vector<16xi32>
      %bitcast3A_276 = vector.bitcast %select_n3A_275 : vector<16xi32> to vector<16xf32>
      %mul3A_277 = arith.constant 16 : i32
      %mul3A_278 = arith.muli %scan3A_63, %mul3A_277 : i32
      %swap3A = arith.index_cast %mul3A_278 : i32 to index
      %swap3A_279 = tpu.vector_load %arg7[%swap3A] {strides = array<i32>} : memref<128xf32, #tpu.memory_space<vmem>>, vector<16xf32>,
      tpu.vector_store %arg7[%swap3A], %bitcast3A_276 {strides = array<i32>} : memref<128xf32, #tpu.memory_space<vmem>>, vector<16xf32>,
      %scan3A_280 = arith.constant 0 : i32
      scf.yield %scan3A_280 : i32
    }
    %scan3A_60 = arith.constant 8 : i32
    %mul3A_61 = arith.constant 128 : i32
    %mul3A_62 = arith.muli %add3A, %mul3A_61 : i32
    "tpu.region"() ({
      %run_scoped3A = tpu.sem_alloc : memref<!tpu.dma_semaphore, #tpu.memory_space<semaphore_mem>>
      %dma_start3A_63 = tpu.memref_slice %arg3[%mul3A_62] : memref<4096xf32, #tpu.memory_space<hbm>> -> memref<128xf32, #tpu.memory_space<hbm>>
      %dma_start3A_64 = tpu.memref_slice %arg3[%mul3A_62] : memref<4096xf32, #tpu.memory_space<hbm>> -> memref<128xf32, #tpu.memory_space<hbm>>
      tpu.enqueue_dma source(%arg7 : memref<128xf32, #tpu.memory_space<vmem>>) target(%dma_start3A_64 : memref<128xf32, #tpu.memory_space<hbm>>) target_semaphore(%run_scoped3A : memref<!tpu.dma_semaphore, #tpu.memory_space<semaphore_mem>>)
      %dma_wait3A = tpu.memref_slice %arg3[%mul3A_62] : memref<4096xf32, #tpu.memory_space<hbm>> -> memref<128xf32, #tpu.memory_space<hbm>>
      %dma_wait3A_65 = tpu.memref_slice %arg3[%mul3A_62] : memref<4096xf32, #tpu.memory_space<hbm>> -> memref<128xf32, #tpu.memory_space<hbm>>
      tpu.wait_dma2 semaphore(%run_scoped3A : memref<!tpu.dma_semaphore, #tpu.memory_space<semaphore_mem>>) src(%arg7 : memref<128xf32, #tpu.memory_space<vmem>>) dst(%dma_wait3A_65 : memref<128xf32, #tpu.memory_space<hbm>>)
      tpu.yield
    }) : () -> ()
    return
  }
}

module attributes {stable_mosaic.version = 14 : i64} {
  func.func @_kv_body(%arg0: i32, %arg1: memref<1x1024x1024xf32, #tpu.memory_space<vmem>>, %arg2: memref<1024x1024xf32, #tpu.memory_space<vmem>>, %arg3: memref<1024x1024xf32, #tpu.memory_space<vmem>>, %arg4: memref<1024x1024xf32, #tpu.memory_space<vmem>>, %arg5: memref<256x1024xf32, #tpu.memory_space<vmem>>, %arg6: memref<256x1024xf32, #tpu.memory_space<vmem>>, %arg7: memref<256x1024xf32, #tpu.memory_space<vmem>>, %arg8: memref<1x1024xf32, #tpu.memory_space<vmem>>) attributes {dimension_semantics = [#tpu.dimension_semantics<arbitrary>], iteration_bounds = array<i64: 4>, scalar_prefetch = 0 : i64, scratch_operands = 2 : i64, tpu.core_type = #tpu.core_type<tc>, window_params = [{transform_indices = @transform_0, window_bounds = array<i64: 1, 1024, 1024>}, {pipeline_mode = #tpu.pipeline_mode<synchronous>, transform_indices = @transform_1, window_bounds = array<i64: 1024, 1024>}, {pipeline_mode = #tpu.pipeline_mode<synchronous>, transform_indices = @transform_2, window_bounds = array<i64: 1024, 1024>}, {pipeline_mode = #tpu.pipeline_mode<synchronous>, transform_indices = @transform_3, window_bounds = array<i64: 1024, 1024>}, {transform_indices = @transform_4, window_bounds = array<i64: 256, 1024>}, {transform_indices = @transform_5, window_bounds = array<i64: 256, 1024>}]} {
    %eq3A = arith.constant 0 : i32
    %eq3A_0 = arith.cmpi eq, %arg0, %eq3A : i32
    %convert_element_type3A = arith.extui %eq3A_0 : i1 to i32
    %cond3A = arith.constant 0 : i32
    %cond3A_1 = arith.cmpi ne, %convert_element_type3A, %cond3A : i32
    scf.if %cond3A_1 {
      %broadcast_in_dim3A_98 = arith.constant 0.000000e+00 : f32
      %broadcast_in_dim3A_99 = vector.broadcast %broadcast_in_dim3A_98 : f32 to vector<1x1024xf32>
      %swap3A_100 = arith.constant 0 : index
      %swap3A_101 = arith.constant 0 : index
      %swap3A_102 = vector.load %arg8[%swap3A_100, %swap3A_101] : memref<1x1024xf32, #tpu.memory_space<vmem>>, vector<1x1024xf32>
      tpu.vector_store %arg8[%swap3A_100, %swap3A_101], %broadcast_in_dim3A_99 {strides = array<i32>} : memref<1x1024xf32, #tpu.memory_space<vmem>>, vector<1x1024xf32>,
    } else {
    }
    %get3A = arith.constant 0 : index
    %get3A_2 = arith.constant 0 : index
    %get3A_3 = vector.load %arg8[%get3A, %get3A_2] : memref<1x1024xf32, #tpu.memory_space<vmem>>, vector<1x1024xf32>
    %broadcast_in_dim3A = arith.constant 0.000000e+00 : f32
    %broadcast_in_dim3A_4 = vector.broadcast %broadcast_in_dim3A : f32 to vector<1x1024xf32>
    %scan3A = arith.constant 0 : i32
    %scan3A_5 = arith.constant 32 : i32
    %scan3A_6 = arith.addi %scan3A, %scan3A_5 : i32
    %scan3A_7 = arith.constant 1 : i32
    %scan3A_8:2 = scf.for %scan3A_98 = %scan3A to %scan3A_6 step %scan3A_7 iter_args(%scan3A_99 = %broadcast_in_dim3A_4, %scan3A_100 = %get3A_3) -> (vector<1x1024xf32>, vector<1x1024xf32>)  : i32 {
      %mul3A = arith.constant 4 : i32
      %mul3A_101 = arith.muli %mul3A, %scan3A_98 : i32
      %add3A_102 = arith.constant 0 : i32
      %add3A_103 = arith.addi %add3A_102, %mul3A_101 : i32
      %get3A_104 = arith.constant 0 : index
      %get3A_105 = arith.index_cast %add3A_103 : i32 to index
      %get3A_106 = arith.constant 0 : index
      %get3A_107 = vector.load %arg1[%get3A_104, %get3A_105, %get3A_106] : memref<1x1024x1024xf32, #tpu.memory_space<vmem>>, vector<1x1x1024xf32>
      %get3A_108 = vector.shape_cast %get3A_107 : vector<1x1x1024xf32> to vector<1x1024xf32>
      %add3A_109 = arith.addf %scan3A_99, %get3A_108 : vector<1x1024xf32>
      %add3A_110 = arith.constant 1 : i32
      %add3A_111 = arith.addi %add3A_103, %add3A_110 : i32
      %get3A_112 = arith.constant 0 : index
      %get3A_113 = arith.index_cast %add3A_111 : i32 to index
      %get3A_114 = arith.constant 0 : index
      %get3A_115 = vector.load %arg1[%get3A_112, %get3A_113, %get3A_114] : memref<1x1024x1024xf32, #tpu.memory_space<vmem>>, vector<1x1x1024xf32>
      %get3A_116 = vector.shape_cast %get3A_115 : vector<1x1x1024xf32> to vector<1x1024xf32>
      %add3A_117 = arith.addf %add3A_109, %get3A_116 : vector<1x1024xf32>
      %add3A_118 = arith.constant 2 : i32
      %add3A_119 = arith.addi %add3A_103, %add3A_118 : i32
      %get3A_120 = arith.constant 0 : index
      %get3A_121 = arith.index_cast %add3A_119 : i32 to index
      %get3A_122 = arith.constant 0 : index
      %get3A_123 = vector.load %arg1[%get3A_120, %get3A_121, %get3A_122] : memref<1x1024x1024xf32, #tpu.memory_space<vmem>>, vector<1x1x1024xf32>
      %get3A_124 = vector.shape_cast %get3A_123 : vector<1x1x1024xf32> to vector<1x1024xf32>
      %add3A_125 = arith.addf %add3A_117, %get3A_124 : vector<1x1024xf32>
      %add3A_126 = arith.constant 3 : i32
      %add3A_127 = arith.addi %add3A_103, %add3A_126 : i32
      %get3A_128 = arith.constant 0 : index
      %get3A_129 = arith.index_cast %add3A_127 : i32 to index
      %get3A_130 = arith.constant 0 : index
      %get3A_131 = vector.load %arg1[%get3A_128, %get3A_129, %get3A_130] : memref<1x1024x1024xf32, #tpu.memory_space<vmem>>, vector<1x1x1024xf32>
      %get3A_132 = vector.shape_cast %get3A_131 : vector<1x1x1024xf32> to vector<1x1024xf32>
      %add3A_133 = arith.addf %add3A_125, %get3A_132 : vector<1x1024xf32>
      %add3A_134 = arith.addf %add3A_133, %get3A_3 : vector<1x1024xf32>
      %sub3A = arith.subf %add3A_134, %scan3A_100 : vector<1x1024xf32>
      %mul3A_135 = arith.constant 2.500000e-01 : f32
      %mul3A_136 = vector.broadcast %mul3A_135 : f32 to vector<1x1024xf32>
      %mul3A_137 = arith.mulf %sub3A, %mul3A_136 : vector<1x1024xf32>
      %add3A_138 = arith.constant 0 : i32
      %add3A_139 = arith.addi %add3A_138, %scan3A_98 : i32
      %swap3A_140 = arith.index_cast %add3A_139 : i32 to index
      %swap3A_141 = arith.constant 0 : index
      %swap3A_142 = vector.load %arg7[%swap3A_140, %swap3A_141] : memref<256x1024xf32, #tpu.memory_space<vmem>>, vector<1x1024xf32>
      tpu.vector_store %arg7[%swap3A_140, %swap3A_141], %mul3A_137 {strides = array<i32>} : memref<256x1024xf32, #tpu.memory_space<vmem>>, vector<1x1024xf32>,
      scf.yield %add3A_133, %add3A_134 : vector<1x1024xf32>, vector<1x1024xf32>
    }
    %scan3A_9 = arith.constant 32 : i32
    %add3A = arith.addf %get3A_3, %scan3A_8#0 : vector<1x1024xf32>
    %broadcast_in_dim3A_10 = arith.constant 0.000000e+00 : f32
    %broadcast_in_dim3A_11 = vector.broadcast %broadcast_in_dim3A_10 : f32 to vector<1x1024xf32>
    %scan3A_12 = arith.constant 0 : i32
    %scan3A_13 = arith.constant 32 : i32
    %scan3A_14 = arith.addi %scan3A_12, %scan3A_13 : i32
    %scan3A_15 = arith.constant 1 : i32
    %scan3A_16:2 = scf.for %scan3A_98 = %scan3A_12 to %scan3A_14 step %scan3A_15 iter_args(%scan3A_99 = %broadcast_in_dim3A_11, %scan3A_100 = %add3A) -> (vector<1x1024xf32>, vector<1x1024xf32>)  : i32 {
      %mul3A = arith.constant 4 : i32
      %mul3A_101 = arith.muli %mul3A, %scan3A_98 : i32
      %add3A_102 = arith.constant 128 : i32
      %add3A_103 = arith.addi %add3A_102, %mul3A_101 : i32
      %get3A_104 = arith.constant 0 : index
      %get3A_105 = arith.index_cast %add3A_103 : i32 to index
      %get3A_106 = arith.constant 0 : index
      %get3A_107 = vector.load %arg1[%get3A_104, %get3A_105, %get3A_106] : memref<1x1024x1024xf32, #tpu.memory_space<vmem>>, vector<1x1x1024xf32>
      %get3A_108 = vector.shape_cast %get3A_107 : vector<1x1x1024xf32> to vector<1x1024xf32>
      %add3A_109 = arith.addf %scan3A_99, %get3A_108 : vector<1x1024xf32>
      %add3A_110 = arith.constant 1 : i32
      %add3A_111 = arith.addi %add3A_103, %add3A_110 : i32
      %get3A_112 = arith.constant 0 : index
      %get3A_113 = arith.index_cast %add3A_111 : i32 to index
      %get3A_114 = arith.constant 0 : index
      %get3A_115 = vector.load %arg1[%get3A_112, %get3A_113, %get3A_114] : memref<1x1024x1024xf32, #tpu.memory_space<vmem>>, vector<1x1x1024xf32>
      %get3A_116 = vector.shape_cast %get3A_115 : vector<1x1x1024xf32> to vector<1x1024xf32>
      %add3A_117 = arith.addf %add3A_109, %get3A_116 : vector<1x1024xf32>
      %add3A_118 = arith.constant 2 : i32
      %add3A_119 = arith.addi %add3A_103, %add3A_118 : i32
      %get3A_120 = arith.constant 0 : index
      %get3A_121 = arith.index_cast %add3A_119 : i32 to index
      %get3A_122 = arith.constant 0 : index
      %get3A_123 = vector.load %arg1[%get3A_120, %get3A_121, %get3A_122] : memref<1x1024x1024xf32, #tpu.memory_space<vmem>>, vector<1x1x1024xf32>
      %get3A_124 = vector.shape_cast %get3A_123 : vector<1x1x1024xf32> to vector<1x1024xf32>
      %add3A_125 = arith.addf %add3A_117, %get3A_124 : vector<1x1024xf32>
      %add3A_126 = arith.constant 3 : i32
      %add3A_127 = arith.addi %add3A_103, %add3A_126 : i32
      %get3A_128 = arith.constant 0 : index
      %get3A_129 = arith.index_cast %add3A_127 : i32 to index
      %get3A_130 = arith.constant 0 : index
      %get3A_131 = vector.load %arg1[%get3A_128, %get3A_129, %get3A_130] : memref<1x1024x1024xf32, #tpu.memory_space<vmem>>, vector<1x1x1024xf32>
      %get3A_132 = vector.shape_cast %get3A_131 : vector<1x1x1024xf32> to vector<1x1024xf32>
      %add3A_133 = arith.addf %add3A_125, %get3A_132 : vector<1x1024xf32>
      %add3A_134 = arith.addf %add3A_133, %add3A : vector<1x1024xf32>
      %sub3A = arith.subf %add3A_134, %scan3A_100 : vector<1x1024xf32>
      %mul3A_135 = arith.constant 2.500000e-01 : f32
      %mul3A_136 = vector.broadcast %mul3A_135 : f32 to vector<1x1024xf32>
      %mul3A_137 = arith.mulf %sub3A, %mul3A_136 : vector<1x1024xf32>
      %add3A_138 = arith.constant 32 : i32
      %add3A_139 = arith.addi %add3A_138, %scan3A_98 : i32
      %swap3A_140 = arith.index_cast %add3A_139 : i32 to index
      %swap3A_141 = arith.constant 0 : index
      %swap3A_142 = vector.load %arg7[%swap3A_140, %swap3A_141] : memref<256x1024xf32, #tpu.memory_space<vmem>>, vector<1x1024xf32>
      tpu.vector_store %arg7[%swap3A_140, %swap3A_141], %mul3A_137 {strides = array<i32>} : memref<256x1024xf32, #tpu.memory_space<vmem>>, vector<1x1024xf32>,
      scf.yield %add3A_133, %add3A_134 : vector<1x1024xf32>, vector<1x1024xf32>
    }
    %scan3A_17 = arith.constant 32 : i32
    %add3A_18 = arith.addf %add3A, %scan3A_16#0 : vector<1x1024xf32>
    %broadcast_in_dim3A_19 = arith.constant 0.000000e+00 : f32
    %broadcast_in_dim3A_20 = vector.broadcast %broadcast_in_dim3A_19 : f32 to vector<1x1024xf32>
    %scan3A_21 = arith.constant 0 : i32
    %scan3A_22 = arith.constant 32 : i32
    %scan3A_23 = arith.addi %scan3A_21, %scan3A_22 : i32
    %scan3A_24 = arith.constant 1 : i32
    %scan3A_25:2 = scf.for %scan3A_98 = %scan3A_21 to %scan3A_23 step %scan3A_24 iter_args(%scan3A_99 = %broadcast_in_dim3A_20, %scan3A_100 = %add3A_18) -> (vector<1x1024xf32>, vector<1x1024xf32>)  : i32 {
      %mul3A = arith.constant 4 : i32
      %mul3A_101 = arith.muli %mul3A, %scan3A_98 : i32
      %add3A_102 = arith.constant 256 : i32
      %add3A_103 = arith.addi %add3A_102, %mul3A_101 : i32
      %get3A_104 = arith.constant 0 : index
      %get3A_105 = arith.index_cast %add3A_103 : i32 to index
      %get3A_106 = arith.constant 0 : index
      %get3A_107 = vector.load %arg1[%get3A_104, %get3A_105, %get3A_106] : memref<1x1024x1024xf32, #tpu.memory_space<vmem>>, vector<1x1x1024xf32>
      %get3A_108 = vector.shape_cast %get3A_107 : vector<1x1x1024xf32> to vector<1x1024xf32>
      %add3A_109 = arith.addf %scan3A_99, %get3A_108 : vector<1x1024xf32>
      %add3A_110 = arith.constant 1 : i32
      %add3A_111 = arith.addi %add3A_103, %add3A_110 : i32
      %get3A_112 = arith.constant 0 : index
      %get3A_113 = arith.index_cast %add3A_111 : i32 to index
      %get3A_114 = arith.constant 0 : index
      %get3A_115 = vector.load %arg1[%get3A_112, %get3A_113, %get3A_114] : memref<1x1024x1024xf32, #tpu.memory_space<vmem>>, vector<1x1x1024xf32>
      %get3A_116 = vector.shape_cast %get3A_115 : vector<1x1x1024xf32> to vector<1x1024xf32>
      %add3A_117 = arith.addf %add3A_109, %get3A_116 : vector<1x1024xf32>
      %add3A_118 = arith.constant 2 : i32
      %add3A_119 = arith.addi %add3A_103, %add3A_118 : i32
      %get3A_120 = arith.constant 0 : index
      %get3A_121 = arith.index_cast %add3A_119 : i32 to index
      %get3A_122 = arith.constant 0 : index
      %get3A_123 = vector.load %arg1[%get3A_120, %get3A_121, %get3A_122] : memref<1x1024x1024xf32, #tpu.memory_space<vmem>>, vector<1x1x1024xf32>
      %get3A_124 = vector.shape_cast %get3A_123 : vector<1x1x1024xf32> to vector<1x1024xf32>
      %add3A_125 = arith.addf %add3A_117, %get3A_124 : vector<1x1024xf32>
      %add3A_126 = arith.constant 3 : i32
      %add3A_127 = arith.addi %add3A_103, %add3A_126 : i32
      %get3A_128 = arith.constant 0 : index
      %get3A_129 = arith.index_cast %add3A_127 : i32 to index
      %get3A_130 = arith.constant 0 : index
      %get3A_131 = vector.load %arg1[%get3A_128, %get3A_129, %get3A_130] : memref<1x1024x1024xf32, #tpu.memory_space<vmem>>, vector<1x1x1024xf32>
      %get3A_132 = vector.shape_cast %get3A_131 : vector<1x1x1024xf32> to vector<1x1024xf32>
      %add3A_133 = arith.addf %add3A_125, %get3A_132 : vector<1x1024xf32>
      %add3A_134 = arith.addf %add3A_133, %add3A_18 : vector<1x1024xf32>
      %sub3A = arith.subf %add3A_134, %scan3A_100 : vector<1x1024xf32>
      %mul3A_135 = arith.constant 2.500000e-01 : f32
      %mul3A_136 = vector.broadcast %mul3A_135 : f32 to vector<1x1024xf32>
      %mul3A_137 = arith.mulf %sub3A, %mul3A_136 : vector<1x1024xf32>
      %add3A_138 = arith.constant 64 : i32
      %add3A_139 = arith.addi %add3A_138, %scan3A_98 : i32
      %swap3A_140 = arith.index_cast %add3A_139 : i32 to index
      %swap3A_141 = arith.constant 0 : index
      %swap3A_142 = vector.load %arg7[%swap3A_140, %swap3A_141] : memref<256x1024xf32, #tpu.memory_space<vmem>>, vector<1x1024xf32>
      tpu.vector_store %arg7[%swap3A_140, %swap3A_141], %mul3A_137 {strides = array<i32>} : memref<256x1024xf32, #tpu.memory_space<vmem>>, vector<1x1024xf32>,
      scf.yield %add3A_133, %add3A_134 : vector<1x1024xf32>, vector<1x1024xf32>
    }
    %scan3A_26 = arith.constant 32 : i32
    %add3A_27 = arith.addf %add3A_18, %scan3A_25#0 : vector<1x1024xf32>
    %broadcast_in_dim3A_28 = arith.constant 0.000000e+00 : f32
    %broadcast_in_dim3A_29 = vector.broadcast %broadcast_in_dim3A_28 : f32 to vector<1x1024xf32>
    %scan3A_30 = arith.constant 0 : i32
    %scan3A_31 = arith.constant 32 : i32
    %scan3A_32 = arith.addi %scan3A_30, %scan3A_31 : i32
    %scan3A_33 = arith.constant 1 : i32
    %scan3A_34:2 = scf.for %scan3A_98 = %scan3A_30 to %scan3A_32 step %scan3A_33 iter_args(%scan3A_99 = %broadcast_in_dim3A_29, %scan3A_100 = %add3A_27) -> (vector<1x1024xf32>, vector<1x1024xf32>)  : i32 {
      %mul3A = arith.constant 4 : i32
      %mul3A_101 = arith.muli %mul3A, %scan3A_98 : i32
      %add3A_102 = arith.constant 384 : i32
      %add3A_103 = arith.addi %add3A_102, %mul3A_101 : i32
      %get3A_104 = arith.constant 0 : index
      %get3A_105 = arith.index_cast %add3A_103 : i32 to index
      %get3A_106 = arith.constant 0 : index
      %get3A_107 = vector.load %arg1[%get3A_104, %get3A_105, %get3A_106] : memref<1x1024x1024xf32, #tpu.memory_space<vmem>>, vector<1x1x1024xf32>
      %get3A_108 = vector.shape_cast %get3A_107 : vector<1x1x1024xf32> to vector<1x1024xf32>
      %add3A_109 = arith.addf %scan3A_99, %get3A_108 : vector<1x1024xf32>
      %add3A_110 = arith.constant 1 : i32
      %add3A_111 = arith.addi %add3A_103, %add3A_110 : i32
      %get3A_112 = arith.constant 0 : index
      %get3A_113 = arith.index_cast %add3A_111 : i32 to index
      %get3A_114 = arith.constant 0 : index
      %get3A_115 = vector.load %arg1[%get3A_112, %get3A_113, %get3A_114] : memref<1x1024x1024xf32, #tpu.memory_space<vmem>>, vector<1x1x1024xf32>
      %get3A_116 = vector.shape_cast %get3A_115 : vector<1x1x1024xf32> to vector<1x1024xf32>
      %add3A_117 = arith.addf %add3A_109, %get3A_116 : vector<1x1024xf32>
      %add3A_118 = arith.constant 2 : i32
      %add3A_119 = arith.addi %add3A_103, %add3A_118 : i32
      %get3A_120 = arith.constant 0 : index
      %get3A_121 = arith.index_cast %add3A_119 : i32 to index
      %get3A_122 = arith.constant 0 : index
      %get3A_123 = vector.load %arg1[%get3A_120, %get3A_121, %get3A_122] : memref<1x1024x1024xf32, #tpu.memory_space<vmem>>, vector<1x1x1024xf32>
      %get3A_124 = vector.shape_cast %get3A_123 : vector<1x1x1024xf32> to vector<1x1024xf32>
      %add3A_125 = arith.addf %add3A_117, %get3A_124 : vector<1x1024xf32>
      %add3A_126 = arith.constant 3 : i32
      %add3A_127 = arith.addi %add3A_103, %add3A_126 : i32
      %get3A_128 = arith.constant 0 : index
      %get3A_129 = arith.index_cast %add3A_127 : i32 to index
      %get3A_130 = arith.constant 0 : index
      %get3A_131 = vector.load %arg1[%get3A_128, %get3A_129, %get3A_130] : memref<1x1024x1024xf32, #tpu.memory_space<vmem>>, vector<1x1x1024xf32>
      %get3A_132 = vector.shape_cast %get3A_131 : vector<1x1x1024xf32> to vector<1x1024xf32>
      %add3A_133 = arith.addf %add3A_125, %get3A_132 : vector<1x1024xf32>
      %add3A_134 = arith.addf %add3A_133, %add3A_27 : vector<1x1024xf32>
      %sub3A = arith.subf %add3A_134, %scan3A_100 : vector<1x1024xf32>
      %mul3A_135 = arith.constant 2.500000e-01 : f32
      %mul3A_136 = vector.broadcast %mul3A_135 : f32 to vector<1x1024xf32>
      %mul3A_137 = arith.mulf %sub3A, %mul3A_136 : vector<1x1024xf32>
      %add3A_138 = arith.constant 96 : i32
      %add3A_139 = arith.addi %add3A_138, %scan3A_98 : i32
      %swap3A_140 = arith.index_cast %add3A_139 : i32 to index
      %swap3A_141 = arith.constant 0 : index
      %swap3A_142 = vector.load %arg7[%swap3A_140, %swap3A_141] : memref<256x1024xf32, #tpu.memory_space<vmem>>, vector<1x1024xf32>
      tpu.vector_store %arg7[%swap3A_140, %swap3A_141], %mul3A_137 {strides = array<i32>} : memref<256x1024xf32, #tpu.memory_space<vmem>>, vector<1x1024xf32>,
      scf.yield %add3A_133, %add3A_134 : vector<1x1024xf32>, vector<1x1024xf32>
    }
    %scan3A_35 = arith.constant 32 : i32
    %add3A_36 = arith.addf %add3A_27, %scan3A_34#0 : vector<1x1024xf32>
    %broadcast_in_dim3A_37 = arith.constant 0.000000e+00 : f32
    %broadcast_in_dim3A_38 = vector.broadcast %broadcast_in_dim3A_37 : f32 to vector<1x1024xf32>
    %scan3A_39 = arith.constant 0 : i32
    %scan3A_40 = arith.constant 32 : i32
    %scan3A_41 = arith.addi %scan3A_39, %scan3A_40 : i32
    %scan3A_42 = arith.constant 1 : i32
    %scan3A_43:2 = scf.for %scan3A_98 = %scan3A_39 to %scan3A_41 step %scan3A_42 iter_args(%scan3A_99 = %broadcast_in_dim3A_38, %scan3A_100 = %add3A_36) -> (vector<1x1024xf32>, vector<1x1024xf32>)  : i32 {
      %mul3A = arith.constant 4 : i32
      %mul3A_101 = arith.muli %mul3A, %scan3A_98 : i32
      %add3A_102 = arith.constant 512 : i32
      %add3A_103 = arith.addi %add3A_102, %mul3A_101 : i32
      %get3A_104 = arith.constant 0 : index
      %get3A_105 = arith.index_cast %add3A_103 : i32 to index
      %get3A_106 = arith.constant 0 : index
      %get3A_107 = vector.load %arg1[%get3A_104, %get3A_105, %get3A_106] : memref<1x1024x1024xf32, #tpu.memory_space<vmem>>, vector<1x1x1024xf32>
      %get3A_108 = vector.shape_cast %get3A_107 : vector<1x1x1024xf32> to vector<1x1024xf32>
      %add3A_109 = arith.addf %scan3A_99, %get3A_108 : vector<1x1024xf32>
      %add3A_110 = arith.constant 1 : i32
      %add3A_111 = arith.addi %add3A_103, %add3A_110 : i32
      %get3A_112 = arith.constant 0 : index
      %get3A_113 = arith.index_cast %add3A_111 : i32 to index
      %get3A_114 = arith.constant 0 : index
      %get3A_115 = vector.load %arg1[%get3A_112, %get3A_113, %get3A_114] : memref<1x1024x1024xf32, #tpu.memory_space<vmem>>, vector<1x1x1024xf32>
      %get3A_116 = vector.shape_cast %get3A_115 : vector<1x1x1024xf32> to vector<1x1024xf32>
      %add3A_117 = arith.addf %add3A_109, %get3A_116 : vector<1x1024xf32>
      %add3A_118 = arith.constant 2 : i32
      %add3A_119 = arith.addi %add3A_103, %add3A_118 : i32
      %get3A_120 = arith.constant 0 : index
      %get3A_121 = arith.index_cast %add3A_119 : i32 to index
      %get3A_122 = arith.constant 0 : index
      %get3A_123 = vector.load %arg1[%get3A_120, %get3A_121, %get3A_122] : memref<1x1024x1024xf32, #tpu.memory_space<vmem>>, vector<1x1x1024xf32>
      %get3A_124 = vector.shape_cast %get3A_123 : vector<1x1x1024xf32> to vector<1x1024xf32>
      %add3A_125 = arith.addf %add3A_117, %get3A_124 : vector<1x1024xf32>
      %add3A_126 = arith.constant 3 : i32
      %add3A_127 = arith.addi %add3A_103, %add3A_126 : i32
      %get3A_128 = arith.constant 0 : index
      %get3A_129 = arith.index_cast %add3A_127 : i32 to index
      %get3A_130 = arith.constant 0 : index
      %get3A_131 = vector.load %arg1[%get3A_128, %get3A_129, %get3A_130] : memref<1x1024x1024xf32, #tpu.memory_space<vmem>>, vector<1x1x1024xf32>
      %get3A_132 = vector.shape_cast %get3A_131 : vector<1x1x1024xf32> to vector<1x1024xf32>
      %add3A_133 = arith.addf %add3A_125, %get3A_132 : vector<1x1024xf32>
      %add3A_134 = arith.addf %add3A_133, %add3A_36 : vector<1x1024xf32>
      %sub3A = arith.subf %add3A_134, %scan3A_100 : vector<1x1024xf32>
      %mul3A_135 = arith.constant 2.500000e-01 : f32
      %mul3A_136 = vector.broadcast %mul3A_135 : f32 to vector<1x1024xf32>
      %mul3A_137 = arith.mulf %sub3A, %mul3A_136 : vector<1x1024xf32>
      %add3A_138 = arith.constant 128 : i32
      %add3A_139 = arith.addi %add3A_138, %scan3A_98 : i32
      %swap3A_140 = arith.index_cast %add3A_139 : i32 to index
      %swap3A_141 = arith.constant 0 : index
      %swap3A_142 = vector.load %arg7[%swap3A_140, %swap3A_141] : memref<256x1024xf32, #tpu.memory_space<vmem>>, vector<1x1024xf32>
      tpu.vector_store %arg7[%swap3A_140, %swap3A_141], %mul3A_137 {strides = array<i32>} : memref<256x1024xf32, #tpu.memory_space<vmem>>, vector<1x1024xf32>,
      scf.yield %add3A_133, %add3A_134 : vector<1x1024xf32>, vector<1x1024xf32>
    }
    %scan3A_44 = arith.constant 32 : i32
    %add3A_45 = arith.addf %add3A_36, %scan3A_43#0 : vector<1x1024xf32>
    %broadcast_in_dim3A_46 = arith.constant 0.000000e+00 : f32
    %broadcast_in_dim3A_47 = vector.broadcast %broadcast_in_dim3A_46 : f32 to vector<1x1024xf32>
    %scan3A_48 = arith.constant 0 : i32
    %scan3A_49 = arith.constant 32 : i32
    %scan3A_50 = arith.addi %scan3A_48, %scan3A_49 : i32
    %scan3A_51 = arith.constant 1 : i32
    %scan3A_52:2 = scf.for %scan3A_98 = %scan3A_48 to %scan3A_50 step %scan3A_51 iter_args(%scan3A_99 = %broadcast_in_dim3A_47, %scan3A_100 = %add3A_45) -> (vector<1x1024xf32>, vector<1x1024xf32>)  : i32 {
      %mul3A = arith.constant 4 : i32
      %mul3A_101 = arith.muli %mul3A, %scan3A_98 : i32
      %add3A_102 = arith.constant 640 : i32
      %add3A_103 = arith.addi %add3A_102, %mul3A_101 : i32
      %get3A_104 = arith.constant 0 : index
      %get3A_105 = arith.index_cast %add3A_103 : i32 to index
      %get3A_106 = arith.constant 0 : index
      %get3A_107 = vector.load %arg1[%get3A_104, %get3A_105, %get3A_106] : memref<1x1024x1024xf32, #tpu.memory_space<vmem>>, vector<1x1x1024xf32>
      %get3A_108 = vector.shape_cast %get3A_107 : vector<1x1x1024xf32> to vector<1x1024xf32>
      %add3A_109 = arith.addf %scan3A_99, %get3A_108 : vector<1x1024xf32>
      %add3A_110 = arith.constant 1 : i32
      %add3A_111 = arith.addi %add3A_103, %add3A_110 : i32
      %get3A_112 = arith.constant 0 : index
      %get3A_113 = arith.index_cast %add3A_111 : i32 to index
      %get3A_114 = arith.constant 0 : index
      %get3A_115 = vector.load %arg1[%get3A_112, %get3A_113, %get3A_114] : memref<1x1024x1024xf32, #tpu.memory_space<vmem>>, vector<1x1x1024xf32>
      %get3A_116 = vector.shape_cast %get3A_115 : vector<1x1x1024xf32> to vector<1x1024xf32>
      %add3A_117 = arith.addf %add3A_109, %get3A_116 : vector<1x1024xf32>
      %add3A_118 = arith.constant 2 : i32
      %add3A_119 = arith.addi %add3A_103, %add3A_118 : i32
      %get3A_120 = arith.constant 0 : index
      %get3A_121 = arith.index_cast %add3A_119 : i32 to index
      %get3A_122 = arith.constant 0 : index
      %get3A_123 = vector.load %arg1[%get3A_120, %get3A_121, %get3A_122] : memref<1x1024x1024xf32, #tpu.memory_space<vmem>>, vector<1x1x1024xf32>
      %get3A_124 = vector.shape_cast %get3A_123 : vector<1x1x1024xf32> to vector<1x1024xf32>
      %add3A_125 = arith.addf %add3A_117, %get3A_124 : vector<1x1024xf32>
      %add3A_126 = arith.constant 3 : i32
      %add3A_127 = arith.addi %add3A_103, %add3A_126 : i32
      %get3A_128 = arith.constant 0 : index
      %get3A_129 = arith.index_cast %add3A_127 : i32 to index
      %get3A_130 = arith.constant 0 : index
      %get3A_131 = vector.load %arg1[%get3A_128, %get3A_129, %get3A_130] : memref<1x1024x1024xf32, #tpu.memory_space<vmem>>, vector<1x1x1024xf32>
      %get3A_132 = vector.shape_cast %get3A_131 : vector<1x1x1024xf32> to vector<1x1024xf32>
      %add3A_133 = arith.addf %add3A_125, %get3A_132 : vector<1x1024xf32>
      %add3A_134 = arith.addf %add3A_133, %add3A_45 : vector<1x1024xf32>
      %sub3A = arith.subf %add3A_134, %scan3A_100 : vector<1x1024xf32>
      %mul3A_135 = arith.constant 2.500000e-01 : f32
      %mul3A_136 = vector.broadcast %mul3A_135 : f32 to vector<1x1024xf32>
      %mul3A_137 = arith.mulf %sub3A, %mul3A_136 : vector<1x1024xf32>
      %add3A_138 = arith.constant 160 : i32
      %add3A_139 = arith.addi %add3A_138, %scan3A_98 : i32
      %swap3A_140 = arith.index_cast %add3A_139 : i32 to index
      %swap3A_141 = arith.constant 0 : index
      %swap3A_142 = vector.load %arg7[%swap3A_140, %swap3A_141] : memref<256x1024xf32, #tpu.memory_space<vmem>>, vector<1x1024xf32>
      tpu.vector_store %arg7[%swap3A_140, %swap3A_141], %mul3A_137 {strides = array<i32>} : memref<256x1024xf32, #tpu.memory_space<vmem>>, vector<1x1024xf32>,
      scf.yield %add3A_133, %add3A_134 : vector<1x1024xf32>, vector<1x1024xf32>
    }
    %scan3A_53 = arith.constant 32 : i32
    %add3A_54 = arith.addf %add3A_45, %scan3A_52#0 : vector<1x1024xf32>
    %broadcast_in_dim3A_55 = arith.constant 0.000000e+00 : f32
    %broadcast_in_dim3A_56 = vector.broadcast %broadcast_in_dim3A_55 : f32 to vector<1x1024xf32>
    %scan3A_57 = arith.constant 0 : i32
    %scan3A_58 = arith.constant 32 : i32
    %scan3A_59 = arith.addi %scan3A_57, %scan3A_58 : i32
    %scan3A_60 = arith.constant 1 : i32
    %scan3A_61:2 = scf.for %scan3A_98 = %scan3A_57 to %scan3A_59 step %scan3A_60 iter_args(%scan3A_99 = %broadcast_in_dim3A_56, %scan3A_100 = %add3A_54) -> (vector<1x1024xf32>, vector<1x1024xf32>)  : i32 {
      %mul3A = arith.constant 4 : i32
      %mul3A_101 = arith.muli %mul3A, %scan3A_98 : i32
      %add3A_102 = arith.constant 768 : i32
      %add3A_103 = arith.addi %add3A_102, %mul3A_101 : i32
      %get3A_104 = arith.constant 0 : index
      %get3A_105 = arith.index_cast %add3A_103 : i32 to index
      %get3A_106 = arith.constant 0 : index
      %get3A_107 = vector.load %arg1[%get3A_104, %get3A_105, %get3A_106] : memref<1x1024x1024xf32, #tpu.memory_space<vmem>>, vector<1x1x1024xf32>
      %get3A_108 = vector.shape_cast %get3A_107 : vector<1x1x1024xf32> to vector<1x1024xf32>
      %add3A_109 = arith.addf %scan3A_99, %get3A_108 : vector<1x1024xf32>
      %add3A_110 = arith.constant 1 : i32
      %add3A_111 = arith.addi %add3A_103, %add3A_110 : i32
      %get3A_112 = arith.constant 0 : index
      %get3A_113 = arith.index_cast %add3A_111 : i32 to index
      %get3A_114 = arith.constant 0 : index
      %get3A_115 = vector.load %arg1[%get3A_112, %get3A_113, %get3A_114] : memref<1x1024x1024xf32, #tpu.memory_space<vmem>>, vector<1x1x1024xf32>
      %get3A_116 = vector.shape_cast %get3A_115 : vector<1x1x1024xf32> to vector<1x1024xf32>
      %add3A_117 = arith.addf %add3A_109, %get3A_116 : vector<1x1024xf32>
      %add3A_118 = arith.constant 2 : i32
      %add3A_119 = arith.addi %add3A_103, %add3A_118 : i32
      %get3A_120 = arith.constant 0 : index
      %get3A_121 = arith.index_cast %add3A_119 : i32 to index
      %get3A_122 = arith.constant 0 : index
      %get3A_123 = vector.load %arg1[%get3A_120, %get3A_121, %get3A_122] : memref<1x1024x1024xf32, #tpu.memory_space<vmem>>, vector<1x1x1024xf32>
      %get3A_124 = vector.shape_cast %get3A_123 : vector<1x1x1024xf32> to vector<1x1024xf32>
      %add3A_125 = arith.addf %add3A_117, %get3A_124 : vector<1x1024xf32>
      %add3A_126 = arith.constant 3 : i32
      %add3A_127 = arith.addi %add3A_103, %add3A_126 : i32
      %get3A_128 = arith.constant 0 : index
      %get3A_129 = arith.index_cast %add3A_127 : i32 to index
      %get3A_130 = arith.constant 0 : index
      %get3A_131 = vector.load %arg1[%get3A_128, %get3A_129, %get3A_130] : memref<1x1024x1024xf32, #tpu.memory_space<vmem>>, vector<1x1x1024xf32>
      %get3A_132 = vector.shape_cast %get3A_131 : vector<1x1x1024xf32> to vector<1x1024xf32>
      %add3A_133 = arith.addf %add3A_125, %get3A_132 : vector<1x1024xf32>
      %add3A_134 = arith.addf %add3A_133, %add3A_54 : vector<1x1024xf32>
      %sub3A = arith.subf %add3A_134, %scan3A_100 : vector<1x1024xf32>
      %mul3A_135 = arith.constant 2.500000e-01 : f32
      %mul3A_136 = vector.broadcast %mul3A_135 : f32 to vector<1x1024xf32>
      %mul3A_137 = arith.mulf %sub3A, %mul3A_136 : vector<1x1024xf32>
      %add3A_138 = arith.constant 192 : i32
      %add3A_139 = arith.addi %add3A_138, %scan3A_98 : i32
      %swap3A_140 = arith.index_cast %add3A_139 : i32 to index
      %swap3A_141 = arith.constant 0 : index
      %swap3A_142 = vector.load %arg7[%swap3A_140, %swap3A_141] : memref<256x1024xf32, #tpu.memory_space<vmem>>, vector<1x1024xf32>
      tpu.vector_store %arg7[%swap3A_140, %swap3A_141], %mul3A_137 {strides = array<i32>} : memref<256x1024xf32, #tpu.memory_space<vmem>>, vector<1x1024xf32>,
      scf.yield %add3A_133, %add3A_134 : vector<1x1024xf32>, vector<1x1024xf32>
    }
    %scan3A_62 = arith.constant 32 : i32
    %add3A_63 = arith.addf %add3A_54, %scan3A_61#0 : vector<1x1024xf32>
    %broadcast_in_dim3A_64 = arith.constant 0.000000e+00 : f32
    %broadcast_in_dim3A_65 = vector.broadcast %broadcast_in_dim3A_64 : f32 to vector<1x1024xf32>
    %scan3A_66 = arith.constant 0 : i32
    %scan3A_67 = arith.constant 32 : i32
    %scan3A_68 = arith.addi %scan3A_66, %scan3A_67 : i32
    %scan3A_69 = arith.constant 1 : i32
    %scan3A_70:2 = scf.for %scan3A_98 = %scan3A_66 to %scan3A_68 step %scan3A_69 iter_args(%scan3A_99 = %broadcast_in_dim3A_65, %scan3A_100 = %add3A_63) -> (vector<1x1024xf32>, vector<1x1024xf32>)  : i32 {
      %mul3A = arith.constant 4 : i32
      %mul3A_101 = arith.muli %mul3A, %scan3A_98 : i32
      %add3A_102 = arith.constant 896 : i32
      %add3A_103 = arith.addi %add3A_102, %mul3A_101 : i32
      %get3A_104 = arith.constant 0 : index
      %get3A_105 = arith.index_cast %add3A_103 : i32 to index
      %get3A_106 = arith.constant 0 : index
      %get3A_107 = vector.load %arg1[%get3A_104, %get3A_105, %get3A_106] : memref<1x1024x1024xf32, #tpu.memory_space<vmem>>, vector<1x1x1024xf32>
      %get3A_108 = vector.shape_cast %get3A_107 : vector<1x1x1024xf32> to vector<1x1024xf32>
      %add3A_109 = arith.addf %scan3A_99, %get3A_108 : vector<1x1024xf32>
      %add3A_110 = arith.constant 1 : i32
      %add3A_111 = arith.addi %add3A_103, %add3A_110 : i32
      %get3A_112 = arith.constant 0 : index
      %get3A_113 = arith.index_cast %add3A_111 : i32 to index
      %get3A_114 = arith.constant 0 : index
      %get3A_115 = vector.load %arg1[%get3A_112, %get3A_113, %get3A_114] : memref<1x1024x1024xf32, #tpu.memory_space<vmem>>, vector<1x1x1024xf32>
      %get3A_116 = vector.shape_cast %get3A_115 : vector<1x1x1024xf32> to vector<1x1024xf32>
      %add3A_117 = arith.addf %add3A_109, %get3A_116 : vector<1x1024xf32>
      %add3A_118 = arith.constant 2 : i32
      %add3A_119 = arith.addi %add3A_103, %add3A_118 : i32
      %get3A_120 = arith.constant 0 : index
      %get3A_121 = arith.index_cast %add3A_119 : i32 to index
      %get3A_122 = arith.constant 0 : index
      %get3A_123 = vector.load %arg1[%get3A_120, %get3A_121, %get3A_122] : memref<1x1024x1024xf32, #tpu.memory_space<vmem>>, vector<1x1x1024xf32>
      %get3A_124 = vector.shape_cast %get3A_123 : vector<1x1x1024xf32> to vector<1x1024xf32>
      %add3A_125 = arith.addf %add3A_117, %get3A_124 : vector<1x1024xf32>
      %add3A_126 = arith.constant 3 : i32
      %add3A_127 = arith.addi %add3A_103, %add3A_126 : i32
      %get3A_128 = arith.constant 0 : index
      %get3A_129 = arith.index_cast %add3A_127 : i32 to index
      %get3A_130 = arith.constant 0 : index
      %get3A_131 = vector.load %arg1[%get3A_128, %get3A_129, %get3A_130] : memref<1x1024x1024xf32, #tpu.memory_space<vmem>>, vector<1x1x1024xf32>
      %get3A_132 = vector.shape_cast %get3A_131 : vector<1x1x1024xf32> to vector<1x1024xf32>
      %add3A_133 = arith.addf %add3A_125, %get3A_132 : vector<1x1024xf32>
      %add3A_134 = arith.addf %add3A_133, %add3A_63 : vector<1x1024xf32>
      %sub3A = arith.subf %add3A_134, %scan3A_100 : vector<1x1024xf32>
      %mul3A_135 = arith.constant 2.500000e-01 : f32
      %mul3A_136 = vector.broadcast %mul3A_135 : f32 to vector<1x1024xf32>
      %mul3A_137 = arith.mulf %sub3A, %mul3A_136 : vector<1x1024xf32>
      %add3A_138 = arith.constant 224 : i32
      %add3A_139 = arith.addi %add3A_138, %scan3A_98 : i32
      %swap3A_140 = arith.index_cast %add3A_139 : i32 to index
      %swap3A_141 = arith.constant 0 : index
      %swap3A_142 = vector.load %arg7[%swap3A_140, %swap3A_141] : memref<256x1024xf32, #tpu.memory_space<vmem>>, vector<1x1024xf32>
      tpu.vector_store %arg7[%swap3A_140, %swap3A_141], %mul3A_137 {strides = array<i32>} : memref<256x1024xf32, #tpu.memory_space<vmem>>, vector<1x1024xf32>,
      scf.yield %add3A_133, %add3A_134 : vector<1x1024xf32>, vector<1x1024xf32>
    }
    %scan3A_71 = arith.constant 32 : i32
    %add3A_72 = arith.addf %add3A_63, %scan3A_70#0 : vector<1x1024xf32>
    %swap3A = arith.constant 0 : index
    %swap3A_73 = arith.constant 0 : index
    %swap3A_74 = vector.load %arg8[%swap3A, %swap3A_73] : memref<1x1024xf32, #tpu.memory_space<vmem>>, vector<1x1024xf32>
    tpu.vector_store %arg8[%swap3A, %swap3A_73], %add3A_72 {strides = array<i32>} : memref<1x1024xf32, #tpu.memory_space<vmem>>, vector<1x1024xf32>,
    %get3A_75 = arith.constant 0 : index
    %get3A_76 = arith.constant 0 : index
    %get3A_77 = vector.load %arg7[%get3A_75, %get3A_76] : memref<256x1024xf32, #tpu.memory_space<vmem>>, vector<256x1024xf32>
    %get3A_78 = arith.constant 0 : index
    %get3A_79 = arith.constant 0 : index
    %get3A_80 = vector.load %arg2[%get3A_78, %get3A_79] : memref<1024x1024xf32, #tpu.memory_space<vmem>>, vector<1024x1024xf32>
    %dot_general3A = arith.constant dense<0.000000e+00> : vector<256x1024xf32>
    %dot_general3A_81 = tpu.matmul %get3A_77, %get3A_80, %dot_general3A {dimension_numbers = #tpu.dot_dimension_numbers<[1], [1], [0], [0], [0, 0, 1, 0], [], []>, transpose_lhs_hint = false} : vector<256x1024xf32>, vector<1024x1024xf32>, vector<256x1024xf32> -> vector<256x1024xf32>
    %swap3A_82 = arith.constant 0 : index
    %swap3A_83 = arith.constant 0 : index
    %swap3A_84 = vector.load %arg5[%swap3A_82, %swap3A_83] : memref<256x1024xf32, #tpu.memory_space<vmem>>, vector<256x1024xf32>
    tpu.vector_store %arg5[%swap3A_82, %swap3A_83], %dot_general3A_81 {strides = array<i32>} : memref<256x1024xf32, #tpu.memory_space<vmem>>, vector<256x1024xf32>,
    %get3A_85 = arith.constant 0 : index
    %get3A_86 = arith.constant 0 : index
    %get3A_87 = vector.load %arg3[%get3A_85, %get3A_86] : memref<1024x1024xf32, #tpu.memory_space<vmem>>, vector<1024x1024xf32>
    %dot_general3A_88 = arith.constant dense<0.000000e+00> : vector<256x1024xf32>
    %dot_general3A_89 = tpu.matmul %get3A_77, %get3A_87, %dot_general3A_88 {dimension_numbers = #tpu.dot_dimension_numbers<[1], [1], [0], [0], [0, 0, 1, 0], [], []>, transpose_lhs_hint = false} : vector<256x1024xf32>, vector<1024x1024xf32>, vector<256x1024xf32> -> vector<256x1024xf32>
    %get3A_90 = arith.constant 0 : index
    %get3A_91 = arith.constant 0 : index
    %get3A_92 = vector.load %arg4[%get3A_90, %get3A_91] : memref<1024x1024xf32, #tpu.memory_space<vmem>>, vector<1024x1024xf32>
    %dot_general3A_93 = arith.constant dense<0.000000e+00> : vector<256x1024xf32>
    %dot_general3A_94 = tpu.matmul %dot_general3A_89, %get3A_92, %dot_general3A_93 {dimension_numbers = #tpu.dot_dimension_numbers<[1], [1], [0], [0], [0, 0, 1, 0], [], []>, transpose_lhs_hint = false} : vector<256x1024xf32>, vector<1024x1024xf32>, vector<256x1024xf32> -> vector<256x1024xf32>
    %swap3A_95 = arith.constant 0 : index
    %swap3A_96 = arith.constant 0 : index
    %swap3A_97 = vector.load %arg6[%swap3A_95, %swap3A_96] : memref<256x1024xf32, #tpu.memory_space<vmem>>, vector<256x1024xf32>
    tpu.vector_store %arg6[%swap3A_95, %swap3A_96], %dot_general3A_94 {strides = array<i32>} : memref<256x1024xf32, #tpu.memory_space<vmem>>, vector<256x1024xf32>,
    return
  }
  func.func @transform_0(%arg0: i32) -> (i32, i32, i32) {
    %c0_i32 = arith.constant 0 : i32
    %c0_i32_0 = arith.constant 0 : i32
    %c0_i32_1 = arith.constant 0 : i32
    return %c0_i32, %arg0, %c0_i32_0 : i32, i32, i32
  }
  func.func @transform_1(%arg0: i32) -> (i32, i32) {
    %c0_i32 = arith.constant 0 : i32
    %c0_i32_0 = arith.constant 0 : i32
    %c0_i32_1 = arith.constant 0 : i32
    return %c0_i32, %c0_i32_0 : i32, i32
  }
  func.func @transform_2(%arg0: i32) -> (i32, i32) {
    %c0_i32 = arith.constant 0 : i32
    %c0_i32_0 = arith.constant 0 : i32
    %c0_i32_1 = arith.constant 0 : i32
    return %c0_i32, %c0_i32_0 : i32, i32
  }
  func.func @transform_3(%arg0: i32) -> (i32, i32) {
    %c0_i32 = arith.constant 0 : i32
    %c0_i32_0 = arith.constant 0 : i32
    %c0_i32_1 = arith.constant 0 : i32
    return %c0_i32, %c0_i32_0 : i32, i32
  }
  func.func @transform_4(%arg0: i32) -> (i32, i32) {
    %c0_i32 = arith.constant 0 : i32
    %c0_i32_0 = arith.constant 0 : i32
    return %arg0, %c0_i32 : i32, i32
  }
  func.func @transform_5(%arg0: i32) -> (i32, i32) {
    %c0_i32 = arith.constant 0 : i32
    %c0_i32_0 = arith.constant 0 : i32
    return %arg0, %c0_i32 : i32, i32
  }
}

module attributes {stable_mosaic.version = 14 : i64} {
  func.func @_scores_body(%arg0: i32, %arg1: memref<1x1024x1024xf32, #tpu.memory_space<vmem>>, %arg2: memref<1024x1024xf32, #tpu.memory_space<vmem>>, %arg3: memref<1024x1024xf32, #tpu.memory_space<vmem>>, %arg4: memref<1024x8x128xf32, #tpu.memory_space<vmem>>, %arg5: memref<1x1024xf32, #tpu.memory_space<vmem>>) attributes {dimension_semantics = [#tpu.dimension_semantics<arbitrary>], iteration_bounds = array<i64: 4>, scalar_prefetch = 0 : i64, scratch_operands = 0 : i64, tpu.core_type = #tpu.core_type<tc>, window_params = [{transform_indices = @transform_0, window_bounds = array<i64: 1, 1024, 1024>}, {pipeline_mode = #tpu.pipeline_mode<synchronous>, transform_indices = @transform_1, window_bounds = array<i64: 1024, 1024>}, {pipeline_mode = #tpu.pipeline_mode<synchronous>, transform_indices = @transform_2, window_bounds = array<i64: 1024, 1024>}, {transform_indices = @transform_3, window_bounds = array<i64: 1024, 8, 128>}, {transform_indices = @transform_4, window_bounds = array<i64: 1, 1024>}]} {
    %get3A = arith.constant 0 : index
    %get3A_0 = arith.constant 0 : index
    %get3A_1 = arith.constant 0 : index
    %get3A_2 = vector.load %arg1[%get3A, %get3A_0, %get3A_1] : memref<1x1024x1024xf32, #tpu.memory_space<vmem>>, vector<1x1024x1024xf32>
    %get3A_3 = vector.shape_cast %get3A_2 : vector<1x1024x1024xf32> to vector<1024x1024xf32>
    %get3A_4 = arith.constant 0 : index
    %get3A_5 = arith.constant 0 : index
    %get3A_6 = vector.load %arg2[%get3A_4, %get3A_5] : memref<1024x1024xf32, #tpu.memory_space<vmem>>, vector<1024x1024xf32>
    %dot_general3A = arith.constant dense<0.000000e+00> : vector<1024x1024xf32>
    %dot_general3A_7 = tpu.matmul %get3A_3, %get3A_6, %dot_general3A {dimension_numbers = #tpu.dot_dimension_numbers<[1], [1], [0], [0], [0, 0, 1, 0], [], []>, transpose_lhs_hint = false} : vector<1024x1024xf32>, vector<1024x1024xf32>, vector<1024x1024xf32> -> vector<1024x1024xf32>
    %get3A_8 = arith.constant 0 : index
    %get3A_9 = arith.constant 0 : index
    %get3A_10 = vector.load %arg3[%get3A_8, %get3A_9] : memref<1024x1024xf32, #tpu.memory_space<vmem>>, vector<1024x1024xf32>
    %dot_general3A_11 = arith.constant dense<0.000000e+00> : vector<1024x1024xf32>
    %dot_general3A_12 = tpu.matmul %get3A_10, %dot_general3A_7, %dot_general3A_11 {dimension_numbers = #tpu.dot_dimension_numbers<[1], [1], [0], [0], [0, 0, 1, 0], [], []>, transpose_lhs_hint = false} : vector<1024x1024xf32>, vector<1024x1024xf32>, vector<1024x1024xf32> -> vector<1024x1024xf32>
    %mul3A = arith.constant 3.125000e-02 : f32
    %mul3A_13 = vector.broadcast %mul3A : f32 to vector<1024x1024xf32>
    %mul3A_14 = arith.mulf %dot_general3A_12, %mul3A_13 : vector<1024x1024xf32>
    %reshape3A = vector.shape_cast %mul3A_14 : vector<1024x1024xf32> to vector<1024x8x128xf32>
    %swap3A = arith.constant 0 : index
    %swap3A_15 = arith.constant 0 : index
    %swap3A_16 = arith.constant 0 : index
    %swap3A_17 = vector.load %arg4[%swap3A, %swap3A_15, %swap3A_16] : memref<1024x8x128xf32, #tpu.memory_space<vmem>>, vector<1024x8x128xf32>
    tpu.vector_store %arg4[%swap3A, %swap3A_15, %swap3A_16], %reshape3A {strides = array<i32>} : memref<1024x8x128xf32, #tpu.memory_space<vmem>>, vector<1024x8x128xf32>,
    %reduce_max3A = arith.constant dense<0xFF800000> : vector<1024xf32>
    %reduce_max3A_18 = vector.multi_reduction <maximumf>, %mul3A_14, %reduce_max3A [0] : vector<1024x1024xf32> to vector<1024xf32>
    %broadcast_in_dim3A = vector.shape_cast %reduce_max3A_18 : vector<1024xf32> to vector<1x1024xf32>
    %swap3A_19 = arith.constant 0 : index
    %swap3A_20 = arith.constant 0 : index
    %swap3A_21 = vector.load %arg5[%swap3A_19, %swap3A_20] : memref<1x1024xf32, #tpu.memory_space<vmem>>, vector<1x1024xf32>
    tpu.vector_store %arg5[%swap3A_19, %swap3A_20], %broadcast_in_dim3A {strides = array<i32>} : memref<1x1024xf32, #tpu.memory_space<vmem>>, vector<1x1024xf32>,
    return
  }
  func.func @transform_0(%arg0: i32) -> (i32, i32, i32) {
    %c0_i32 = arith.constant 0 : i32
    %c0_i32_0 = arith.constant 0 : i32
    %c0_i32_1 = arith.constant 0 : i32
    return %c0_i32, %arg0, %c0_i32_0 : i32, i32, i32
  }
  func.func @transform_1(%arg0: i32) -> (i32, i32) {
    %c0_i32 = arith.constant 0 : i32
    %c0_i32_0 = arith.constant 0 : i32
    %c0_i32_1 = arith.constant 0 : i32
    return %c0_i32, %c0_i32_0 : i32, i32
  }
  func.func @transform_2(%arg0: i32) -> (i32, i32) {
    %c0_i32 = arith.constant 0 : i32
    %c0_i32_0 = arith.constant 0 : i32
    %c0_i32_1 = arith.constant 0 : i32
    return %c0_i32, %c0_i32_0 : i32, i32
  }
  func.func @transform_3(%arg0: i32) -> (i32, i32, i32) {
    %c0_i32 = arith.constant 0 : i32
    %c0_i32_0 = arith.constant 0 : i32
    %c0_i32_1 = arith.constant 0 : i32
    return %c0_i32, %arg0, %c0_i32_0 : i32, i32, i32
  }
  func.func @transform_4(%arg0: i32) -> (i32, i32) {
    %c0_i32 = arith.constant 0 : i32
    %c0_i32_0 = arith.constant 0 : i32
    return %c0_i32, %arg0 : i32, i32
  }
}

module attributes {stable_mosaic.version = 14 : i64} {
  func.func @_combine_body(%arg0: i32, %arg1: memref<1024x8x128xf32, #tpu.memory_space<vmem>>, %arg2: memref<1x1024xf32, #tpu.memory_space<vmem>>, %arg3: memref<1x1024xf32, #tpu.memory_space<vmem>>, %arg4: memref<1024x1024xf32, #tpu.memory_space<vmem>>, %arg5: memref<1x1024x1024xf32, #tpu.memory_space<vmem>>) attributes {dimension_semantics = [#tpu.dimension_semantics<arbitrary>], iteration_bounds = array<i64: 4>, scalar_prefetch = 0 : i64, scratch_operands = 0 : i64, tpu.core_type = #tpu.core_type<tc>, window_params = [{transform_indices = @transform_0, window_bounds = array<i64: 1024, 8, 128>}, {transform_indices = @transform_1, window_bounds = array<i64: 1, 1024>}, {transform_indices = @transform_2, window_bounds = array<i64: 1, 1024>}, {pipeline_mode = #tpu.pipeline_mode<synchronous>, transform_indices = @transform_3, window_bounds = array<i64: 1024, 1024>}, {transform_indices = @transform_4, window_bounds = array<i64: 1, 1024, 1024>}]} {
    %get3A = arith.constant 0 : index
    %get3A_0 = arith.constant 0 : index
    %get3A_1 = arith.constant 0 : index
    %get3A_2 = vector.load %arg1[%get3A, %get3A_0, %get3A_1] : memref<1024x8x128xf32, #tpu.memory_space<vmem>>, vector<1024x8x128xf32>
    %reshape3A = vector.shape_cast %get3A_2 : vector<1024x8x128xf32> to vector<1024x1024xf32>
    %get3A_3 = arith.constant 0 : index
    %get3A_4 = arith.constant 0 : index
    %get3A_5 = vector.load %arg2[%get3A_3, %get3A_4] : memref<1x1024xf32, #tpu.memory_space<vmem>>, vector<1x1024xf32>
    %get3A_6 = arith.constant 0 : index
    %get3A_7 = arith.constant 0 : index
    %get3A_8 = vector.load %arg3[%get3A_6, %get3A_7] : memref<1x1024xf32, #tpu.memory_space<vmem>>, vector<1x1024xf32>
    %ge3A = vector.broadcast %get3A_5 : vector<1x1024xf32> to vector<1024x1024xf32>
    %ge3A_9 = arith.cmpf oge, %reshape3A, %ge3A : vector<1024x1024xf32>
    %sub3A = vector.broadcast %get3A_8 : vector<1x1024xf32> to vector<1024x1024xf32>
    %sub3A_10 = arith.subf %reshape3A, %sub3A : vector<1024x1024xf32>
    %exp3A = math.exp %sub3A_10 : vector<1024x1024xf32>
    %jit3A = arith.constant 0.000000e+00 : f32
    %broadcast_in_dim3A = vector.broadcast %jit3A : f32 to vector<1024x1024xf32>
    %select_n3A = arith.select %ge3A_9, %exp3A, %broadcast_in_dim3A : vector<1024x1024xi1>, vector<1024x1024xf32>
    %reduce_sum3A = arith.constant dense<0.000000e+00> : vector<1024xf32>
    %reduce_sum3A_11 = vector.multi_reduction <add>, %select_n3A, %reduce_sum3A [0] : vector<1024x1024xf32> to vector<1024xf32>
    %broadcast_in_dim3A_12 = vector.shape_cast %reduce_sum3A_11 : vector<1024xf32> to vector<1x1024xf32>
    %div3A = vector.broadcast %broadcast_in_dim3A_12 : vector<1x1024xf32> to vector<1024x1024xf32>
    %div3A_13 = arith.divf %select_n3A, %div3A : vector<1024x1024xf32>
    %get3A_14 = arith.constant 0 : index
    %get3A_15 = arith.constant 0 : index
    %get3A_16 = vector.load %arg4[%get3A_14, %get3A_15] : memref<1024x1024xf32, #tpu.memory_space<vmem>>, vector<1024x1024xf32>
    %dot_general3A = arith.constant dense<0.000000e+00> : vector<1024x1024xf32>
    %dot_general3A_17 = tpu.matmul %div3A_13, %get3A_16, %dot_general3A {dimension_numbers = #tpu.dot_dimension_numbers<[0], [0], [1], [1], [0, 1, 1, 1], [], []>, transpose_lhs_hint = false} : vector<1024x1024xf32>, vector<1024x1024xf32>, vector<1024x1024xf32> -> vector<1024x1024xf32>
    %swap3A = arith.constant 0 : index
    %swap3A_18 = arith.constant 0 : index
    %swap3A_19 = arith.constant 0 : index
    %swap3A_20 = vector.load %arg5[%swap3A, %swap3A_18, %swap3A_19] : memref<1x1024x1024xf32, #tpu.memory_space<vmem>>, vector<1x1024x1024xf32>
    %swap3A_21 = vector.shape_cast %swap3A_20 : vector<1x1024x1024xf32> to vector<1024x1024xf32>
    %swap3A_22 = vector.shape_cast %dot_general3A_17 : vector<1024x1024xf32> to vector<1x1024x1024xf32>
    tpu.vector_store %arg5[%swap3A, %swap3A_18, %swap3A_19], %swap3A_22 {strides = array<i32>} : memref<1x1024x1024xf32, #tpu.memory_space<vmem>>, vector<1x1024x1024xf32>,
    return
  }
  func.func @transform_0(%arg0: i32) -> (i32, i32, i32) {
    %c0_i32 = arith.constant 0 : i32
    %c0_i32_0 = arith.constant 0 : i32
    %c0_i32_1 = arith.constant 0 : i32
    return %c0_i32, %arg0, %c0_i32_0 : i32, i32, i32
  }
  func.func @transform_1(%arg0: i32) -> (i32, i32) {
    %c0_i32 = arith.constant 0 : i32
    %c0_i32_0 = arith.constant 0 : i32
    return %c0_i32, %arg0 : i32, i32
  }
  func.func @transform_2(%arg0: i32) -> (i32, i32) {
    %c0_i32 = arith.constant 0 : i32
    %c0_i32_0 = arith.constant 0 : i32
    return %c0_i32, %arg0 : i32, i32
  }
  func.func @transform_3(%arg0: i32) -> (i32, i32) {
    %c0_i32 = arith.constant 0 : i32
    %c0_i32_0 = arith.constant 0 : i32
    %c0_i32_1 = arith.constant 0 : i32
    return %c0_i32, %c0_i32_0 : i32, i32
  }
  func.func @transform_4(%arg0: i32) -> (i32, i32, i32) {
    %c0_i32 = arith.constant 0 : i32
    %c0_i32_0 = arith.constant 0 : i32
    %c0_i32_1 = arith.constant 0 : i32
    return %c0_i32, %arg0, %c0_i32_0 : i32, i32, i32
  }
}

</mosaic_0001>

<sc_bundles>
// kernel: kernel.6.cloned.1.call-start
scs
__scs_entry_jumppad:
0x0: {  	(pc) =	sbr.rel $0x88, $3  }
0x1: {  	(tag) =	ssettag $0x0;
	lr =	simm.s32 $0x1  }
0x2: {  	[smem:$0x3F9C] =	sst lr;
	_ =	strace $0xD0000000  }
0x3: {  	_ = 	snop  }
0x4: {  	_ = 	snop  }
0x5: {  	_ = 	snop  }
0x6: {  	_ = 	snop  }
0x7: {  	_ = 	snop  }
__scs_overlays_trampoline_lowered:
0x8: {  	[smem:$0x3FAB] =	sst s0  }
0x9: {  	[smem:$0x3FAC] =	sst s1  }
0xa: {  	[smem:$0x3FAD] =	sst s2  }
0xb: {  	[smem:$0x3FAE] =	sst s3  }
0xc: {  	[smem:$0x3FAF] =	sst s4  }
0xd: {  	[smem:$0x3FB0] =	sst s5  }
0xe: {  	[smem:$0x3FB1] =	sst s6  }
0xf: {  	[smem:$0x3FB2] =	sst s7  }
0x10: {  	[smem:$0x3FB3] =	sst s8  }
0x11: {  	[smem:$0x3FB4] =	sst s9;
	s0 =	simm.s32 @!p0 $0x0  }
0x12: {  	s1 =	sld [smem:$0x3F9A];
	s0 =	simm.s32 @p0 $0x1  }
0x13: {  	[smem:$0x3FB5] =	sst s0;
	s0 =	simm.s32 @!p1 $0x0  }
0x14: {  	s2 =	sld [smem:$0x3F99];
	s0 =	simm.s32 @p1 $0x1  }
0x15: {  	[smem:$0x3FB6] =	sst s0;
	s0 =	simm.s32 @!p2 $0x0  }
0x16: {  	s3 =	sld [smem:$0x3FDB];
	s0 =	simm.s32 @p2 $0x1  }
0x17: {  	s4 =	simm.s32 $0x1BF5;
	[smem:$0x3FB8] =	sst s0  }
0x18: {  	s0 =	sld [smem:$0x3F9B];
	_ =	swait.ge [sflag:s4], $0x0  }
0x19: {  	s7 =	sld [smem:$0x3F9C]  }
0x1a: {  	s8 =	sadd.s32 $0xFFFFE003, lr  }
0x1b: {  	s9 =	sadd.s32 $0xFFFFFEF7, lr;
	s5 =	simm.s32 $0xFFFFFFFF;
	p2 =	slt.u32 s8, $0xFFFFF086  }
0x1c: {  	p1 =	slt.u32 s9, $0xF7A;
	s5 =	simm.s32 @!p2 $0x0  }
0x1d: {  	s5 =	simm.s32 @p1 $0x1;
	p0 =	seq.s32 s7, s2  }
0x1e: {  	s7 =	smul.u32 @!p0 $0xF7A, s2;
	p2 =	seq.s32 @!p0 s5, $0x0  }
0x1f: {  	s9 =	smul.u32 $0xF7A, s1;
	s8 =	simm.s32 @!p0 $0x1BF5;
	p2 =	por !p2, p0  }
0x20: {  	[sflag:s8] =	ssyncset.s32 @!p0 $0xFFFFF086;
	s6 =	sadd.s32 @!p0 s3, s7;
	s7 =	simm.s32 @!p0 $0x108  }
0x21: {  	s3 =	sadd.s32 s3, s9;
	s6 =	sadd.s32 @!p0 $0x88, s6;
	s7 =	simm.s32 @p2 $0x1082  }
0x22: {  	[simem:s7], [sflag:s8] =	dma.local @!p0 [hbm:s6], $0xF7A  }
0x23: {  	s9 =	sor.u32 $0xD0000000, s2;
	s6 =	simm.s32 $0x108;
	_ =	swait.ge @!p0 [sflag:s8], $0x0  }
0x24: {  	s3 =	sadd.s32 $0x88, s3;
	s6 =	simm.s32 @!p1 $0x1082;
	[sflag:s4] =	ssyncset.s32 $0xFFFFF086  }
0x25: {  	[simem:s6], [sflag:s4] =	dma.local [hbm:s3], $0xF7A  }
0x26: {  	[smem:$0x3F9C] =	sst s1;
	(tag) =	ssettag s2;
	_ =	strace s9  }
0x27: {  	s1 =	sld [smem:$0x3FAC]  }
0x28: {  	s2 =	sld [smem:$0x3FAD]  }
0x29: {  	s4 =	sld [smem:$0x3FAF]  }
0x2a: {  	p0 =	seq.s32 s5, $0x0;
	s5 =	sld [smem:$0x3FB0]  }
0x2b: {  	s6 =	sld [smem:$0x3FB1]  }
0x2c: {  	s7 =	sld [smem:$0x3FB2]  }
0x2d: {  	s3 =	simm.s32 $0x108;
	s8 =	sld [smem:$0x3FB3]  }
0x2e: {  	s3 =	simm.s32 @!p0 $0x1082;
	s9 =	sld [smem:$0x3FB4]  }
0x2f: {  	lr =	sadd.s32 s0, s3;
	s0 =	sld [smem:$0x3FAB]  }
0x30: {  	s3 =	sld [smem:$0x3FAE]  }
0x31: {  	[smem:$0x3FB7] =	sst s10  }
0x32: {  	s10 =	sld [smem:$0x3FB5];
	_ =	sdelay $0x3  }
0x33: {  	p0 =	seq.s32 s10, $0x1;
	s10 =	sld [smem:$0x3FB7];
	_ =	sdelay $0x3  }
0x34: {  	[smem:$0x3FB7] =	sst s10  }
0x35: {  	s10 =	sld [smem:$0x3FB6];
	_ =	sdelay $0x3  }
0x36: {  	p1 =	seq.s32 s10, $0x1;
	s10 =	sld [smem:$0x3FB7];
	_ =	sdelay $0x3  }
0x37: {  	[smem:$0x3FB7] =	sst s10  }
0x38: {  	s10 =	sld [smem:$0x3FB8]  }
0x39: {  	_ = 	snop;
	(pc) =	sbr.ind lr, $3  }
0x3a: {  	_ = 	snop  }
0x3b: {  	_ = 	snop  }
0x3c: {  	p2 =	seq.s32 s10, $0x1;
	s10 =	sld [smem:$0x3FB7]  }
0x3d: {  	_ =	shalt  }
0x3e: {  	_ =	shalt  }
0x3f: {  	_ =	shalt  }
0x40: {  	_ =	shalt  }
0x41: {  	_ =	shalt  }
0x42: {  	_ =	shalt  }
0x43: {  	_ =	shalt  }
0x44: {  	_ =	shalt  }
0x45: {  	_ =	shalt  }
0x46: {  	_ =	shalt  }
0x47: {  	_ =	shalt  }
0x48: {  	_ =	shalt  }
0x49: {  	_ =	shalt  }
0x4a: {  	_ =	shalt  }
0x4b: {  	_ =	shalt  }
0x4c: {  	_ =	shalt  }
0x4d: {  	_ =	shalt  }
0x4e: {  	_ =	shalt  }
0x4f: {  	_ =	shalt  }
0x50: {  	_ =	shalt  }
0x51: {  	_ =	shalt  }
0x52: {  	_ =	shalt  }
0x53: {  	_ =	shalt  }
0x54: {  	_ =	shalt  }
0x55: {  	_ =	shalt  }
0x56: {  	_ =	shalt  }
0x57: {  	_ =	shalt  }
0x58: {  	_ =	shalt  }
0x59: {  	_ =	shalt  }
0x5a: {  	_ =	shalt  }
0x5b: {  	_ =	shalt  }
0x5c: {  	_ =	shalt  }
0x5d: {  	_ =	shalt  }
0x5e: {  	_ =	shalt  }
0x5f: {  	_ =	shalt  }
0x60: {  	_ =	shalt  }
0x61: {  	_ =	shalt  }
0x62: {  	_ =	shalt  }
0x63: {  	_ =	shalt  }
0x64: {  	_ =	shalt  }
0x65: {  	_ =	shalt  }
0x66: {  	_ =	shalt  }
0x67: {  	_ =	shalt  }
0x68: {  	_ =	shalt  }
0x69: {  	_ =	shalt  }
0x6a: {  	_ =	shalt  }
0x6b: {  	_ =	shalt  }
0x6c: {  	_ =	shalt  }
0x6d: {  	_ =	shalt  }
0x6e: {  	_ =	shalt  }
0x6f: {  	_ =	shalt  }
0x70: {  	_ =	shalt  }
0x71: {  	_ =	shalt  }
0x72: {  	_ =	shalt  }
0x73: {  	_ =	shalt  }
0x74: {  	_ =	shalt  }
0x75: {  	_ =	shalt  }
0x76: {  	_ =	shalt  }
0x77: {  	_ =	shalt  }
0x78: {  	_ =	shalt  }
0x79: {  	_ =	shalt  }
0x7a: {  	_ =	shalt  }
0x7b: {  	_ =	shalt  }
0x7c: {  	_ =	shalt  }
0x7d: {  	_ =	shalt  }
0x7e: {  	_ =	shalt  }
0x7f: {  	_ =	shalt  }
0x80: {  	_ =	shalt  }
0x81: {  	_ =	shalt  }
0x82: {  	_ =	shalt  }
0x83: {  	_ =	shalt  }
0x84: {  	_ =	shalt  }
0x85: {  	_ =	shalt  }
0x86: {  	_ =	shalt  }
0x87: {  	_ =	shalt  }
.Lfunc_end0:
.L_simem_size_0:
called_computation_lowered:
.L_overlay_start_0:
0x88: {  	s2 =	sld [smem:$0x3FD9]  }
0x89: {  	s3 =	sld [smem:$0x3FFE];
	_ =	sdelay $0x1  }
0x8a: {  	s1 =	srdreg.scid  }
0x8b: {  	s0 =	sand.u32 $0x1, s1  }
0x8c: {  	s17 =	sshll.u32 s0, $0xA;
	s2 =	sadd.s32 s3, s2  }
0x8d: {  	s2 =	sadd.s32 s2, s17  }
0x8e: {  	[smem:$0x3FC3] =	sst s2  }
0x8f: {  	_ = 	snop  }
0x90: {  	s2 =	sld [smem:$0x3FD0];
	(tm) =	ssettm $0x1  }
0x91: {  	s18 =	sld [smem:$0x3FFB];
	_ =	sdelay $0x3  }
0x92: {  	_ =	strace s18  }
0x93: {  	s3 =	sld [smem:$0x3FFC];
	_ =	sdelay $0x3  }
0x94: {  	_ =	strace s3  }
0x95: {  	s3 =	sld [smem:$0x3FFD];
	_ =	sdelay $0x3  }
0x96: {  	_ =	strace s3  }
0x97: {  	_ =	strace $0x8FFFFFFF  }
0x98: {  	s19 =	sld [smem:$0x3FDB];
	_ =	sdelay $0x1  }
0x99: {  	s4 =	simm.s32 $_scs_section_size  }
0x9a: {  	s5 =	simm.s32 $_size__tile_overlayer_lowered;
	s6 =	simm.s32 $_tile_overlayer_lowered  }
0x9b: {  	s22 =	simm.s32 $0x1BFF;
	s21 =	sshll.u32 s6, $0x1;
	s3 =	sadd.s32 s4, s19  }
0x9c: {  	s7 =	simm.s32 $0x0;
	s20 =	sshll.u32 s5, $0x1;
	s5 =	sadd.s32 s21, s3  }
0x9d: {  	[timem:s7], [sflag:s22] =	dma.local [hbm:s5], s20  }
0x9e: {  	_ =	swait.ge [sflag:s22], s20  }
0x9f: {  	s4 =	ssub.s32 $0x0, s20;
	[sflag:s22] =	ssyncset.done $0x0  }
0xa0: {  	[sflag:s22] =	ssyncadd.s32 s4;
	_ =	sdelay $0x1  }
0xa1: {  	s23 =	simm.s32 $0x1B8B  }
0xa2: {  	_ =	swait.ge [sflag:s23], $0x1  }
0xa3: {  	[sflag:s23] =	ssyncset.done $0x0  }
0xa4: {  	s25 =	simm.s32 $0x1B8E;
	s24 =	sld [smem:$0x3FFE];
	[sflag:s23] =	ssyncadd.s32 $0xFFFFFFFF  }
0xa5: {  	s26 =	simm.s32 $execute0_lowered;
	[smem:$0x3FD2] =	sst s25  }
0xa6: {  	s5 =	sshll.u32 s26, $0x1;
	_ =	strace $0x80000046;
	[dreg:$0x1] =	wrdreg $0xFFFFFFFF  }
0xa7: {  	s28 =	simm.s32 $_size_execute0_lowered;
	s3 =	sadd.s32 s3, s5;
	[dreg:$0x0] =	wrdreg $0x0  }
0xa8: {  	s5 =	sshll.u32 s28, $0x1;
	[dreg:$0x2] =	wrdreg s3  }
0xa9: {  	[dreg:$0x3] =	wrdreg s5  }
0xaa: {  	[dreg:$0x4] =	wrdreg $0xC0  }
0xab: {  	_ =	task [dreg:s7], $0x5FFFF  }
0xac: {  	[dreg:$0x1] =	wrdreg $0xFFFFFFFF  }
0xad: {  	[dreg:$0x0] =	wrdreg $0x60  }
0xae: {  	[dreg:$0x2] =	wrdreg s2  }
0xaf: {  	[dreg:$0x3] =	wrdreg s24  }
0xb0: {  	[dreg:$0x4] =	wrdreg $0x9  }
0xb1: {  	_ =	task.clear_ibuf [dreg:s7], $0x5FFFF;
	_ =	strace $0x90000046  }
0xb2: {  	s29 =	simm.s32 $0x9;
	_ =	strace $0x80000048  }
0xb3: {  	_ =	swait.ge [sflag:s29], $0x1  }
0xb4: {  	[sflag:s29] =	ssyncadd.s32 $0xFFFFFFFF  }
0xb5: {  	_ =	strace $0x90000048  }
0xb6: {  	_ =	sfence  }
0xb7: {  	s30 =	sld [smem:$0x0];
	_ =	sdelay $0x2  }
0xb8: {  	s31 =	sshll.u32 s1, $0xD;
	s1 =	sshrl.u32 s1, $0x2  }
0xb9: {  	s3 =	sand.u32 $0x4000, s31;
	s1 =	sadd.s32 s1, s30  }
0xba: {  	s0 =	sor.u32 s3, s0;
	s1 =	sshll.u32 s1, $0x11  }
0xbb: {  	s0 =	sor.u32 s1, s0  }
0xbc: {  	s0 =	sadd.s32 $0x8F2B, s0  }
0xbd: {  	[sflag:s0] =	ssyncadd.remote.s32 $0x1  }
0xbe: {  	_ =	sfence.sel $0xFFFF  }
0xbf: {  	[dreg:$0x0] =	wrdreg $0xFFFFFFFF;
	(pc) =	sbr.abs _section_cstart, $3  }
0xc0: {  	[dreg:$0x1] =	wrdreg $0xFFFFFFFF  }
0xc1: {  	_ =	task.clear_ibuf [dreg:s7], $0x2FFFF;
	_ =	strace $0x9FFFFFFF  }
0xc2: {  	(tm) =	ssettm $0x7FFFFFFF  }
0xc3: {  	_ =	shalt  }
tec
execute0_lowered:
.L_overlay_start_1:
0x0: {  	(tag) =	ssettag $0x1  }
0x1: {  	s2 =	rddreg [dreg:$0x0]  }
0x2: {  	s5 =	rddreg [dreg:$0x1];
	s3 =	srdreg.scid  }
0x3: {  	s1 =	stileid.u32;
	s0 =	rddreg [dreg:$0x2]  }
0x4: {  	s10 =	simm.s32 $0x2;
	s11 =	simm.s32 $0xC000;
	s12 =	simm.s32 $0x8000  }
0x5: {  	s13 =	simm.s32 $0xD000;
	s14 =	simm.s32 $0x3;
	s15 =	simm.s32 $0x1  }
0x6: {  	s16 =	simm.s32 $0x0;
	s6 =	sand.u32 $0x1, s3;
	s4 =	sshll.u32 s1, $0x1  }
.Ltmp0:
0x7: {  	s3 =	simm.s32 $0x0;
	s4 =	sor.u32 s6, s4;
	(pc) =	sbr.rel .LBB2_1-.Ltmp0, $4  }
0x8: {  	s6 =	ssub.s32 $0x2, s6;
	[smem:$0x7FF] =	sst s3;
	s7 =	sshll.u32 s4, $0x4  }
0x9: {  	s8 =	sshrl.u32 s6, $0x1;
	_ =	strace $0x80000047;
	s9 =	sadd.s32 s7, s5  }
0xa: {  	v0 =	vimm.s32 $0x0;
	s8 =	ssub.s32 s6, s8;
	s5 =	sadd.s32 s2, s7;
	s6 =	sadd.s32 $0x2200, s9  }
0xb: {  	v1 =	vlaneseq.u32;
	v2 =	vimm.s32 $0x1;
	v3 =	vimm.s32 $0x80000000;
	s7 =	smax.u32 s8, $0x1;
	s8 =	simm.s32 $0x10;
	s9 =	simm.s32 $0x1000  }
.LBB2_87:
0xc: {  	s16 =	sadd.s32 $0x1, s16  }
0xd: {  	p0 =	sne.s32 s16, s7  }
.Ltmp1:
0xe: {  	_ = 	snop;
	(pc) =	sbr.rel @!p0 .LBB2_88-.Ltmp1, $4  }
0xf: {  	[hbm4b:s6+s3] =	stream.linear.scatter [tilespmem:s13], [sflag:$0x3], $0x80, $0x38;
	[tilespmem:$0xD080] =	vst v63  }
0x10: {  	_ =	swait.ge [sflag:s14], $0x80  }
0x11: {  	[sflag:s14] =	ssyncset.done $0x0  }
0x12: {  	[sflag:s14] =	ssyncadd.s32 $0xFFFFFF80  }
.LBB2_1:
0x13: {  	s17 =	simm.s32 $0xC040  }
0x14: {  	[tilespmem:s17+$0xFFFFFFC0] =	vst v0  }
0x15: {  	[tilespmem:s17+$0x30] =	vst v0  }
0x16: {  	[tilespmem:s17+$0x20] =	vst v0  }
0x17: {  	[tilespmem:s17+$0x10] =	vst v0  }
0x18: {  	[tilespmem:s17+$0x0] =	vst v0  }
0x19: {  	[tilespmem:s17+$0xFFFFFFF0] =	vst v0  }
0x1a: {  	s18 =	simm.s32 $0x0;
	[tilespmem:s17+$0xFFFFFFE0] =	vst v0  }
.LBB2_2:
0x1b: {  	s18 =	sadd.s32 $0x8, s18;
	[tilespmem:s17+$0xFFFFFFD0] =	vst v0;
	s17 =	sadd.s32 $0x80, s17  }
0x1c: {  	[tilespmem:s17+$0xFFFFFFC0] =	vst v0;
	p0 =	slt.u32 s18, $0xF8  }
0x1d: {  	[tilespmem:s17+$0x30] =	vst v0  }
.Ltmp2:
0x1e: {  	[tilespmem:s17+$0x20] =	vst v0;
	(pc) =	sbr.rel @p0 .LBB2_2-.Ltmp2, $4  }
0x1f: {  	[tilespmem:s17+$0x10] =	vst v0  }
0x20: {  	[tilespmem:s17+$0x0] =	vst v0  }
0x21: {  	[tilespmem:s17+$0xFFFFFFF0] =	vst v0  }
0x22: {  	[tilespmem:s17+$0xFFFFFFE0] =	vst v0  }
0x23: {  	[tilespmem:s17+$0xFFFFFFD0] =	vst v0;
	s17 =	simm.s32 $0x0  }
0x24: {  	[tilespmem:s17], [sflag:$0x1] =	stream.strided.gather [hbm4b:s5+s8], $0x4000, s9, s8, $0x38;
	[tilespmem:$0xD080] =	vst v63  }
.LBB2_4:
0x25: {  	s19 =	sand.u32 $0x1, s17  }
0x26: {  	p0 =	seq.s32 s19, $0x1  }
.Ltmp3:
0x27: {  	_ = 	snop;
	(pc) =	sbr.rel @!p0 .LBB2_5-.Ltmp3, $1  }
0x28: {  	_ =	sdelay $0x3  }
0x29: {  	p0 =	seq.s32 s17, $0x7  }
.Ltmp4:
0x2a: {  	_ = 	snop;
	(pc) =	sbr.rel @p0 .LBB2_9-.Ltmp4, $4  }
0x2b: {  	_ = 	snop  }
0x2c: {  	_ =	swait.ge [sflag:s10], $0x4000  }
0x2d: {  	[sflag:s10] =	ssyncset.done $0x0  }
0x2e: {  	s18 =	simm.s32 $0x8;
	[sflag:s10] =	ssyncadd.s32 $0xFFFFC000  }
0x2f: {  	s18 =	sadd.s32 $0x1, s17  }
.Ltmp5:
0x30: {  	s20 =	sshrl.u32 s18, $0x3;
	s21 =	sshll.u32 s18, $0x1;
	(pc) =	sbr.rel .LBB2_8-.Ltmp5, $4  }
0x31: {  	s20 =	sadd.s32 s4, s20;
	s21 =	sand.u32 $0xC, s21  }
0x32: {  	s20 =	sshll.u32 s20, $0x4;
	s21 =	sadd.s32 s2, s21  }
0x33: {  	s20 =	sadd.s32 s20, s21  }
0x34: {  	[tilespmem:s3], [sflag:$0x1] =	stream.strided.gather [hbm4b:s20+s8], $0x4000, s9, s8, $0x38;
	[tilespmem:$0xD080] =	vst v63  }
.LBB2_5:
0x35: {  	_ =	swait.ge [sflag:s15], $0x4000  }
0x36: {  	[sflag:s15] =	ssyncset.done $0x0  }
0x37: {  	s18 =	sor.u32 $0x1, s17;
	[sflag:s15] =	ssyncadd.s32 $0xFFFFC000  }
.LBB2_8:
0x38: {  	s20 =	sand.u32 $0x1, s18  }
0x39: {  	p0 =	seq.s32 s20, $0x0  }
0x3a: {  	s20 =	sshrl.u32 @!p0 s18, $0x3;
	s21 =	sshll.u32 @!p0 s18, $0x1  }
0x3b: {  	s20 =	sadd.s32 @!p0 s4, s20;
	s21 =	sand.u32 @!p0 $0xE, s21  }
0x3c: {  	s22 =	simm.s32 @!p0 $0x1000;
	s20 =	sshll.u32 @!p0 s20, $0x4;
	s21 =	sadd.s32 @!p0 s2, s21  }
0x3d: {  	s23 =	simm.s32 @!p0 $0x4000;
	s20 =	sadd.s32 @!p0 s20, s21;
	s21 =	simm.s32 @!p0 $0x10  }
0x3e: {  	[tilespmem:s23], [sflag:$0x2] =	stream.strided.gather @!p0 [hbm4b:s20+s21], $0x4000, s22, s21, $0x38;
	[tilespmem:$0xD080] =	vst v63  }
.LBB2_9:
0x3f: {  	s19 =	sshll.u32 s19, $0xE  }
0x40: {  	s19 =	sor.u32 $0x40, s19  }
0x41: {  	v4 =	vld [tilespmem:s19+$0x30]  }
0x42: {  	v5 =	vld [tilespmem:s19+$0xFFFFFFD0]  }
0x43: {  	v6 =	vld [tilespmem:s19+$0xFFFFFFE0]  }
0x44: {  	v7 =	vld [tilespmem:s19+$0xFFFFFFF0]  }
0x45: {  	v8 =	vld [tilespmem:s19+$0x0]  }
0x46: {  	v9 =	vld [tilespmem:s19+$0x10]  }
0x47: {  	v12 =	vld [tilespmem:s19+$0x20]  }
0x48: {  	v13 =	vld [tilespmem:s19+$0xFFFFFFC0];
	_ =	sdelay $0x1  }
0x49: {  	v10 =	vshra.s32 v4, $0x1F;
	v11 =	vshra.s32 v5, $0x1F;
	v14 =	vshra.s32 v6, $0x1F  }
0x4a: {  	v60 =	vshra.s32 v7, $0x1F;
	v15 =	vshra.s32 v8, $0x1F;
	v10 =	vor.u32 $0x80000000, v10  }
0x4b: {  	v16 =	vshra.s32 v9, $0x1F;
	v61 =	vshra.s32 v12, $0x1F;
	v4 =	vxor.u32 v4, v10  }
0x4c: {  	v17 =	vshra.s32 v13, $0x1F;
	v11 =	vor.u32 $0x80000000, v11;
	v4 =	vshrl.u32 v4, $0x14  }
0x4d: {  	v15 =	vor.u32 $0x80000000, v15;
	v62 =	vor.u32 $0x80000000, v17;
	v4 =	vand.u32 $0xFF0, v4  }
0x4e: {  	v10 =	vor.u32 $0x80000000, v14;
	v14 =	vor.u32 $0x80000000, v60;
	v4 =	vor.u32 v1, v4  }
0x4f: {  	v11 =	vxor.u32 v5, v11;
	v5 =	vor.u32 $0x80000000, v16;
	v8 =	vxor.u32 v8, v15  }
0x50: {  	v6 =	vxor.u32 v6, v10;
	v10 =	vor.u32 $0x80000000, v61;
	v14 =	vxor.u32 v7, v14  }
0x51: {  	v7 =	vxor.u32 v13, v62;
	v63 =	vxor.u32 v9, v5;
	v11 =	vshrl.u32 v11, $0x14  }
0x52: {  	s21 =	simm.s32 $0x0;
	v8 =	vshrl.u32 v8, $0x14;
	v5 =	vxor.u32 v12, v10;
	v10 =	vshrl.u32 v7, $0x14  }
0x53: {  	s22 =	simm.s32 $0xFF;
	s20 =	simm.s32 $0xCFF0;
	s23 =	sadd.s32 $0x80, s19;
	v7 =	vshrl.u32 v6, $0x14;
	v9 =	vshrl.u32 v14, $0x14;
	v6 =	vshrl.u32 v63, $0x14;
	[tilespmem:v4+s11+$0x0] =	vst.idx.add.s32.msk $0xffff, v2  }
.LBB2_10:
0x54: {  	v12 =	vld [tilespmem:s23+$0x30];
	s21 =	sadd.s32 $0x8, s21;
	v4 =	vand.u32 $0xFF0, v10;
	v10 =	vand.u32 $0xFF0, v11;
	v5 =	vshrl.u32 v5, $0x14  }
0x55: {  	v7 =	vand.u32 $0xFF0, v7;
	v9 =	vand.u32 $0xFF0, v9;
	v8 =	vand.u32 $0xFF0, v8;
	v11 =	vld [tilespmem:s23+$0xFFFFFFD0];
	p0 =	slt.u32 s21, $0x3F8  }
0x56: {  	v14 =	vor.u32 v1, v4;
	v4 =	vand.u32 $0xFF0, v6;
	v5 =	vand.u32 $0xFF0, v5;
	v13 =	vld [tilespmem:s23+$0xFFFFFFE0]  }
0x57: {  	v10 =	vor.u32 v1, v10;
	v7 =	vor.u32 v1, v7;
	v9 =	vor.u32 v1, v9;
	v6 =	vld [tilespmem:s23+$0xFFFFFFF0]  }
0x58: {  	v8 =	vor.u32 v1, v8;
	v16 =	vor.u32 v1, v4;
	v17 =	vor.u32 v1, v5;
	v15 =	vld [tilespmem:s23+$0x0]  }
0x59: {  	v5 =	vld [tilespmem:s23+$0x10];
	v4 =	vshra.s32 v12, $0x1F  }
0x5a: {  	v18 =	vshra.s32 v11, $0x1F;
	v19 =	vld [tilespmem:s23+$0x20];
	v20 =	vor.u32 $0x80000000, v4;
	v4 =	vimm.s32 $0x0  }
0x5b: {  	v21 =	vld [tilespmem:s23+$0xFFFFFFC0];
	v18 =	vor.u32 $0x80000000, v18;
	v22 =	vshra.s32 v13, $0x1F;
	v12 =	vxor.u32 v12, v20  }
0x5c: {  	v20 =	vor.u32 $0x80000000, v22;
	v22 =	vshra.s32 v6, $0x1F;
	v12 =	vshrl.u32 v12, $0x14;
	[tilespmem:v14+s11+$0x0] =	vst.idx.add.s32.msk $0xffff, v2  }
0x5d: {  	v14 =	vor.u32 $0x80000000, v22;
	v22 =	vshra.s32 v15, $0x1F;
	v12 =	vand.u32 $0xFF0, v12;
	[tilespmem:v10+s11+$0x0] =	vst.idx.add.s32.msk $0xffff, v2  }
0x5e: {  	v10 =	vor.u32 $0x80000000, v22;
	v22 =	vshra.s32 v5, $0x1F;
	v12 =	vor.u32 v1, v12;
	[tilespmem:v7+s11+$0x0] =	vst.idx.add.s32.msk $0xffff, v2  }
0x5f: {  	v7 =	vxor.u32 v11, v18;
	v11 =	vor.u32 $0x80000000, v22;
	v18 =	vshra.s32 v19, $0x1F;
	[tilespmem:v9+s11+$0x0] =	vst.idx.add.s32.msk $0xffff, v2  }
.Ltmp6:
0x60: {  	v13 =	vxor.u32 v13, v20;
	v9 =	vshra.s32 v21, $0x1F;
	v18 =	vor.u32 $0x80000000, v18;
	[tilespmem:v8+s11+$0x0] =	vst.idx.add.s32.msk $0xffff, v2;
	(pc) =	sbr.rel @p0 .LBB2_10-.Ltmp6, $4  }
0x61: {  	v6 =	vxor.u32 v6, v14;
	v14 =	vxor.u32 v15, v10;
	v8 =	vor.u32 $0x80000000, v9;
	[tilespmem:v16+s11+$0x0] =	vst.idx.add.s32.msk $0xffff, v2  }
0x62: {  	v15 =	vxor.u32 v5, v11;
	v5 =	vxor.u32 v19, v18;
	v8 =	vxor.u32 v21, v8  }
0x63: {  	v11 =	vshrl.u32 v7, $0x14;
	v7 =	vshrl.u32 v13, $0x14;
	v10 =	vshrl.u32 v8, $0x14;
	[tilespmem:v12+s11+$0x0] =	vst.idx.add.s32.msk $0xffff, v2  }
0x64: {  	s23 =	sadd.s32 $0x80, s23;
	v9 =	vshrl.u32 v6, $0x14;
	v6 =	vshrl.u32 v15, $0x14;
	v8 =	vshrl.u32 v14, $0x14;
	[tilespmem:v17+s11+$0x0] =	vst.idx.add.s32.msk $0xffff, v2  }
0x65: {  	v10 =	vand.u32 $0xFF0, v10  }
0x66: {  	v11 =	vand.u32 $0xFF0, v11;
	v10 =	vor.u32 v1, v10  }
0x67: {  	v7 =	vand.u32 $0xFF0, v7;
	v11 =	vor.u32 v1, v11  }
0x68: {  	v9 =	vand.u32 $0xFF0, v9;
	v7 =	vor.u32 v1, v7  }
0x69: {  	v8 =	vand.u32 $0xFF0, v8;
	v9 =	vor.u32 v1, v9  }
0x6a: {  	v5 =	vshrl.u32 v5, $0x14;
	v6 =	vand.u32 $0xFF0, v6;
	v8 =	vor.u32 v1, v8  }
0x6b: {  	v5 =	vand.u32 $0xFF0, v5;
	v6 =	vor.u32 v1, v6;
	[tilespmem:v10+s11+$0x0] =	vst.idx.add.s32.msk $0xffff, v2  }
0x6c: {  	v5 =	vor.u32 v1, v5;
	[tilespmem:v11+s11+$0x0] =	vst.idx.add.s32.msk $0xffff, v2  }
0x6d: {  	[tilespmem:v7+s11+$0x0] =	vst.idx.add.s32.msk $0xffff, v2  }
0x6e: {  	[tilespmem:v9+s11+$0x0] =	vst.idx.add.s32.msk $0xffff, v2  }
0x6f: {  	[tilespmem:v8+s11+$0x0] =	vst.idx.add.s32.msk $0xffff, v2  }
0x70: {  	[tilespmem:v6+s11+$0x0] =	vst.idx.add.s32.msk $0xffff, v2  }
0x71: {  	[tilespmem:v5+s11+$0x0] =	vst.idx.add.s32.msk $0xffff, v2  }
0x72: {  	v5 =	vld [tilespmem:s20+$0x0];
	_ =	sdelay $0x2  }
0x73: {  	v6 =	vld [tilespmem:s20+$0xFFFFFFF0];
	_ =	sdelay $0x1  }
0x74: {  	v5 =	vadd.s32 v4, v5  }
0x75: {  	vm0 =	veq.s32 v4, $0x0;
	v7 =	vld [tilespmem:s20+$0xFFFFFFE0];
	vm1 =	vgt.s32 v5, $0x1F  }
0x76: {  	vm1 =	vmand vm0, vm1  }
0x77: {  	v6 =	vadd.s32 v5, v6;
	v8 =	vsel vm1, $0x1, v4  }
0x78: {  	v9 =	vld [tilespmem:s20+$0xFFFFFFD0];
	vm0 =	vgt.s32 v6, $0x1F;
	vm2 =	veq.s32 v8, $0x0  }
0x79: {  	vm3 =	vmand vm0, vm2  }
0x7a: {  	v7 =	vadd.s32 v6, v7;
	v8 =	vsel vm3, $0x1, v8  }
0x7b: {  	v10 =	vld [tilespmem:s20+$0xFFFFFFC0];
	vm2 =	vgt.s32 v7, $0x1F;
	vm0 =	veq.s32 v8, $0x0  }
0x7c: {  	vm6 =	vmand vm2, vm0  }
0x7d: {  	v9 =	vadd.s32 v7, v9;
	v8 =	vsel vm6, $0x1, v8  }
0x7e: {  	v11 =	vld [tilespmem:s20+$0xFFFFFFB0];
	vm2 =	vgt.s32 v9, $0x1F;
	vm0 =	veq.s32 v8, $0x0  }
0x7f: {  	vm5 =	vmand vm2, vm0  }
0x80: {  	v10 =	vadd.s32 v9, v10;
	v8 =	vsel vm5, $0x1, v8  }
0x81: {  	v14 =	vsub.s32 $0x20, v4;
	v12 =	vld [tilespmem:s20+$0xFFFFFFA0];
	vm2 =	vgt.s32 v10, $0x1F;
	vm0 =	veq.s32 v8, $0x0  }
0x82: {  	v13 =	vld [tilespmem:s20+$0xFFFFFF90];
	v5 =	vsub.s32 $0x20, v5;
	v6 =	vsub.s32 $0x20, v6;
	vm4 =	vmand vm2, vm0  }
0x83: {  	s21 =	simm.s32 $0xCF70;
	v15 =	vsel vm1, s22, v4;
	v11 =	vadd.s32 v10, v11;
	v8 =	vsel vm4, $0x1, v8  }
0x84: {  	v16 =	vld [tilespmem:s21+$0x0];
	v14 =	vsel vm1, v14, v4;
	vm2 =	vgt.s32 v11, $0x1F;
	vm0 =	veq.s32 v8, $0x0  }
0x85: {  	s31 =	simm.s32 $0xFE;
	v7 =	vsub.s32 $0x20, v7;
	v5 =	vsel vm3, v5, v14;
	v14 =	vld [tilespmem:s21+$0xFFFFFFF0];
	vm2 =	vmand vm2, vm0  }
0x86: {  	v12 =	vadd.s32 v11, v12;
	v15 =	vsel vm3, s31, v15;
	v8 =	vsel vm2, $0x1, v8  }
0x87: {  	s23 =	simm.s32 $0xFD;
	v13 =	vadd.s32 v12, v13;
	vm0 =	vgt.s32 v12, $0x1F;
	vm7 =	veq.s32 v8, $0x0  }
0x88: {  	vm3 =	vgt.s32 v13, $0x1F;
	v15 =	vsel vm6, s23, v15;
	vm0 =	vmand vm0, vm7  }
0x89: {  	v5 =	vsel vm6, v6, v5;
	v6 =	vadd.s32 v13, v16;
	v8 =	vsel vm0, $0x1, v8  }
0x8a: {  	vm12 =	vgt.s32 v6, $0x1F;
	v14 =	vadd.s32 v6, v14;
	vm1 =	veq.s32 v8, $0x0  }
0x8b: {  	v62 =	vld [tilespmem:s21+$0xFFFFFFE0];
	v10 =	vsub.s32 $0x20, v10;
	v6 =	vsub.s32 $0x20, v6;
	vm3 =	vmand vm3, vm1  }
0x8c: {  	s24 =	simm.s32 $0xFC;
	v5 =	vsel vm5, v7, v5;
	v7 =	vsub.s32 $0x20, v9;
	v8 =	vsel vm3, $0x1, v8  }
0x8d: {  	v15 =	vsel vm5, s24, v15;
	v5 =	vsel vm4, v7, v5;
	v7 =	vld [tilespmem:s21+$0xFFFFFFD0];
	vm1 =	veq.s32 v8, $0x0  }
0x8e: {  	s25 =	simm.s32 $0xFB;
	vm13 =	vgt.s32 v14, $0x1F;
	v11 =	vsub.s32 $0x20, v11;
	vm1 =	vmand vm1, vm12  }
0x8f: {  	v9 =	vsel vm4, s25, v15;
	v12 =	vsub.s32 $0x20, v12;
	v8 =	vsel vm1, $0x1, v8  }
0x90: {  	s26 =	simm.s32 $0xFA;
	v15 =	vld [tilespmem:s21+$0xFFFFFFC0];
	v5 =	vsel vm2, v10, v5;
	v10 =	vadd.s32 v14, v62;
	vm14 =	veq.s32 v8, $0x0  }
0x91: {  	[tilespmem:s20+$0x0] =	vst v4;
	v9 =	vsel vm2, s26, v9;
	vm15 =	vgt.s32 v10, $0x1F;
	vm4 =	vmand vm13, vm14  }
0x92: {  	s28 =	simm.s32 $0xF9;
	[tilespmem:s20+$0xFFFFFFE0] =	vst v4;
	v63 =	vld [tilespmem:s21+$0xFFFFFFB0];
	v17 =	vadd.s32 v10, v7;
	v10 =	vsub.s32 $0x20, v10;
	v8 =	vsel vm4, $0x1, v8  }
0x93: {  	s29 =	simm.s32 $0xF8;
	[tilespmem:s20+$0xFFFFFFD0] =	vst v4;
	v9 =	vsel vm0, s28, v9;
	v5 =	vsel vm0, v11, v5;
	v11 =	vld [tilespmem:s21+$0xFFFFFFA0];
	vm2 =	veq.s32 v8, $0x0  }
0x94: {  	[tilespmem:s20+$0xFFFFFFC0] =	vst v4;
	v7 =	vsel vm3, s29, v9;
	v9 =	vsel vm3, v12, v5;
	vm5 =	vmand vm15, vm2  }
0x95: {  	[tilespmem:s20+$0xFFFFFFB0] =	vst v4;
	s22 =	simm.s32 $0xF7;
	v12 =	vsub.s32 $0x20, v13;
	v5 =	vadd.s32 v17, v15;
	v18 =	vsel vm5, $0x1, v8  }
0x96: {  	[tilespmem:s20+$0xFFFFFFA0] =	vst v4;
	s23 =	simm.s32 $0xF6;
	v7 =	vsel vm1, s22, v7;
	vm2 =	vgt.s32 v17, $0x1F;
	vm0 =	veq.s32 v18, $0x0  }
0x97: {  	[tilespmem:s20+$0xFFFFFF90] =	vst v4;
	v13 =	vsel vm4, s23, v7;
	v7 =	vadd.s32 v5, v63;
	vm0 =	vmand vm2, vm0  }
0x98: {  	[tilespmem:s21+$0x0] =	vst v4;
	v15 =	vld [tilespmem:s21+$0xFFFFFF90];
	v9 =	vsel vm1, v12, v9;
	v8 =	vadd.s32 v7, v11;
	v11 =	vsel vm0, $0x1, v18  }
0x99: {  	[tilespmem:s21+$0xFFFFFFE0] =	vst v4;
	v6 =	vsel vm4, v6, v9;
	vm2 =	vgt.s32 v5, $0x1F;
	vm1 =	veq.s32 v11, $0x0  }
0x9a: {  	s30 =	simm.s32 $0xF5;
	[tilespmem:s21+$0xFFFFFFB0] =	vst v4;
	v9 =	vsub.s32 $0x20, v14;
	vm3 =	vgt.s32 v7, $0x1F;
	vm2 =	vmand vm2, vm1  }
0x9b: {  	s31 =	simm.s32 $0xF4;
	[tilespmem:s21+$0xFFFFFFD0] =	vst v4;
	v12 =	vsel vm5, s30, v13;
	v6 =	vsel vm5, v9, v6;
	v11 =	vsel vm2, $0x1, v11  }
0x9c: {  	[tilespmem:s21+$0xFFFFFFC0] =	vst v4;
	v9 =	vsel vm0, s31, v12;
	v10 =	vsel vm0, v10, v6;
	vm1 =	veq.s32 v11, $0x0  }
0x9d: {  	s24 =	simm.s32 $0xF3;
	[tilespmem:s21+$0xFFFFFFA0] =	vst v4;
	vm0 =	vgt.s32 v8, $0x1F;
	v6 =	vadd.s32 v8, v15;
	vm1 =	vmand vm3, vm1  }
0x9e: {  	[tilespmem:s21+$0xFFFFFF90] =	vst v4;
	s23 =	simm.s32 $0x8;
	v12 =	vsub.s32 $0x20, v17;
	v9 =	vsel vm2, s24, v9;
	s24 =	simm.s32 $0xCEF0;
	v11 =	vsel vm1, $0x1, v11  }
.LBB2_12:
0x9f: {  	v13 =	vld [tilespmem:s24+$0x0];
	s23 =	sadd.s32 $0x8, s23;
	vm3 =	veq.s32 v11, $0x0;
	v7 =	vsub.s32 $0x20, v7;
	v8 =	vsub.s32 $0x20, v8;
	[tilespmem:s20+$0xFFFFFFF0] =	vst v4;
	s20 =	smov.u32 s21  }
0xa0: {  	v10 =	vsel vm2, v12, v10;
	v5 =	vsub.s32 $0x20, v5;
	s21 =	smov.u32 s24;
	[tilespmem:s24+$0x0] =	vst v4;
	v14 =	vld [tilespmem:s24+$0xFFFFFFF0];
	p0 =	slt.u32 s23, $0xF8;
	vm0 =	vmand vm0, vm3  }
0xa1: {  	v12 =	vsub.s32 $0x20, v6;
	s25 =	sadd.s32 $0xFFFFFFFB, s22;
	v5 =	vsel vm1, v5, v10;
	v15 =	vld [tilespmem:s24+$0xFFFFFFE0];
	v10 =	vsel vm0, $0x1, v11  }
0xa2: {  	vm2 =	vgt.s32 v6, $0x1F;
	v9 =	vsel vm1, s25, v9;
	s25 =	sadd.s32 $0xFFFFFFFA, s22;
	[tilespmem:s24+$0xFFFFFFE0] =	vst v4;
	v11 =	vld [tilespmem:s24+$0xFFFFFFD0];
	vm1 =	veq.s32 v10, $0x0  }
0xa3: {  	v9 =	vsel vm0, s25, v9;
	v5 =	vsel vm0, v7, v5;
	s25 =	sadd.s32 $0xFFFFFFF9, s22;
	[tilespmem:s24+$0xFFFFFFD0] =	vst v4;
	v16 =	vld [tilespmem:s24+$0xFFFFFFC0];
	vm0 =	vmand vm2, vm1  }
0xa4: {  	v6 =	vadd.s32 v6, v13;
	[tilespmem:s24+$0xFFFFFFC0] =	vst v4;
	v7 =	vld [tilespmem:s24+$0xFFFFFFB0];
	v9 =	vsel vm0, s25, v9;
	v10 =	vsel vm0, $0x1, v10  }
0xa5: {  	v17 =	vsel vm0, v8, v5;
	vm1 =	veq.s32 v10, $0x0;
	vm2 =	vgt.s32 v6, $0x1F;
	[tilespmem:s24+$0xFFFFFFB0] =	vst v4;
	v13 =	vld [tilespmem:s24+$0xFFFFFFA0]  }
0xa6: {  	s22 =	sadd.s32 $0xFFFFFFF8, s22;
	v14 =	vadd.s32 v6, v14;
	v18 =	vsub.s32 $0x20, v6;
	vm1 =	vmand vm1, vm2;
	[tilespmem:s24+$0xFFFFFFA0] =	vst v4  }
0xa7: {  	vm0 =	vgt.s32 v14, $0x1F;
	v8 =	vadd.s32 v14, v15;
	v6 =	vsel vm1, $0x1, v10;
	v10 =	vld [tilespmem:s24+$0xFFFFFF90]  }
0xa8: {  	v9 =	vsel vm1, s22, v9;
	v11 =	vadd.s32 v8, v11;
	vm2 =	veq.s32 v6, $0x0;
	[tilespmem:s24+$0xFFFFFF90] =	vst v4  }
0xa9: {  	s25 =	sadd.s32 $0xFFFFFFFF, s22;
	v15 =	vsub.s32 $0x20, v8;
	v5 =	vadd.s32 v11, v16;
	vm2 =	vmand vm0, vm2  }
0xaa: {  	v7 =	vadd.s32 v5, v7;
	v9 =	vsel vm2, s25, v9;
	v16 =	vsel vm2, $0x1, v6  }
0xab: {  	vm3 =	vgt.s32 v8, $0x1F;
	v8 =	vadd.s32 v7, v13;
	vm0 =	veq.s32 v16, $0x0  }
0xac: {  	vm3 =	vmand vm3, vm0;
	vm0 =	vgt.s32 v8, $0x1F;
	v6 =	vadd.s32 v8, v10  }
0xad: {  	v10 =	vsel vm1, v12, v17;
	v12 =	vsub.s32 $0x20, v14;
	v13 =	vsel vm3, $0x1, v16  }
0xae: {  	s25 =	sadd.s32 $0xFFFFFFFE, s22;
	v10 =	vsel vm2, v18, v10;
	vm2 =	vgt.s32 v11, $0x1F;
	vm1 =	veq.s32 v13, $0x0  }
0xaf: {  	v9 =	vsel vm3, s25, v9;
	s25 =	sadd.s32 $0xFFFFFFFD, s22;
	v10 =	vsel vm3, v12, v10;
	vm1 =	vmand vm2, vm1  }
0xb0: {  	v9 =	vsel vm1, s25, v9;
	v10 =	vsel vm1, v15, v10;
	v13 =	vsel vm1, $0x1, v13  }
0xb1: {  	v12 =	vsub.s32 $0x20, v11;
	vm2 =	vgt.s32 v5, $0x1F;
	vm1 =	veq.s32 v13, $0x0  }
.Ltmp7:
0xb2: {  	s25 =	sadd.s32 $0xFFFFFFFC, s22;
	vm2 =	vmand vm2, vm1;
	(pc) =	sbr.rel @p0 .LBB2_12-.Ltmp7, $4  }
0xb3: {  	v9 =	vsel vm2, s25, v9;
	v11 =	vsel vm2, $0x1, v13  }
0xb4: {  	vm3 =	vgt.s32 v7, $0x1F;
	vm1 =	veq.s32 v11, $0x0  }
0xb5: {  	vm1 =	vmand vm3, vm1  }
0xb6: {  	s24 =	sadd.s32 $0xFFFFFF80, s24;
	v11 =	vsel vm1, $0x1, v11  }
0xb7: {  	[tilespmem:s20+$0xFFFFFFF0] =	vst v4  }
0xb8: {  	[tilespmem:s21+$0xFFFFFFF0] =	vst v4  }
0xb9: {  	v13 =	vld [tilespmem:s19+$0x30]  }
0xba: {  	v15 =	vld [tilespmem:s19+$0x20]  }
0xbb: {  	v16 =	vld [tilespmem:s19+$0x10]  }
0xbc: {  	v17 =	vld [tilespmem:s19+$0x0]  }
0xbd: {  	vm3 =	veq.s32 v11, $0x0;
	v7 =	vsub.s32 $0x20, v7;
	v18 =	vld [tilespmem:s19+$0xFFFFFFF0]  }
0xbe: {  	v10 =	vsel vm2, v12, v10;
	v5 =	vsub.s32 $0x20, v5;
	s29 =	sadd.s32 $0xFFFFFFFB, s22;
	vm0 =	vmand vm0, vm3;
	v19 =	vld [tilespmem:s19+$0xFFFFFFE0]  }
0xbf: {  	s30 =	sadd.s32 $0xFFFFFFFA, s22;
	v5 =	vsel vm1, v5, v10;
	v20 =	vld [tilespmem:s19+$0xFFFFFFD0];
	v9 =	vsel vm1, s29, v9;
	v10 =	vsel vm0, $0x1, v11  }
0xc0: {  	vm2 =	vgt.s32 v6, $0x1F;
	v21 =	vld [tilespmem:s19+$0xFFFFFFC0];
	v6 =	vsel vm0, s30, v9;
	vm1 =	veq.s32 v10, $0x0  }
0xc1: {  	s31 =	sadd.s32 $0xFFFFFFF9, s22;
	v5 =	vsel vm0, v7, v5;
	v7 =	vshll.u32 v4, $0x4;
	vm0 =	vmand vm2, vm1  }
0xc2: {  	v8 =	vsub.s32 $0x20, v8;
	v14 =	vor.u32 v1, v7;
	v6 =	vsel vm0, s31, v6  }
0xc3: {  	v5 =	vsel vm0, v8, v5;
	v7 =	vshra.s32 v15, $0x1F;
	v8 =	vshra.s32 v13, $0x1F  }
0xc4: {  	v9 =	vshra.s32 v18, $0x1F;
	v10 =	vshra.s32 v17, $0x1F;
	v11 =	vshra.s32 v16, $0x1F  }
0xc5: {  	v12 =	vshra.s32 v21, $0x1F;
	v22 =	vshra.s32 v20, $0x1F;
	v23 =	vshra.s32 v19, $0x1F  }
0xc6: {  	v11 =	vor.u32 $0x80000000, v11;
	v7 =	vor.u32 $0x80000000, v7;
	v8 =	vor.u32 $0x80000000, v8  }
0xc7: {  	v23 =	vor.u32 $0x80000000, v23;
	v24 =	vor.u32 $0x80000000, v9;
	v9 =	vor.u32 $0x80000000, v10  }
0xc8: {  	v25 =	vor.u32 $0x80000000, v12;
	v10 =	vor.u32 $0x80000000, v22;
	v12 =	vxor.u32 v13, v8  }
0xc9: {  	v9 =	vxor.u32 v17, v9;
	v11 =	vxor.u32 v16, v11;
	v13 =	vxor.u32 v15, v7  }
0xca: {  	v7 =	vxor.u32 v20, v10;
	v8 =	vxor.u32 v19, v23;
	v10 =	vxor.u32 v18, v24  }
0xcb: {  	v15 =	vxor.u32 v21, v25;
	v19 =	vshrl.u32 v13, $0x18;
	v17 =	vshrl.u32 v12, $0x18  }
0xcc: {  	v16 =	vshrl.u32 v15, $0x18;
	v21 =	vshrl.u32 v9, $0x18;
	v20 =	vshrl.u32 v11, $0x18  }
0xcd: {  	v22 =	vshrl.u32 v10, $0x18;
	vm3 =	veq.s32 v16, v6;
	v16 =	vshrl.u32 v7, $0x18  }
0xce: {  	v23 =	vshrl.u32 v8, $0x18;
	v18 =	vsel vm3, $0x1, v0;
	vm0 =	veq.s32 v16, v6  }
0xcf: {  	vm1 =	veq.s32 v23, v6;
	v16 =	vadd.s32 v18, v4;
	v4 =	vsel vm0, $0x1, v0  }
0xd0: {  	s20 =	simm.s32 $0x0;
	s19 =	sadd.s32 $0x80, s19;
	vm2 =	veq.s32 v22, v6;
	v18 =	vadd.s32 v4, v16;
	v4 =	vsel vm1, $0x1, v0  }
.LBB2_14:
0xd1: {  	v22 =	vld [tilespmem:s19+$0x30];
	v4 =	vadd.s32 v4, v18;
	v23 =	vsel vm2, $0x1, v0;
	vm4 =	veq.s32 v21, v6  }
0xd2: {  	vm5 =	veq.s32 v20, v6;
	v21 =	vld [tilespmem:s19+$0x20];
	v23 =	vadd.s32 v23, v4;
	v24 =	vsel vm4, $0x1, v0  }
0xd3: {  	v20 =	vld [tilespmem:s19+$0x10];
	[tilespmem:v14+s12+$0x0] =	vst.idx.msk vm3, v15;
	v14 =	vadd.s32 v24, v23;
	v15 =	vsel vm5, $0x1, v0;
	vm3 =	veq.s32 v19, v6  }
0xd4: {  	vm6 =	veq.s32 v17, v6;
	v19 =	vld [tilespmem:s19+$0x0];
	v15 =	vadd.s32 v15, v14;
	v24 =	vsel vm3, $0x1, v0  }
0xd5: {  	v17 =	vld [tilespmem:s19+$0xFFFFFFF0];
	v25 =	vshll.u32 v15, $0x4;
	v15 =	vadd.s32 v24, v15;
	v24 =	vsel vm6, $0x1, v0  }
0xd6: {  	s20 =	sadd.s32 $0x8, s20;
	v14 =	vshll.u32 v14, $0x4;
	v26 =	vld [tilespmem:s19+$0xFFFFFFE0];
	v27 =	vshll.u32 v15, $0x4;
	v24 =	vadd.s32 v24, v15  }
0xd7: {  	v18 =	vshll.u32 v18, $0x4;
	p0 =	slt.u32 s20, $0x3F8;
	v4 =	vshll.u32 v4, $0x4;
	v23 =	vshll.u32 v23, $0x4;
	v15 =	vld [tilespmem:s19+$0xFFFFFFD0]  }
0xd8: {  	v16 =	vshll.u32 v16, $0x4;
	v29 =	vshll.u32 v24, $0x4;
	v27 =	vor.u32 v1, v27;
	v28 =	vld [tilespmem:s19+$0xFFFFFFC0]  }
0xd9: {  	v23 =	vor.u32 v1, v23;
	v30 =	vor.u32 v1, v14;
	v25 =	vor.u32 v1, v25  }
0xda: {  	v16 =	vor.u32 v1, v16;
	v18 =	vor.u32 v1, v18;
	v4 =	vor.u32 v1, v4  }
0xdb: {  	v31 =	vshra.s32 v22, $0x1F;
	v14 =	vor.u32 v1, v29;
	v29 =	vshra.s32 v21, $0x1F  }
0xdc: {  	v34 =	vshra.s32 v20, $0x1F;
	v33 =	vshra.s32 v19, $0x1F;
	v32 =	vshra.s32 v17, $0x1F  }
0xdd: {  	v37 =	vshra.s32 v26, $0x1F;
	v36 =	vshra.s32 v15, $0x1F;
	v35 =	vshra.s32 v28, $0x1F;
	[tilespmem:v27+s12+$0x0] =	vst.idx.msk vm6, v12  }
0xde: {  	v29 =	vor.u32 $0x80000000, v29;
	v27 =	vor.u32 $0x80000000, v34;
	v12 =	vor.u32 $0x80000000, v31;
	[tilespmem:v25+s12+$0x0] =	vst.idx.msk vm3, v13  }
0xdf: {  	v31 =	vor.u32 $0x80000000, v32;
	v25 =	vor.u32 $0x80000000, v37;
	v13 =	vor.u32 $0x80000000, v33;
	[tilespmem:v30+s12+$0x0] =	vst.idx.msk vm5, v11  }
0xe0: {  	v32 =	vor.u32 $0x80000000, v36;
	v12 =	vxor.u32 v22, v12;
	v30 =	vor.u32 $0x80000000, v35;
	[tilespmem:v23+s12+$0x0] =	vst.idx.msk vm4, v9  }
0xe1: {  	v11 =	vxor.u32 v20, v27;
	v9 =	vxor.u32 v19, v13;
	v13 =	vxor.u32 v21, v29  }
0xe2: {  	v22 =	vxor.u32 v15, v32;
	v20 =	vxor.u32 v17, v31;
	v23 =	vxor.u32 v26, v25  }
0xe3: {  	v17 =	vshrl.u32 v12, $0x18;
	v15 =	vxor.u32 v28, v30;
	v19 =	vshrl.u32 v13, $0x18;
	[tilespmem:v4+s12+$0x0] =	vst.idx.msk vm2, v10;
	v10 =	vmovc v20  }
.Ltmp8:
0xe4: {  	v21 =	vshrl.u32 v9, $0x18;
	v4 =	vshrl.u32 v15, $0x18;
	v20 =	vshrl.u32 v11, $0x18;
	[tilespmem:v18+s12+$0x0] =	vst.idx.msk vm1, v8;
	v8 =	vmovc v23;
	(pc) =	sbr.rel @p0 .LBB2_14-.Ltmp8, $4  }
0xe5: {  	vm3 =	veq.s32 v4, v6;
	v4 =	vshrl.u32 v22, $0x18;
	v23 =	vshrl.u32 v10, $0x18;
	[tilespmem:v16+s12+$0x0] =	vst.idx.msk vm0, v7;
	v7 =	vmovc v22  }
0xe6: {  	v16 =	vsel vm3, $0x1, v0;
	vm0 =	veq.s32 v4, v6;
	v4 =	vshrl.u32 v8, $0x18  }
0xe7: {  	v16 =	vadd.s32 v16, v24;
	v18 =	vsel vm0, $0x1, v0;
	vm1 =	veq.s32 v4, v6  }
0xe8: {  	s19 =	sadd.s32 $0x80, s19;
	vm2 =	veq.s32 v23, v6;
	v18 =	vadd.s32 v18, v16;
	v4 =	vsel vm1, $0x1, v0  }
0xe9: {  	v22 =	vadd.s32 v4, v18;
	v4 =	vsel vm2, $0x1, v0;
	vm4 =	veq.s32 v21, v6  }
0xea: {  	vm5 =	veq.s32 v20, v6;
	v57 =	vadd.s32 v4, v22;
	v4 =	vsel vm4, $0x1, v0  }
0xeb: {  	vm6 =	veq.s32 v19, v6;
	v58 =	vadd.s32 v4, v57;
	v4 =	vsel vm5, $0x1, v0  }
0xec: {  	vm7 =	veq.s32 v17, v6;
	v59 =	vadd.s32 v4, v58;
	v4 =	vsel vm6, $0x1, v0  }
0xed: {  	v60 =	vadd.s32 v4, v59;
	v4 =	vsel vm7, $0x1, v0  }
0xee: {  	v4 =	vadd.s32 v4, v60  }
0xef: {  	v23 =	vxor.u32 $0x80000000, v4  }
0xf0: {  	(xrf0) =	vmax.scan.msk.u32 $0xffff, v23;
	_ =	sdelay $0x5  }
0xf1: {  	v23, _, _ =	vpop (xrf0)  }
0xf2: {  	(v2sf) =	vpush v23, $0xF;
	_ =	sdelay $0xd  }
0xf3: {  	v61 =	vshll.u32 v18, $0x4  }
0xf4: {  	[tilespmem:v14+s12+$0x0] =	vst.idx.msk vm3, v15;
	v16 =	vshll.u32 v16, $0x4;
	v14 =	vor.u32 v1, v61;
	s21 =	spop (v2sf)  }
0xf5: {  	v22 =	vshll.u32 v22, $0x4;
	v63 =	vor.u32 v1, v16;
	s19 =	sxor.u32 $0x80000000, s21  }
0xf6: {  	v21 =	vshll.u32 v57, $0x4;
	v62 =	vor.u32 v1, v22;
	s20 =	sshra.s32 s19, $0x1F  }
0xf7: {  	v20 =	vshll.u32 v58, $0x4;
	v21 =	vor.u32 v1, v21;
	s20 =	sshrl.u32 s20, $0x1E  }
0xf8: {  	v19 =	vshll.u32 v59, $0x4;
	v20 =	vor.u32 v1, v20;
	s20 =	sadd.s32 s20, s19  }
0xf9: {  	v17 =	vshll.u32 v60, $0x4;
	v19 =	vor.u32 v1, v19;
	[tilespmem:v14+s12+$0x0] =	vst.idx.msk vm1, v8;
	s20 =	sand.u32 $0xFFFFFFFC, s20  }
0xfa: {  	v17 =	vor.u32 v1, v17;
	[tilespmem:v63+s12+$0x0] =	vst.idx.msk vm0, v7;
	p0 =	slt.s32 s20, $0x1  }
.Ltmp9:
0xfb: {  	[tilespmem:v62+s12+$0x0] =	vst.idx.msk vm2, v10;
	(pc) =	sbr.rel @p0 .LBB2_18-.Ltmp9, $4  }
0xfc: {  	[tilespmem:v21+s12+$0x0] =	vst.idx.msk vm4, v9  }
0xfd: {  	[tilespmem:v20+s12+$0x0] =	vst.idx.msk vm5, v11  }
0xfe: {  	[tilespmem:v19+s12+$0x0] =	vst.idx.msk vm6, v13  }
0xff: {  	v6 =	vshll.u32 v6, $0x18;
	[tilespmem:v17+s12+$0x0] =	vst.idx.msk vm7, v12  }
0x100: {  	s24 =	simm.s32 $0x8020  }
0x101: {  	v8 =	vld [tilespmem:s24+$0xFFFFFFF0]  }
0x102: {  	v7 =	vld [tilespmem:s24+$0x10]  }
0x103: {  	v9 =	vld [tilespmem:s24+$0xFFFFFFE0]  }
0x104: {  	s22 =	simm.s32 $0x2;
	p2 =	sgt.s32 s20, $0x4  }
.Ltmp10:
0x105: {  	s25 =	simm.s32 $0x1;
	s31 =	simm.s32 $0x3;
	vm0 =	vgt.s32 v4, s22;
	(pc) =	sbr.rel @!p2 .LBB2_17-.Ltmp10, $4  }
0x106: {  	vm4 =	vgt.s32 v4, s25;
	vm1 =	vgt.s32 v4, s31;
	v11 =	vand.u32 $0xFF000000, v8  }
0x107: {  	v10 =	vshrl.u32 v8, $0x10;
	v8 =	vand.u32 $0xFF000000, v7;
	vm5 =	veq.s32 v11, v6  }
0x108: {  	s23 =	simm.s32 $0x0;
	v11 =	vand.u32 $0xFF000000, v9;
	v9 =	vshrl.u32 v9, $0x10;
	vm3 =	veq.s32 v8, v6  }
0x109: {  	p1 =	por $0x0, $0x0;
	s22 =	simm.s32 $0x4;
	v8 =	vld [tilespmem:s24+$0x0];
	s24 =	simm.s32 $0x8060;
	vm2 =	veq.s32 v11, v6;
	v9 =	vand.u32 $0xF0, v9;
	vm1 =	vmand vm1, vm3  }
0x10a: {  	_ =	sdelay $0x2  }
0x10b: {  	vm5 =	vmand vm4, vm5;
	v10 =	vand.u32 $0xF0, v10;
	v7 =	vshrl.u32 v7, $0x10;
	v12 =	vld [tilespmem:s24+$0xFFFFFFF0]  }
0x10c: {  	v15 =	vld [tilespmem:s24+$0xFFFFFFE0];
	v13 =	vor.u32 v1, v10;
	v11 =	vand.u32 $0xF0, v7;
	v10 =	vand.u32 $0xFF000000, v8  }
0x10d: {  	v7 =	vld [tilespmem:s24+$0x10];
	v14 =	vor.u32 v1, v11;
	v8 =	vshrl.u32 v8, $0x10;
	vm3 =	veq.s32 v10, v6  }
0x10e: {  	v8 =	vand.u32 $0xF0, v8;
	vm6 =	vmand vm0, vm3;
	vm0 =	vgt.s32 v4, s23  }
0x10f: {  	s25 =	simm.s32 $0x5;
	p2 =	sgt.s32 s20, $0x8;
	v16 =	vor.u32 v1, v8;
	vm3 =	vmand vm0, vm2  }
.Ltmp11:
0x110: {  	s31 =	simm.s32 $0x7;
	vm4 =	vgt.s32 v4, s25;
	v11 =	vor.u32 v1, v9;
	(pc) =	sbr.rel @!p2 .LBB2_25-.Ltmp11, $4  }
0x111: {  	vm7 =	vgt.s32 v4, s31;
	v9 =	vand.u32 $0xFF000000, v12;
	v10 =	vshrl.u32 v12, $0x10;
	v8 =	vld [tilespmem:s24+$0x0]  }
0x112: {  	s30 =	simm.s32 $0x6;
	v62 =	vand.u32 $0xFF000000, v15;
	[tilespmem:v13+s11+$0x0] =	vst.idx.add.s32.msk vm5, v2;
	vm5 =	veq.s32 v9, v6;
	v9 =	vand.u32 $0xFF000000, v7  }
0x113: {  	v63 =	vshrl.u32 v15, $0x10;
	vm0 =	vgt.s32 v4, s30;
	[tilespmem:v14+s11+$0x0] =	vst.idx.add.s32.msk vm1, v2;
	vm1 =	veq.s32 v9, v6  }
0x114: {  	p1 =	por $0x1, $0x1;
	s23 =	simm.s32 $0x8;
	s24 =	simm.s32 $0x80A0;
	vm2 =	veq.s32 v62, v6;
	v9 =	vand.u32 $0xF0, v63;
	vm1 =	vmand vm7, vm1;
	[tilespmem:v16+s11+$0x0] =	vst.idx.add.s32.msk vm6, v2  }
.LBB2_26:
0x115: {  	vm5 =	vmand vm4, vm5;
	v10 =	vand.u32 $0xF0, v10;
	v7 =	vshrl.u32 v7, $0x10;
	[tilespmem:v11+s11+$0x0] =	vst.idx.add.s32.msk vm3, v2;
	s25 =	smov.u32 s23;
	s23 =	sadd.s32 $0x4, s23  }
0x116: {  	v12 =	vld [tilespmem:s24+$0xFFFFFFF0];
	p2 =	slt.s32 s23, s20;
	v13 =	vor.u32 v1, v10;
	v10 =	vand.u32 $0xFF000000, v8;
	v11 =	vand.u32 $0xF0, v7  }
0x117: {  	v8 =	vshrl.u32 v8, $0x10;
	v7 =	vld [tilespmem:s24+$0x10];
	vm3 =	veq.s32 v10, v6;
	v14 =	vor.u32 v1, v11  }
0x118: {  	vm4 =	vgt.s32 v4, s22;
	s22 =	smov.u32 s25;
	v10 =	vand.u32 $0xF0, v8;
	v15 =	vld [tilespmem:s24+$0xFFFFFFE0];
	vm6 =	vmand vm0, vm3  }
0x119: {  	s25 =	sadd.s32 $0x2, s22;
	vm3 =	vmand vm4, vm2;
	v16 =	vor.u32 v1, v10;
	v8 =	vld [tilespmem:s24+$0x0]  }
.Ltmp12:
0x11a: {  	s26 =	sadd.s32 $0x1, s22;
	v11 =	vor.u32 v1, v9;
	vm0 =	vgt.s32 v4, s25;
	(pc) =	sbr.rel @p2 .LBB2_26-.Ltmp12, $4  }
0x11b: {  	vm4 =	vgt.s32 v4, s26;
	s25 =	sadd.s32 $0x3, s22;
	v9 =	vand.u32 $0xFF000000, v12;
	v10 =	vshrl.u32 v12, $0x10;
	[tilespmem:v13+s11+$0x0] =	vst.idx.add.s32.msk vm5, v2  }
0x11c: {  	vm7 =	vgt.s32 v4, s25;
	vm5 =	veq.s32 v9, v6;
	v9 =	vand.u32 $0xFF000000, v7;
	[tilespmem:v14+s11+$0x0] =	vst.idx.add.s32.msk vm1, v2  }
0x11d: {  	v12 =	vand.u32 $0xFF000000, v15;
	v13 =	vshrl.u32 v15, $0x10;
	vm1 =	veq.s32 v9, v6  }
0x11e: {  	s24 =	sadd.s32 $0x40, s24;
	vm2 =	veq.s32 v12, v6;
	v9 =	vand.u32 $0xF0, v13;
	vm1 =	vmand vm7, vm1;
	[tilespmem:v16+s11+$0x0] =	vst.idx.add.s32.msk vm6, v2  }
0x11f: {  	s23 =	smov.u32 s22  }
.LBB2_28:
0x120: {  	vm4 =	vmand vm4, vm5;
	v7 =	vshrl.u32 v7, $0x10  }
0x121: {  	v12 =	vand.u32 $0xFF000000, v8;
	v10 =	vand.u32 $0xF0, v10;
	v8 =	vshrl.u32 v8, $0x10  }
0x122: {  	vm15 =	vgt.s32 v4, s23;
	v7 =	vand.u32 $0xF0, v7;
	v10 =	vor.u32 v1, v10  }
0x123: {  	vm14 =	veq.s32 v12, v6;
	vm2 =	vmand vm15, vm2;
	v7 =	vor.u32 v1, v7  }
0x124: {  	v9 =	vor.u32 v1, v9;
	v8 =	vand.u32 $0xF0, v8;
	vm0 =	vmand vm0, vm14  }
0x125: {  	v8 =	vor.u32 v1, v8  }
0x126: {  	[tilespmem:v11+s11+$0x0] =	vst.idx.add.s32.msk @p1 vm3, v2  }
0x127: {  	[tilespmem:v10+s11+$0x0] =	vst.idx.add.s32.msk vm4, v2  }
0x128: {  	[tilespmem:v7+s11+$0x0] =	vst.idx.add.s32.msk vm1, v2  }
0x129: {  	[tilespmem:v9+s11+$0x0] =	vst.idx.add.s32.msk vm2, v2  }
0x12a: {  	[tilespmem:v8+s11+$0x0] =	vst.idx.add.s32.msk vm0, v2  }
.LBB2_18:
0x12b: {  	p1 =	slt.s32 s20, s19  }
.Ltmp13:
0x12c: {  	_ = 	snop;
	(pc) =	sbr.rel @!p1 .LBB2_19-.Ltmp13, $4  }
0x12d: {  	_ = 	snop  }
0x12e: {  	s23 =	ssub.s32 s19, s20  }
0x12f: {  	s22 =	sshll.u32 s21, $0x6;
	s24 =	sshll.u32 s23, $0x6  }
0x130: {  	s21 =	ssub.s32 $0x0, s23;
	s22 =	ssub.s32 s22, s24  }
0x131: {  	s25 =	sshra.s32 s22, $0x2  }
0x132: {  	s24 =	ssub.s32 $0x0, s23;
	s25 =	sadd.s32 $0x8000, s25  }
.LBB2_30:
0x133: {  	v7 =	vld [tilespmem:s25+$0x0];
	_ =	sdelay $0x4  }
0x134: {  	s26 =	sadd.s32 s24, s19;
	v8 =	vand.u32 $0xFF000000, v7  }
0x135: {  	vm0 =	vgt.s32 v4, s26;
	v7 =	vshrl.u32 v7, $0x10;
	vm1 =	veq.s32 v8, v6  }
0x136: {  	s24 =	sadd.s32 $0x1, s24;
	v7 =	vand.u32 $0xF0, v7;
	vm0 =	vmand vm0, vm1  }
0x137: {  	p2 =	seq.s32 s24, $0x0;
	v7 =	vor.u32 v1, v7  }
.Ltmp14:
0x138: {  	_ = 	snop;
	(pc) =	sbr.rel @!p2 .LBB2_30-.Ltmp14, $2  }
0x139: {  	_ =	sdelay $0x2  }
0x13a: {  	s25 =	sadd.s32 $0x10, s25;
	[tilespmem:v7+s11+$0x0] =	vst.idx.add.s32.msk vm0, v2  }
.LBB2_19:
0x13b: {  	s24 =	simm.s32 $0xC0F0  }
0x13c: {  	v8 =	vld [tilespmem:s24+$0x0];
	_ =	sdelay $0x2  }
0x13d: {  	v9 =	vld [tilespmem:s24+$0xFFFFFFF0]  }
0x13e: {  	v7 =	vimm.s32 $0x0  }
0x13f: {  	v8 =	vadd.s32 v7, v8  }
0x140: {  	v10 =	vld [tilespmem:s24+$0xFFFFFFE0];
	vm0 =	veq.s32 v7, $0x0;
	vm1 =	vle.s32 v5, v8  }
0x141: {  	vm0 =	vmand vm0, vm1  }
0x142: {  	v11 =	vld [tilespmem:s24+$0xFFFFFFD0];
	v9 =	vadd.s32 v8, v9;
	v12 =	vsel vm0, $0x1, v7  }
0x143: {  	vm2 =	vle.s32 v5, v9;
	vm1 =	veq.s32 v12, $0x0  }
0x144: {  	vm1 =	vmand vm2, vm1  }
0x145: {  	s26 =	simm.s32 $0xC0B0;
	v10 =	vadd.s32 v9, v10;
	v12 =	vsel vm1, $0x1, v12  }
0x146: {  	v13 =	vld [tilespmem:s26+$0x0];
	vm2 =	vle.s32 v5, v10;
	vm3 =	veq.s32 v12, $0x0  }
0x147: {  	v15 =	vld [tilespmem:s26+$0xFFFFFFF0];
	v14 =	vadd.s32 v10, v11;
	v11 =	vsub.s32 v5, v7;
	vm2 =	vmand vm2, vm3  }
0x148: {  	s25 =	simm.s32 $0xF;
	v8 =	vsub.s32 v5, v8;
	v11 =	vsel vm0, v11, v7;
	v12 =	vsel vm2, $0x1, v12  }
0x149: {  	v7 =	vsel vm0, s25, v7;
	vm3 =	vge.s32 v14, v5;
	vm0 =	veq.s32 v12, $0x0  }
0x14a: {  	s28 =	simm.s32 $0xE;
	v17 =	vsub.s32 v5, v10;
	v8 =	vsel vm1, v8, v11;
	v11 =	vld [tilespmem:s26+$0xFFFFFFE0];
	vm3 =	vmand vm3, vm0  }
0x14b: {  	v16 =	vsel vm1, s28, v7;
	v7 =	vadd.s32 v14, v13;
	v12 =	vsel vm3, $0x1, v12  }
0x14c: {  	[tilespmem:s24+$0x0] =	vst v0;
	v13 =	vld [tilespmem:s26+$0xFFFFFFD0];
	vm1 =	vle.s32 v5, v7;
	v10 =	vadd.s32 v7, v15;
	vm0 =	veq.s32 v12, $0x0  }
0x14d: {  	[tilespmem:s24+$0xFFFFFFE0] =	vst v0;
	v9 =	vsub.s32 v5, v9;
	s28 =	simm.s32 $0xD;
	vm4 =	vle.s32 v5, v10;
	vm0 =	vmand vm0, vm1  }
0x14e: {  	[tilespmem:s24+$0xFFFFFFD0] =	vst v0;
	v9 =	vsel vm2, v9, v8;
	v8 =	vsel vm2, s28, v16;
	s28 =	simm.s32 $0xC;
	v15 =	vsel vm0, $0x1, v12  }
0x14f: {  	[tilespmem:s26+$0x0] =	vst v0;
	v11 =	vadd.s32 v10, v11;
	v8 =	vsel vm3, s28, v8;
	vm1 =	veq.s32 v15, $0x0  }
0x150: {  	[tilespmem:s26+$0xFFFFFFE0] =	vst v0;
	vm2 =	vle.s32 v5, v11;
	v12 =	vsel vm3, v17, v9;
	vm1 =	vmand vm4, vm1  }
0x151: {  	s29 =	simm.s32 $0xC070;
	[tilespmem:s26+$0xFFFFFFD0] =	vst v0;
	s28 =	simm.s32 $0x4;
	v9 =	vadd.s32 v11, v13;
	v13 =	vsub.s32 v5, v14;
	v14 =	vsel vm1, $0x1, v15  }
.LBB2_20:
0x152: {  	v15 =	vld [tilespmem:s29+$0x0];
	s28 =	sadd.s32 $0x4, s28;
	vm3 =	veq.s32 v14, $0x0;
	v10 =	vsub.s32 v5, v10;
	v16 =	vsub.s32 v5, v11;
	[tilespmem:s24+$0xFFFFFFF0] =	vst v0;
	s25 =	sadd.s32 $0xFFFFFFFC, s25;
	v17 =	vmovc v9;
	s24 =	smov.u32 s26  }
0x153: {  	v12 =	vsel vm0, v13, v12;
	v7 =	vsub.s32 v5, v7;
	s26 =	smov.u32 s29;
	[tilespmem:s29+$0x0] =	vst v0;
	v11 =	vld [tilespmem:s29+$0xFFFFFFF0];
	p2 =	slt.u32 s28, $0xC;
	vm2 =	vmand vm2, vm3  }
0x154: {  	v8 =	vsel vm0, s25, v8;
	s30 =	sadd.s32 $0xFFFFFFFF, s25;
	v7 =	vsel vm1, v7, v12;
	v13 =	vld [tilespmem:s29+$0xFFFFFFE0];
	v12 =	vsel vm2, $0x1, v14  }
0x155: {  	v8 =	vsel vm1, s30, v8;
	s30 =	sadd.s32 $0xFFFFFFFE, s25;
	vm1 =	vge.s32 v9, v5;
	[tilespmem:s29+$0xFFFFFFE0] =	vst v0;
	v14 =	vld [tilespmem:s29+$0xFFFFFFD0];
	vm0 =	veq.s32 v12, $0x0  }
0x156: {  	v18 =	vsel vm2, v10, v7;
	v8 =	vsel vm2, s30, v8;
	s30 =	sadd.s32 $0xFFFFFFFD, s25;
	[tilespmem:s29+$0xFFFFFFD0] =	vst v0;
	vm1 =	vmand vm1, vm0  }
0x157: {  	v7 =	vadd.s32 v9, v15;
	v8 =	vsel vm1, s30, v8;
	v9 =	vsel vm1, $0x1, v12  }
0x158: {  	vm0 =	veq.s32 v9, $0x0;
	vm2 =	vle.s32 v5, v7;
	v10 =	vadd.s32 v7, v11  }
.Ltmp15:
0x159: {  	v12 =	vsel vm1, v16, v18;
	vm0 =	vmand vm0, vm2;
	v11 =	vadd.s32 v10, v13;
	(pc) =	sbr.rel @p2 .LBB2_20-.Ltmp15, $4  }
0x15a: {  	v15 =	vsel vm0, $0x1, v9;
	vm2 =	vle.s32 v5, v11;
	v9 =	vadd.s32 v11, v14  }
0x15b: {  	v13 =	vsub.s32 v5, v17;
	vm3 =	vle.s32 v5, v10;
	vm1 =	veq.s32 v15, $0x0  }
0x15c: {  	vm1 =	vmand vm3, vm1  }
0x15d: {  	s29 =	sadd.s32 $0xFFFFFFC0, s29;
	v14 =	vsel vm1, $0x1, v15  }
0x15e: {  	vm3 =	veq.s32 v14, $0x0  }
0x15f: {  	s25 =	sadd.s32 $0xFFFFFFFC, s25;
	vm2 =	vmand vm2, vm3  }
0x160: {  	vm4 =	vge.s32 v9, v5;
	v8 =	vsel vm0, s25, v8;
	s28 =	sadd.s32 $0xFFFFFFFF, s25;
	v62 =	vsel vm2, $0x1, v14  }
.Ltmp16:
0x161: {  	v63 =	vsel vm0, v13, v12;
	s31 =	sadd.s32 $0xFFFFFFFE, s25;
	v8 =	vsel vm1, s28, v8;
	vm14 =	veq.s32 v62, $0x0;
	(pc) =	sbr.rel @p0 .LBB2_31-.Ltmp16, $4  }
0x162: {  	v7 =	vsub.s32 v5, v7;
	s25 =	sadd.s32 $0xFFFFFFFD, s25;
	v8 =	vsel vm2, s31, v8;
	vm15 =	vmand vm4, vm14  }
0x163: {  	v10 =	vsub.s32 v5, v10;
	v7 =	vsel vm1, v7, v63;
	v8 =	vsel vm15, s25, v8  }
0x164: {  	v5 =	vsub.s32 v5, v11;
	[tilespmem:s24+$0xFFFFFFF0] =	vst v0;
	v7 =	vsel vm2, v10, v7;
	v8 =	vshll.u32 v8, $0x14  }
0x165: {  	[tilespmem:s26+$0xFFFFFFF0] =	vst v0;
	v7 =	vsel vm15, v5, v7;
	v5 =	vor.u32 v6, v8  }
0x166: {  	s26 =	simm.s32 $0x8020  }
0x167: {  	v8 =	vld [tilespmem:s26+$0xFFFFFFF0]  }
0x168: {  	v6 =	vld [tilespmem:s26+$0x10]  }
0x169: {  	v9 =	vld [tilespmem:s26+$0xFFFFFFE0]  }
0x16a: {  	s24 =	simm.s32 $0x2;
	p3 =	sgt.s32 s20, $0x4  }
.Ltmp17:
0x16b: {  	s28 =	simm.s32 $0x1;
	s31 =	simm.s32 $0x3;
	vm0 =	vgt.s32 v4, s24;
	(pc) =	sbr.rel @!p3 .LBB2_23-.Ltmp17, $4  }
0x16c: {  	vm4 =	vgt.s32 v4, s28;
	vm1 =	vgt.s32 v4, s31;
	v11 =	vand.u32 $0xFFF00000, v8  }
0x16d: {  	v10 =	vshrl.u32 v8, $0xC;
	v8 =	vand.u32 $0xFFF00000, v6;
	vm5 =	veq.s32 v11, v5  }
0x16e: {  	s25 =	simm.s32 $0x0;
	v11 =	vand.u32 $0xFFF00000, v9;
	v9 =	vshrl.u32 v9, $0xC;
	vm3 =	veq.s32 v8, v5  }
0x16f: {  	p2 =	por $0x0, $0x0;
	s24 =	simm.s32 $0x4;
	v8 =	vld [tilespmem:s26+$0x0];
	s26 =	simm.s32 $0x8060;
	vm2 =	veq.s32 v11, v5;
	v9 =	vand.u32 $0xF0, v9;
	vm1 =	vmand vm1, vm3  }
0x170: {  	_ =	sdelay $0x2  }
0x171: {  	vm5 =	vmand vm4, vm5;
	v10 =	vand.u32 $0xF0, v10;
	v6 =	vshrl.u32 v6, $0xC;
	v12 =	vld [tilespmem:s26+$0xFFFFFFF0]  }
0x172: {  	v15 =	vld [tilespmem:s26+$0xFFFFFFE0];
	v13 =	vor.u32 v1, v10;
	v11 =	vand.u32 $0xF0, v6;
	v10 =	vand.u32 $0xFFF00000, v8  }
0x173: {  	v6 =	vld [tilespmem:s26+$0x10];
	v14 =	vor.u32 v1, v11;
	v8 =	vshrl.u32 v8, $0xC;
	vm3 =	veq.s32 v10, v5  }
0x174: {  	v8 =	vand.u32 $0xF0, v8;
	vm6 =	vmand vm0, vm3;
	vm0 =	vgt.s32 v4, s25  }
0x175: {  	s28 =	simm.s32 $0x5;
	p3 =	sgt.s32 s20, $0x8;
	v16 =	vor.u32 v1, v8;
	vm3 =	vmand vm0, vm2  }
.Ltmp18:
0x176: {  	s31 =	simm.s32 $0x7;
	vm4 =	vgt.s32 v4, s28;
	v11 =	vor.u32 v1, v9;
	(pc) =	sbr.rel @!p3 .LBB2_38-.Ltmp18, $4  }
0x177: {  	vm7 =	vgt.s32 v4, s31;
	v9 =	vand.u32 $0xFFF00000, v12;
	v10 =	vshrl.u32 v12, $0xC;
	v8 =	vld [tilespmem:s26+$0x0]  }
0x178: {  	s30 =	simm.s32 $0x6;
	v62 =	vand.u32 $0xFFF00000, v15;
	[tilespmem:v13+s11+$0x0] =	vst.idx.add.s32.msk vm5, v2;
	vm5 =	veq.s32 v9, v5;
	v9 =	vand.u32 $0xFFF00000, v6  }
0x179: {  	v63 =	vshrl.u32 v15, $0xC;
	vm0 =	vgt.s32 v4, s30;
	[tilespmem:v14+s11+$0x0] =	vst.idx.add.s32.msk vm1, v2;
	vm1 =	veq.s32 v9, v5  }
0x17a: {  	p2 =	por $0x1, $0x1;
	s25 =	simm.s32 $0x8;
	s26 =	simm.s32 $0x80A0;
	vm2 =	veq.s32 v62, v5;
	v9 =	vand.u32 $0xF0, v63;
	vm1 =	vmand vm7, vm1;
	[tilespmem:v16+s11+$0x0] =	vst.idx.add.s32.msk vm6, v2  }
.LBB2_39:
0x17b: {  	vm5 =	vmand vm4, vm5;
	v10 =	vand.u32 $0xF0, v10;
	v6 =	vshrl.u32 v6, $0xC;
	[tilespmem:v11+s11+$0x0] =	vst.idx.add.s32.msk vm3, v2;
	s28 =	smov.u32 s25;
	s25 =	sadd.s32 $0x4, s25  }
0x17c: {  	v12 =	vld [tilespmem:s26+$0xFFFFFFF0];
	p3 =	slt.s32 s25, s20;
	v13 =	vor.u32 v1, v10;
	v10 =	vand.u32 $0xFFF00000, v8;
	v11 =	vand.u32 $0xF0, v6  }
0x17d: {  	v8 =	vshrl.u32 v8, $0xC;
	v6 =	vld [tilespmem:s26+$0x10];
	vm3 =	veq.s32 v10, v5;
	v14 =	vor.u32 v1, v11  }
0x17e: {  	vm4 =	vgt.s32 v4, s24;
	s24 =	smov.u32 s28;
	v10 =	vand.u32 $0xF0, v8;
	v15 =	vld [tilespmem:s26+$0xFFFFFFE0];
	vm6 =	vmand vm0, vm3  }
0x17f: {  	s28 =	sadd.s32 $0x2, s24;
	vm3 =	vmand vm4, vm2;
	v16 =	vor.u32 v1, v10;
	v8 =	vld [tilespmem:s26+$0x0]  }
.Ltmp19:
0x180: {  	s29 =	sadd.s32 $0x1, s24;
	v11 =	vor.u32 v1, v9;
	vm0 =	vgt.s32 v4, s28;
	(pc) =	sbr.rel @p3 .LBB2_39-.Ltmp19, $4  }
0x181: {  	vm4 =	vgt.s32 v4, s29;
	s28 =	sadd.s32 $0x3, s24;
	v9 =	vand.u32 $0xFFF00000, v12;
	v10 =	vshrl.u32 v12, $0xC;
	[tilespmem:v13+s11+$0x0] =	vst.idx.add.s32.msk vm5, v2  }
0x182: {  	vm7 =	vgt.s32 v4, s28;
	vm5 =	veq.s32 v9, v5;
	v9 =	vand.u32 $0xFFF00000, v6;
	[tilespmem:v14+s11+$0x0] =	vst.idx.add.s32.msk vm1, v2  }
0x183: {  	v12 =	vand.u32 $0xFFF00000, v15;
	v13 =	vshrl.u32 v15, $0xC;
	vm1 =	veq.s32 v9, v5  }
0x184: {  	s26 =	sadd.s32 $0x40, s26;
	vm2 =	veq.s32 v12, v5;
	v9 =	vand.u32 $0xF0, v13;
	vm1 =	vmand vm7, vm1;
	[tilespmem:v16+s11+$0x0] =	vst.idx.add.s32.msk vm6, v2  }
0x185: {  	s25 =	smov.u32 s24  }
.LBB2_41:
0x186: {  	vm4 =	vmand vm4, vm5;
	v6 =	vshrl.u32 v6, $0xC  }
0x187: {  	v12 =	vand.u32 $0xFFF00000, v8;
	v10 =	vand.u32 $0xF0, v10;
	v8 =	vshrl.u32 v8, $0xC  }
0x188: {  	vm15 =	vgt.s32 v4, s25;
	v6 =	vand.u32 $0xF0, v6;
	v10 =	vor.u32 v1, v10  }
0x189: {  	vm14 =	veq.s32 v12, v5;
	vm2 =	vmand vm15, vm2;
	v6 =	vor.u32 v1, v6  }
0x18a: {  	v9 =	vor.u32 v1, v9;
	v8 =	vand.u32 $0xF0, v8;
	vm0 =	vmand vm0, vm14  }
0x18b: {  	v8 =	vor.u32 v1, v8  }
0x18c: {  	[tilespmem:v11+s11+$0x0] =	vst.idx.add.s32.msk @p2 vm3, v2  }
0x18d: {  	[tilespmem:v10+s11+$0x0] =	vst.idx.add.s32.msk vm4, v2  }
0x18e: {  	[tilespmem:v6+s11+$0x0] =	vst.idx.add.s32.msk vm1, v2  }
0x18f: {  	[tilespmem:v9+s11+$0x0] =	vst.idx.add.s32.msk vm2, v2  }
0x190: {  	[tilespmem:v8+s11+$0x0] =	vst.idx.add.s32.msk vm0, v2  }
.LBB2_31:
.Ltmp20:
0x191: {  	(pc) =	sbr.rel @!p1 .LBB2_32-.Ltmp20, $1  }
0x192: {  	_ =	sdelay $0x3  }
0x193: {  	s25 =	sshra.s32 s22, $0x2  }
0x194: {  	s24 =	ssub.s32 $0x0, s23;
	s25 =	sadd.s32 $0x8000, s25  }
.LBB2_43:
0x195: {  	v6 =	vld [tilespmem:s25+$0x0];
	_ =	sdelay $0x4  }
0x196: {  	s26 =	sadd.s32 s24, s19;
	v8 =	vand.u32 $0xFFF00000, v6  }
0x197: {  	vm0 =	vgt.s32 v4, s26;
	v6 =	vshrl.u32 v6, $0xC;
	vm1 =	veq.s32 v8, v5  }
0x198: {  	s24 =	sadd.s32 $0x1, s24;
	v6 =	vand.u32 $0xF0, v6;
	vm0 =	vmand vm0, vm1  }
0x199: {  	p2 =	seq.s32 s24, $0x0;
	v6 =	vor.u32 v1, v6  }
.Ltmp21:
0x19a: {  	_ = 	snop;
	(pc) =	sbr.rel @!p2 .LBB2_43-.Ltmp21, $2  }
0x19b: {  	_ =	sdelay $0x2  }
0x19c: {  	s25 =	sadd.s32 $0x10, s25;
	[tilespmem:v6+s11+$0x0] =	vst.idx.add.s32.msk vm0, v2  }
.LBB2_32:
0x19d: {  	s24 =	simm.s32 $0xC0F0  }
0x19e: {  	v8 =	vld [tilespmem:s24+$0x0];
	_ =	sdelay $0x2  }
0x19f: {  	v9 =	vld [tilespmem:s24+$0xFFFFFFF0]  }
0x1a0: {  	v6 =	vimm.s32 $0x0  }
0x1a1: {  	v8 =	vadd.s32 v6, v8  }
0x1a2: {  	v10 =	vld [tilespmem:s24+$0xFFFFFFE0];
	vm0 =	veq.s32 v6, $0x0;
	vm1 =	vle.s32 v7, v8  }
0x1a3: {  	vm0 =	vmand vm0, vm1  }
0x1a4: {  	v11 =	vld [tilespmem:s24+$0xFFFFFFD0];
	v9 =	vadd.s32 v8, v9;
	v12 =	vsel vm0, $0x1, v6  }
0x1a5: {  	vm2 =	vle.s32 v7, v9;
	vm1 =	veq.s32 v12, $0x0  }
0x1a6: {  	vm1 =	vmand vm2, vm1  }
0x1a7: {  	s26 =	simm.s32 $0xC0B0;
	v10 =	vadd.s32 v9, v10;
	v12 =	vsel vm1, $0x1, v12  }
0x1a8: {  	v13 =	vld [tilespmem:s26+$0x0];
	vm2 =	vle.s32 v7, v10;
	vm3 =	veq.s32 v12, $0x0  }
0x1a9: {  	v15 =	vld [tilespmem:s26+$0xFFFFFFF0];
	v14 =	vadd.s32 v10, v11;
	v11 =	vsub.s32 v7, v6;
	vm2 =	vmand vm2, vm3  }
0x1aa: {  	s25 =	simm.s32 $0xF;
	v8 =	vsub.s32 v7, v8;
	v11 =	vsel vm0, v11, v6;
	v12 =	vsel vm2, $0x1, v12  }
0x1ab: {  	v6 =	vsel vm0, s25, v6;
	vm3 =	vge.s32 v14, v7;
	vm0 =	veq.s32 v12, $0x0  }
0x1ac: {  	s28 =	simm.s32 $0xE;
	v17 =	vsub.s32 v7, v10;
	v8 =	vsel vm1, v8, v11;
	v11 =	vld [tilespmem:s26+$0xFFFFFFE0];
	vm3 =	vmand vm3, vm0  }
0x1ad: {  	v16 =	vsel vm1, s28, v6;
	v6 =	vadd.s32 v14, v13;
	v12 =	vsel vm3, $0x1, v12  }
0x1ae: {  	[tilespmem:s24+$0x0] =	vst v0;
	v13 =	vld [tilespmem:s26+$0xFFFFFFD0];
	vm1 =	vle.s32 v7, v6;
	v10 =	vadd.s32 v6, v15;
	vm0 =	veq.s32 v12, $0x0  }
0x1af: {  	[tilespmem:s24+$0xFFFFFFE0] =	vst v0;
	v9 =	vsub.s32 v7, v9;
	s28 =	simm.s32 $0xD;
	vm4 =	vle.s32 v7, v10;
	vm0 =	vmand vm0, vm1  }
0x1b0: {  	[tilespmem:s24+$0xFFFFFFD0] =	vst v0;
	v9 =	vsel vm2, v9, v8;
	v8 =	vsel vm2, s28, v16;
	s28 =	simm.s32 $0xC;
	v15 =	vsel vm0, $0x1, v12  }
0x1b1: {  	[tilespmem:s26+$0x0] =	vst v0;
	v11 =	vadd.s32 v10, v11;
	v8 =	vsel vm3, s28, v8;
	vm1 =	veq.s32 v15, $0x0  }
0x1b2: {  	[tilespmem:s26+$0xFFFFFFE0] =	vst v0;
	vm2 =	vle.s32 v7, v11;
	v12 =	vsel vm3, v17, v9;
	vm1 =	vmand vm4, vm1  }
0x1b3: {  	s29 =	simm.s32 $0xC070;
	[tilespmem:s26+$0xFFFFFFD0] =	vst v0;
	s28 =	simm.s32 $0x4;
	v9 =	vadd.s32 v11, v13;
	v13 =	vsub.s32 v7, v14;
	v14 =	vsel vm1, $0x1, v15  }
.LBB2_33:
0x1b4: {  	v15 =	vld [tilespmem:s29+$0x0];
	s28 =	sadd.s32 $0x4, s28;
	vm3 =	veq.s32 v14, $0x0;
	v10 =	vsub.s32 v7, v10;
	v16 =	vsub.s32 v7, v11;
	[tilespmem:s24+$0xFFFFFFF0] =	vst v0;
	s25 =	sadd.s32 $0xFFFFFFFC, s25;
	v17 =	vmovc v9;
	s24 =	smov.u32 s26  }
0x1b5: {  	v12 =	vsel vm0, v13, v12;
	v6 =	vsub.s32 v7, v6;
	s26 =	smov.u32 s29;
	[tilespmem:s29+$0x0] =	vst v0;
	v11 =	vld [tilespmem:s29+$0xFFFFFFF0];
	p2 =	slt.u32 s28, $0xC;
	vm2 =	vmand vm2, vm3  }
0x1b6: {  	v8 =	vsel vm0, s25, v8;
	s30 =	sadd.s32 $0xFFFFFFFF, s25;
	v6 =	vsel vm1, v6, v12;
	v13 =	vld [tilespmem:s29+$0xFFFFFFE0];
	v12 =	vsel vm2, $0x1, v14  }
0x1b7: {  	v8 =	vsel vm1, s30, v8;
	s30 =	sadd.s32 $0xFFFFFFFE, s25;
	vm1 =	vge.s32 v9, v7;
	[tilespmem:s29+$0xFFFFFFE0] =	vst v0;
	v14 =	vld [tilespmem:s29+$0xFFFFFFD0];
	vm0 =	veq.s32 v12, $0x0  }
0x1b8: {  	v18 =	vsel vm2, v10, v6;
	v8 =	vsel vm2, s30, v8;
	s30 =	sadd.s32 $0xFFFFFFFD, s25;
	[tilespmem:s29+$0xFFFFFFD0] =	vst v0;
	vm1 =	vmand vm1, vm0  }
0x1b9: {  	v6 =	vadd.s32 v9, v15;
	v8 =	vsel vm1, s30, v8;
	v9 =	vsel vm1, $0x1, v12  }
0x1ba: {  	vm0 =	veq.s32 v9, $0x0;
	vm2 =	vle.s32 v7, v6;
	v10 =	vadd.s32 v6, v11  }
.Ltmp22:
0x1bb: {  	v12 =	vsel vm1, v16, v18;
	vm0 =	vmand vm0, vm2;
	v11 =	vadd.s32 v10, v13;
	(pc) =	sbr.rel @p2 .LBB2_33-.Ltmp22, $4  }
0x1bc: {  	v15 =	vsel vm0, $0x1, v9;
	vm2 =	vle.s32 v7, v11;
	v9 =	vadd.s32 v11, v14  }
0x1bd: {  	v13 =	vsub.s32 v7, v17;
	vm3 =	vle.s32 v7, v10;
	vm1 =	veq.s32 v15, $0x0  }
0x1be: {  	vm1 =	vmand vm3, vm1  }
0x1bf: {  	s29 =	sadd.s32 $0xFFFFFFC0, s29;
	v14 =	vsel vm1, $0x1, v15  }
0x1c0: {  	vm3 =	veq.s32 v14, $0x0  }
0x1c1: {  	s25 =	sadd.s32 $0xFFFFFFFC, s25;
	vm2 =	vmand vm2, vm3  }
0x1c2: {  	vm4 =	vge.s32 v9, v7;
	v8 =	vsel vm0, s25, v8;
	s28 =	sadd.s32 $0xFFFFFFFF, s25;
	v62 =	vsel vm2, $0x1, v14  }
.Ltmp23:
0x1c3: {  	v63 =	vsel vm0, v13, v12;
	s31 =	sadd.s32 $0xFFFFFFFE, s25;
	v8 =	vsel vm1, s28, v8;
	vm14 =	veq.s32 v62, $0x0;
	(pc) =	sbr.rel @p0 .LBB2_44-.Ltmp23, $4  }
0x1c4: {  	v6 =	vsub.s32 v7, v6;
	s25 =	sadd.s32 $0xFFFFFFFD, s25;
	v8 =	vsel vm2, s31, v8;
	vm15 =	vmand vm4, vm14  }
0x1c5: {  	v10 =	vsub.s32 v7, v10;
	v6 =	vsel vm1, v6, v63;
	v8 =	vsel vm15, s25, v8  }
0x1c6: {  	v7 =	vsub.s32 v7, v11;
	[tilespmem:s24+$0xFFFFFFF0] =	vst v0;
	v6 =	vsel vm2, v10, v6;
	v8 =	vshll.u32 v8, $0x10  }
0x1c7: {  	[tilespmem:s26+$0xFFFFFFF0] =	vst v0;
	v6 =	vsel vm15, v7, v6;
	v5 =	vor.u32 v5, v8  }
0x1c8: {  	s26 =	simm.s32 $0x8020  }
0x1c9: {  	v8 =	vld [tilespmem:s26+$0xFFFFFFF0]  }
0x1ca: {  	v7 =	vld [tilespmem:s26+$0x10]  }
0x1cb: {  	v9 =	vld [tilespmem:s26+$0xFFFFFFE0]  }
0x1cc: {  	s24 =	simm.s32 $0x2;
	p3 =	sgt.s32 s20, $0x4  }
.Ltmp24:
0x1cd: {  	s28 =	simm.s32 $0x1;
	s31 =	simm.s32 $0x3;
	vm0 =	vgt.s32 v4, s24;
	(pc) =	sbr.rel @!p3 .LBB2_36-.Ltmp24, $4  }
0x1ce: {  	vm4 =	vgt.s32 v4, s28;
	vm1 =	vgt.s32 v4, s31;
	v11 =	vand.u32 $0xFFFF0000, v8  }
0x1cf: {  	v10 =	vshrl.u32 v8, $0x8;
	v8 =	vand.u32 $0xFFFF0000, v7;
	vm5 =	veq.s32 v11, v5  }
0x1d0: {  	s25 =	simm.s32 $0x0;
	v11 =	vand.u32 $0xFFFF0000, v9;
	v9 =	vshrl.u32 v9, $0x8;
	vm3 =	veq.s32 v8, v5  }
0x1d1: {  	p2 =	por $0x0, $0x0;
	s24 =	simm.s32 $0x4;
	v8 =	vld [tilespmem:s26+$0x0];
	s26 =	simm.s32 $0x8060;
	vm2 =	veq.s32 v11, v5;
	v9 =	vand.u32 $0xF0, v9;
	vm1 =	vmand vm1, vm3  }
0x1d2: {  	_ =	sdelay $0x2  }
0x1d3: {  	vm5 =	vmand vm4, vm5;
	v10 =	vand.u32 $0xF0, v10;
	v7 =	vshrl.u32 v7, $0x8;
	v12 =	vld [tilespmem:s26+$0xFFFFFFF0]  }
0x1d4: {  	v15 =	vld [tilespmem:s26+$0xFFFFFFE0];
	v13 =	vor.u32 v1, v10;
	v11 =	vand.u32 $0xF0, v7;
	v10 =	vand.u32 $0xFFFF0000, v8  }
0x1d5: {  	v7 =	vld [tilespmem:s26+$0x10];
	v14 =	vor.u32 v1, v11;
	v8 =	vshrl.u32 v8, $0x8;
	vm3 =	veq.s32 v10, v5  }
0x1d6: {  	v8 =	vand.u32 $0xF0, v8;
	vm6 =	vmand vm0, vm3;
	vm0 =	vgt.s32 v4, s25  }
0x1d7: {  	s28 =	simm.s32 $0x5;
	p3 =	sgt.s32 s20, $0x8;
	v16 =	vor.u32 v1, v8;
	vm3 =	vmand vm0, vm2  }
.Ltmp25:
0x1d8: {  	s31 =	simm.s32 $0x7;
	vm4 =	vgt.s32 v4, s28;
	v11 =	vor.u32 v1, v9;
	(pc) =	sbr.rel @!p3 .LBB2_51-.Ltmp25, $4  }
0x1d9: {  	vm7 =	vgt.s32 v4, s31;
	v9 =	vand.u32 $0xFFFF0000, v12;
	v10 =	vshrl.u32 v12, $0x8;
	v8 =	vld [tilespmem:s26+$0x0]  }
0x1da: {  	s30 =	simm.s32 $0x6;
	v62 =	vand.u32 $0xFFFF0000, v15;
	[tilespmem:v13+s11+$0x0] =	vst.idx.add.s32.msk vm5, v2;
	vm5 =	veq.s32 v9, v5;
	v9 =	vand.u32 $0xFFFF0000, v7  }
0x1db: {  	v63 =	vshrl.u32 v15, $0x8;
	vm0 =	vgt.s32 v4, s30;
	[tilespmem:v14+s11+$0x0] =	vst.idx.add.s32.msk vm1, v2;
	vm1 =	veq.s32 v9, v5  }
0x1dc: {  	p2 =	por $0x1, $0x1;
	s25 =	simm.s32 $0x8;
	s26 =	simm.s32 $0x80A0;
	vm2 =	veq.s32 v62, v5;
	v9 =	vand.u32 $0xF0, v63;
	vm1 =	vmand vm7, vm1;
	[tilespmem:v16+s11+$0x0] =	vst.idx.add.s32.msk vm6, v2  }
.LBB2_52:
0x1dd: {  	vm5 =	vmand vm4, vm5;
	v10 =	vand.u32 $0xF0, v10;
	v7 =	vshrl.u32 v7, $0x8;
	[tilespmem:v11+s11+$0x0] =	vst.idx.add.s32.msk vm3, v2;
	s28 =	smov.u32 s25;
	s25 =	sadd.s32 $0x4, s25  }
0x1de: {  	v12 =	vld [tilespmem:s26+$0xFFFFFFF0];
	p3 =	slt.s32 s25, s20;
	v13 =	vor.u32 v1, v10;
	v10 =	vand.u32 $0xFFFF0000, v8;
	v11 =	vand.u32 $0xF0, v7  }
0x1df: {  	v8 =	vshrl.u32 v8, $0x8;
	v7 =	vld [tilespmem:s26+$0x10];
	vm3 =	veq.s32 v10, v5;
	v14 =	vor.u32 v1, v11  }
0x1e0: {  	vm4 =	vgt.s32 v4, s24;
	s24 =	smov.u32 s28;
	v10 =	vand.u32 $0xF0, v8;
	v15 =	vld [tilespmem:s26+$0xFFFFFFE0];
	vm6 =	vmand vm0, vm3  }
0x1e1: {  	s28 =	sadd.s32 $0x2, s24;
	vm3 =	vmand vm4, vm2;
	v16 =	vor.u32 v1, v10;
	v8 =	vld [tilespmem:s26+$0x0]  }
.Ltmp26:
0x1e2: {  	s29 =	sadd.s32 $0x1, s24;
	v11 =	vor.u32 v1, v9;
	vm0 =	vgt.s32 v4, s28;
	(pc) =	sbr.rel @p3 .LBB2_52-.Ltmp26, $4  }
0x1e3: {  	vm4 =	vgt.s32 v4, s29;
	s28 =	sadd.s32 $0x3, s24;
	v9 =	vand.u32 $0xFFFF0000, v12;
	v10 =	vshrl.u32 v12, $0x8;
	[tilespmem:v13+s11+$0x0] =	vst.idx.add.s32.msk vm5, v2  }
0x1e4: {  	vm7 =	vgt.s32 v4, s28;
	vm5 =	veq.s32 v9, v5;
	v9 =	vand.u32 $0xFFFF0000, v7;
	[tilespmem:v14+s11+$0x0] =	vst.idx.add.s32.msk vm1, v2  }
0x1e5: {  	v12 =	vand.u32 $0xFFFF0000, v15;
	v13 =	vshrl.u32 v15, $0x8;
	vm1 =	veq.s32 v9, v5  }
0x1e6: {  	s26 =	sadd.s32 $0x40, s26;
	vm2 =	veq.s32 v12, v5;
	v9 =	vand.u32 $0xF0, v13;
	vm1 =	vmand vm7, vm1;
	[tilespmem:v16+s11+$0x0] =	vst.idx.add.s32.msk vm6, v2  }
0x1e7: {  	s25 =	smov.u32 s24  }
.LBB2_54:
0x1e8: {  	vm4 =	vmand vm4, vm5;
	v7 =	vshrl.u32 v7, $0x8  }
0x1e9: {  	v12 =	vand.u32 $0xFFFF0000, v8;
	v10 =	vand.u32 $0xF0, v10;
	v8 =	vshrl.u32 v8, $0x8  }
0x1ea: {  	vm15 =	vgt.s32 v4, s25;
	v7 =	vand.u32 $0xF0, v7;
	v10 =	vor.u32 v1, v10  }
0x1eb: {  	vm14 =	veq.s32 v12, v5;
	vm2 =	vmand vm15, vm2;
	v7 =	vor.u32 v1, v7  }
0x1ec: {  	v9 =	vor.u32 v1, v9;
	v8 =	vand.u32 $0xF0, v8;
	vm0 =	vmand vm0, vm14  }
0x1ed: {  	v8 =	vor.u32 v1, v8  }
0x1ee: {  	[tilespmem:v11+s11+$0x0] =	vst.idx.add.s32.msk @p2 vm3, v2  }
0x1ef: {  	[tilespmem:v10+s11+$0x0] =	vst.idx.add.s32.msk vm4, v2  }
0x1f0: {  	[tilespmem:v7+s11+$0x0] =	vst.idx.add.s32.msk vm1, v2  }
0x1f1: {  	[tilespmem:v9+s11+$0x0] =	vst.idx.add.s32.msk vm2, v2  }
0x1f2: {  	[tilespmem:v8+s11+$0x0] =	vst.idx.add.s32.msk vm0, v2  }
.LBB2_44:
.Ltmp27:
0x1f3: {  	(pc) =	sbr.rel @!p1 .LBB2_45-.Ltmp27, $1  }
0x1f4: {  	_ =	sdelay $0x3  }
0x1f5: {  	s25 =	sshra.s32 s22, $0x2  }
0x1f6: {  	s24 =	ssub.s32 $0x0, s23;
	s25 =	sadd.s32 $0x8000, s25  }
.LBB2_56:
0x1f7: {  	v7 =	vld [tilespmem:s25+$0x0];
	_ =	sdelay $0x4  }
0x1f8: {  	s26 =	sadd.s32 s24, s19;
	v8 =	vand.u32 $0xFFFF0000, v7  }
0x1f9: {  	vm0 =	vgt.s32 v4, s26;
	v7 =	vshrl.u32 v7, $0x8;
	vm1 =	veq.s32 v8, v5  }
0x1fa: {  	s24 =	sadd.s32 $0x1, s24;
	v7 =	vand.u32 $0xF0, v7;
	vm0 =	vmand vm0, vm1  }
0x1fb: {  	p2 =	seq.s32 s24, $0x0;
	v7 =	vor.u32 v1, v7  }
.Ltmp28:
0x1fc: {  	_ = 	snop;
	(pc) =	sbr.rel @!p2 .LBB2_56-.Ltmp28, $2  }
0x1fd: {  	_ =	sdelay $0x2  }
0x1fe: {  	s25 =	sadd.s32 $0x10, s25;
	[tilespmem:v7+s11+$0x0] =	vst.idx.add.s32.msk vm0, v2  }
.LBB2_45:
0x1ff: {  	s24 =	simm.s32 $0xC0F0  }
0x200: {  	v8 =	vld [tilespmem:s24+$0x0];
	_ =	sdelay $0x2  }
0x201: {  	v9 =	vld [tilespmem:s24+$0xFFFFFFF0]  }
0x202: {  	v7 =	vimm.s32 $0x0  }
0x203: {  	v8 =	vadd.s32 v7, v8  }
0x204: {  	v10 =	vld [tilespmem:s24+$0xFFFFFFE0];
	vm0 =	veq.s32 v7, $0x0;
	vm1 =	vle.s32 v6, v8  }
0x205: {  	vm0 =	vmand vm0, vm1  }
0x206: {  	v11 =	vld [tilespmem:s24+$0xFFFFFFD0];
	v9 =	vadd.s32 v8, v9;
	v12 =	vsel vm0, $0x1, v7  }
0x207: {  	vm2 =	vle.s32 v6, v9;
	vm1 =	veq.s32 v12, $0x0  }
0x208: {  	vm1 =	vmand vm2, vm1  }
0x209: {  	s26 =	simm.s32 $0xC0B0;
	v10 =	vadd.s32 v9, v10;
	v12 =	vsel vm1, $0x1, v12  }
0x20a: {  	v13 =	vld [tilespmem:s26+$0x0];
	vm2 =	vle.s32 v6, v10;
	vm3 =	veq.s32 v12, $0x0  }
0x20b: {  	v15 =	vld [tilespmem:s26+$0xFFFFFFF0];
	v14 =	vadd.s32 v10, v11;
	v11 =	vsub.s32 v6, v7;
	vm2 =	vmand vm2, vm3  }
0x20c: {  	s25 =	simm.s32 $0xF;
	v8 =	vsub.s32 v6, v8;
	v11 =	vsel vm0, v11, v7;
	v12 =	vsel vm2, $0x1, v12  }
0x20d: {  	v7 =	vsel vm0, s25, v7;
	vm3 =	vge.s32 v14, v6;
	vm0 =	veq.s32 v12, $0x0  }
0x20e: {  	s28 =	simm.s32 $0xE;
	v17 =	vsub.s32 v6, v10;
	v8 =	vsel vm1, v8, v11;
	v11 =	vld [tilespmem:s26+$0xFFFFFFE0];
	vm3 =	vmand vm3, vm0  }
0x20f: {  	v16 =	vsel vm1, s28, v7;
	v7 =	vadd.s32 v14, v13;
	v12 =	vsel vm3, $0x1, v12  }
0x210: {  	[tilespmem:s24+$0x0] =	vst v0;
	v13 =	vld [tilespmem:s26+$0xFFFFFFD0];
	vm1 =	vle.s32 v6, v7;
	v10 =	vadd.s32 v7, v15;
	vm0 =	veq.s32 v12, $0x0  }
0x211: {  	[tilespmem:s24+$0xFFFFFFE0] =	vst v0;
	v9 =	vsub.s32 v6, v9;
	s28 =	simm.s32 $0xD;
	vm4 =	vle.s32 v6, v10;
	vm0 =	vmand vm0, vm1  }
0x212: {  	[tilespmem:s24+$0xFFFFFFD0] =	vst v0;
	v9 =	vsel vm2, v9, v8;
	v8 =	vsel vm2, s28, v16;
	s28 =	simm.s32 $0xC;
	v15 =	vsel vm0, $0x1, v12  }
0x213: {  	[tilespmem:s26+$0x0] =	vst v0;
	v11 =	vadd.s32 v10, v11;
	v8 =	vsel vm3, s28, v8;
	vm1 =	veq.s32 v15, $0x0  }
0x214: {  	[tilespmem:s26+$0xFFFFFFE0] =	vst v0;
	vm2 =	vle.s32 v6, v11;
	v12 =	vsel vm3, v17, v9;
	vm1 =	vmand vm4, vm1  }
0x215: {  	s29 =	simm.s32 $0xC070;
	[tilespmem:s26+$0xFFFFFFD0] =	vst v0;
	s28 =	simm.s32 $0x4;
	v9 =	vadd.s32 v11, v13;
	v13 =	vsub.s32 v6, v14;
	v14 =	vsel vm1, $0x1, v15  }
.LBB2_46:
0x216: {  	v15 =	vld [tilespmem:s29+$0x0];
	s28 =	sadd.s32 $0x4, s28;
	vm3 =	veq.s32 v14, $0x0;
	v10 =	vsub.s32 v6, v10;
	v16 =	vsub.s32 v6, v11;
	[tilespmem:s24+$0xFFFFFFF0] =	vst v0;
	s25 =	sadd.s32 $0xFFFFFFFC, s25;
	v17 =	vmovc v9;
	s24 =	smov.u32 s26  }
0x217: {  	v12 =	vsel vm0, v13, v12;
	v7 =	vsub.s32 v6, v7;
	s26 =	smov.u32 s29;
	[tilespmem:s29+$0x0] =	vst v0;
	v11 =	vld [tilespmem:s29+$0xFFFFFFF0];
	p2 =	slt.u32 s28, $0xC;
	vm2 =	vmand vm2, vm3  }
0x218: {  	v8 =	vsel vm0, s25, v8;
	s30 =	sadd.s32 $0xFFFFFFFF, s25;
	v7 =	vsel vm1, v7, v12;
	v13 =	vld [tilespmem:s29+$0xFFFFFFE0];
	v12 =	vsel vm2, $0x1, v14  }
0x219: {  	v8 =	vsel vm1, s30, v8;
	s30 =	sadd.s32 $0xFFFFFFFE, s25;
	vm1 =	vge.s32 v9, v6;
	[tilespmem:s29+$0xFFFFFFE0] =	vst v0;
	v14 =	vld [tilespmem:s29+$0xFFFFFFD0];
	vm0 =	veq.s32 v12, $0x0  }
0x21a: {  	v18 =	vsel vm2, v10, v7;
	v8 =	vsel vm2, s30, v8;
	s30 =	sadd.s32 $0xFFFFFFFD, s25;
	[tilespmem:s29+$0xFFFFFFD0] =	vst v0;
	vm1 =	vmand vm1, vm0  }
0x21b: {  	v7 =	vadd.s32 v9, v15;
	v8 =	vsel vm1, s30, v8;
	v9 =	vsel vm1, $0x1, v12  }
0x21c: {  	vm0 =	veq.s32 v9, $0x0;
	vm2 =	vle.s32 v6, v7;
	v10 =	vadd.s32 v7, v11  }
.Ltmp29:
0x21d: {  	v12 =	vsel vm1, v16, v18;
	vm0 =	vmand vm0, vm2;
	v11 =	vadd.s32 v10, v13;
	(pc) =	sbr.rel @p2 .LBB2_46-.Ltmp29, $4  }
0x21e: {  	v15 =	vsel vm0, $0x1, v9;
	vm2 =	vle.s32 v6, v11;
	v9 =	vadd.s32 v11, v14  }
0x21f: {  	v13 =	vsub.s32 v6, v17;
	vm3 =	vle.s32 v6, v10;
	vm1 =	veq.s32 v15, $0x0  }
0x220: {  	vm1 =	vmand vm3, vm1  }
0x221: {  	s29 =	sadd.s32 $0xFFFFFFC0, s29;
	v14 =	vsel vm1, $0x1, v15  }
0x222: {  	vm3 =	veq.s32 v14, $0x0  }
0x223: {  	s25 =	sadd.s32 $0xFFFFFFFC, s25;
	vm2 =	vmand vm2, vm3  }
0x224: {  	vm4 =	vge.s32 v9, v6;
	v8 =	vsel vm0, s25, v8;
	s28 =	sadd.s32 $0xFFFFFFFF, s25;
	v62 =	vsel vm2, $0x1, v14  }
.Ltmp30:
0x225: {  	v63 =	vsel vm0, v13, v12;
	s31 =	sadd.s32 $0xFFFFFFFE, s25;
	v8 =	vsel vm1, s28, v8;
	vm14 =	veq.s32 v62, $0x0;
	(pc) =	sbr.rel @p0 .LBB2_57-.Ltmp30, $4  }
0x226: {  	v7 =	vsub.s32 v6, v7;
	s25 =	sadd.s32 $0xFFFFFFFD, s25;
	v8 =	vsel vm2, s31, v8;
	vm15 =	vmand vm4, vm14  }
0x227: {  	v10 =	vsub.s32 v6, v10;
	v7 =	vsel vm1, v7, v63;
	v8 =	vsel vm15, s25, v8  }
0x228: {  	v6 =	vsub.s32 v6, v11;
	[tilespmem:s24+$0xFFFFFFF0] =	vst v0;
	v7 =	vsel vm2, v10, v7;
	v8 =	vshll.u32 v8, $0xC  }
0x229: {  	[tilespmem:s26+$0xFFFFFFF0] =	vst v0;
	v6 =	vsel vm15, v6, v7;
	v5 =	vor.u32 v5, v8  }
0x22a: {  	s26 =	simm.s32 $0x8020  }
0x22b: {  	v8 =	vld [tilespmem:s26+$0xFFFFFFF0]  }
0x22c: {  	v7 =	vld [tilespmem:s26+$0x10]  }
0x22d: {  	v9 =	vld [tilespmem:s26+$0xFFFFFFE0]  }
0x22e: {  	s24 =	simm.s32 $0x2;
	p3 =	sgt.s32 s20, $0x4  }
.Ltmp31:
0x22f: {  	s28 =	simm.s32 $0x1;
	s31 =	simm.s32 $0x3;
	vm0 =	vgt.s32 v4, s24;
	(pc) =	sbr.rel @!p3 .LBB2_49-.Ltmp31, $4  }
0x230: {  	vm4 =	vgt.s32 v4, s28;
	vm1 =	vgt.s32 v4, s31;
	v11 =	vand.u32 $0xFFFFF000, v8  }
0x231: {  	v10 =	vshrl.u32 v8, $0x4;
	v8 =	vand.u32 $0xFFFFF000, v7;
	vm5 =	veq.s32 v11, v5  }
0x232: {  	s25 =	simm.s32 $0x0;
	v11 =	vand.u32 $0xFFFFF000, v9;
	v9 =	vshrl.u32 v9, $0x4;
	vm3 =	veq.s32 v8, v5  }
0x233: {  	p2 =	por $0x0, $0x0;
	s24 =	simm.s32 $0x4;
	v8 =	vld [tilespmem:s26+$0x0];
	s26 =	simm.s32 $0x8060;
	vm2 =	veq.s32 v11, v5;
	v9 =	vand.u32 $0xF0, v9;
	vm1 =	vmand vm1, vm3  }
0x234: {  	_ =	sdelay $0x2  }
0x235: {  	vm5 =	vmand vm4, vm5;
	v10 =	vand.u32 $0xF0, v10;
	v7 =	vshrl.u32 v7, $0x4;
	v12 =	vld [tilespmem:s26+$0xFFFFFFF0]  }
0x236: {  	v15 =	vld [tilespmem:s26+$0xFFFFFFE0];
	v13 =	vor.u32 v1, v10;
	v11 =	vand.u32 $0xF0, v7;
	v10 =	vand.u32 $0xFFFFF000, v8  }
0x237: {  	v7 =	vld [tilespmem:s26+$0x10];
	v14 =	vor.u32 v1, v11;
	v8 =	vshrl.u32 v8, $0x4;
	vm3 =	veq.s32 v10, v5  }
0x238: {  	v8 =	vand.u32 $0xF0, v8;
	vm6 =	vmand vm0, vm3;
	vm0 =	vgt.s32 v4, s25  }
0x239: {  	s28 =	simm.s32 $0x5;
	p3 =	sgt.s32 s20, $0x8;
	v16 =	vor.u32 v1, v8;
	vm3 =	vmand vm0, vm2  }
.Ltmp32:
0x23a: {  	s31 =	simm.s32 $0x7;
	vm4 =	vgt.s32 v4, s28;
	v11 =	vor.u32 v1, v9;
	(pc) =	sbr.rel @!p3 .LBB2_64-.Ltmp32, $4  }
0x23b: {  	vm7 =	vgt.s32 v4, s31;
	v9 =	vand.u32 $0xFFFFF000, v12;
	v10 =	vshrl.u32 v12, $0x4;
	v8 =	vld [tilespmem:s26+$0x0]  }
0x23c: {  	s30 =	simm.s32 $0x6;
	v62 =	vand.u32 $0xFFFFF000, v15;
	[tilespmem:v13+s11+$0x0] =	vst.idx.add.s32.msk vm5, v2;
	vm5 =	veq.s32 v9, v5;
	v9 =	vand.u32 $0xFFFFF000, v7  }
0x23d: {  	v63 =	vshrl.u32 v15, $0x4;
	vm0 =	vgt.s32 v4, s30;
	[tilespmem:v14+s11+$0x0] =	vst.idx.add.s32.msk vm1, v2;
	vm1 =	veq.s32 v9, v5  }
0x23e: {  	p2 =	por $0x1, $0x1;
	s25 =	simm.s32 $0x8;
	s26 =	simm.s32 $0x80A0;
	vm2 =	veq.s32 v62, v5;
	v9 =	vand.u32 $0xF0, v63;
	vm1 =	vmand vm7, vm1;
	[tilespmem:v16+s11+$0x0] =	vst.idx.add.s32.msk vm6, v2  }
.LBB2_65:
0x23f: {  	vm5 =	vmand vm4, vm5;
	v10 =	vand.u32 $0xF0, v10;
	v7 =	vshrl.u32 v7, $0x4;
	[tilespmem:v11+s11+$0x0] =	vst.idx.add.s32.msk vm3, v2;
	s28 =	smov.u32 s25;
	s25 =	sadd.s32 $0x4, s25  }
0x240: {  	v12 =	vld [tilespmem:s26+$0xFFFFFFF0];
	p3 =	slt.s32 s25, s20;
	v13 =	vor.u32 v1, v10;
	v10 =	vand.u32 $0xFFFFF000, v8;
	v11 =	vand.u32 $0xF0, v7  }
0x241: {  	v8 =	vshrl.u32 v8, $0x4;
	v7 =	vld [tilespmem:s26+$0x10];
	vm3 =	veq.s32 v10, v5;
	v14 =	vor.u32 v1, v11  }
0x242: {  	vm4 =	vgt.s32 v4, s24;
	s24 =	smov.u32 s28;
	v10 =	vand.u32 $0xF0, v8;
	v15 =	vld [tilespmem:s26+$0xFFFFFFE0];
	vm6 =	vmand vm0, vm3  }
0x243: {  	s28 =	sadd.s32 $0x2, s24;
	vm3 =	vmand vm4, vm2;
	v16 =	vor.u32 v1, v10;
	v8 =	vld [tilespmem:s26+$0x0]  }
.Ltmp33:
0x244: {  	s29 =	sadd.s32 $0x1, s24;
	v11 =	vor.u32 v1, v9;
	vm0 =	vgt.s32 v4, s28;
	(pc) =	sbr.rel @p3 .LBB2_65-.Ltmp33, $4  }
0x245: {  	vm4 =	vgt.s32 v4, s29;
	s28 =	sadd.s32 $0x3, s24;
	v9 =	vand.u32 $0xFFFFF000, v12;
	v10 =	vshrl.u32 v12, $0x4;
	[tilespmem:v13+s11+$0x0] =	vst.idx.add.s32.msk vm5, v2  }
0x246: {  	vm7 =	vgt.s32 v4, s28;
	vm5 =	veq.s32 v9, v5;
	v9 =	vand.u32 $0xFFFFF000, v7;
	[tilespmem:v14+s11+$0x0] =	vst.idx.add.s32.msk vm1, v2  }
0x247: {  	v12 =	vand.u32 $0xFFFFF000, v15;
	v13 =	vshrl.u32 v15, $0x4;
	vm1 =	veq.s32 v9, v5  }
0x248: {  	s26 =	sadd.s32 $0x40, s26;
	vm2 =	veq.s32 v12, v5;
	v9 =	vand.u32 $0xF0, v13;
	vm1 =	vmand vm7, vm1;
	[tilespmem:v16+s11+$0x0] =	vst.idx.add.s32.msk vm6, v2  }
0x249: {  	s25 =	smov.u32 s24  }
.LBB2_67:
0x24a: {  	vm4 =	vmand vm4, vm5;
	v7 =	vshrl.u32 v7, $0x4  }
0x24b: {  	v12 =	vand.u32 $0xFFFFF000, v8;
	v10 =	vand.u32 $0xF0, v10;
	v8 =	vshrl.u32 v8, $0x4  }
0x24c: {  	vm15 =	vgt.s32 v4, s25;
	v7 =	vand.u32 $0xF0, v7;
	v10 =	vor.u32 v1, v10  }
0x24d: {  	vm14 =	veq.s32 v12, v5;
	vm2 =	vmand vm15, vm2;
	v7 =	vor.u32 v1, v7  }
0x24e: {  	v9 =	vor.u32 v1, v9;
	v8 =	vand.u32 $0xF0, v8;
	vm0 =	vmand vm0, vm14  }
0x24f: {  	v8 =	vor.u32 v1, v8  }
0x250: {  	[tilespmem:v11+s11+$0x0] =	vst.idx.add.s32.msk @p2 vm3, v2  }
0x251: {  	[tilespmem:v10+s11+$0x0] =	vst.idx.add.s32.msk vm4, v2  }
0x252: {  	[tilespmem:v7+s11+$0x0] =	vst.idx.add.s32.msk vm1, v2  }
0x253: {  	[tilespmem:v9+s11+$0x0] =	vst.idx.add.s32.msk vm2, v2  }
0x254: {  	[tilespmem:v8+s11+$0x0] =	vst.idx.add.s32.msk vm0, v2  }
.LBB2_57:
.Ltmp34:
0x255: {  	(pc) =	sbr.rel @!p1 .LBB2_58-.Ltmp34, $1  }
0x256: {  	_ =	sdelay $0x3  }
0x257: {  	s25 =	sshra.s32 s22, $0x2  }
0x258: {  	s24 =	ssub.s32 $0x0, s23;
	s25 =	sadd.s32 $0x8000, s25  }
.LBB2_69:
0x259: {  	v7 =	vld [tilespmem:s25+$0x0];
	_ =	sdelay $0x4  }
0x25a: {  	s26 =	sadd.s32 s24, s19;
	v8 =	vand.u32 $0xFFFFF000, v7  }
0x25b: {  	vm0 =	vgt.s32 v4, s26;
	v7 =	vshrl.u32 v7, $0x4;
	vm1 =	veq.s32 v8, v5  }
0x25c: {  	s24 =	sadd.s32 $0x1, s24;
	v7 =	vand.u32 $0xF0, v7;
	vm0 =	vmand vm0, vm1  }
0x25d: {  	p2 =	seq.s32 s24, $0x0;
	v7 =	vor.u32 v1, v7  }
.Ltmp35:
0x25e: {  	_ = 	snop;
	(pc) =	sbr.rel @!p2 .LBB2_69-.Ltmp35, $2  }
0x25f: {  	_ =	sdelay $0x2  }
0x260: {  	s25 =	sadd.s32 $0x10, s25;
	[tilespmem:v7+s11+$0x0] =	vst.idx.add.s32.msk vm0, v2  }
.LBB2_58:
0x261: {  	s24 =	simm.s32 $0xC0F0  }
0x262: {  	v8 =	vld [tilespmem:s24+$0x0];
	_ =	sdelay $0x2  }
0x263: {  	v9 =	vld [tilespmem:s24+$0xFFFFFFF0]  }
0x264: {  	v7 =	vimm.s32 $0x0  }
0x265: {  	v8 =	vadd.s32 v7, v8  }
0x266: {  	v10 =	vld [tilespmem:s24+$0xFFFFFFE0];
	vm0 =	veq.s32 v7, $0x0;
	vm1 =	vle.s32 v6, v8  }
0x267: {  	vm0 =	vmand vm0, vm1  }
0x268: {  	v11 =	vld [tilespmem:s24+$0xFFFFFFD0];
	v9 =	vadd.s32 v8, v9;
	v12 =	vsel vm0, $0x1, v7  }
0x269: {  	vm2 =	vle.s32 v6, v9;
	vm1 =	veq.s32 v12, $0x0  }
0x26a: {  	vm1 =	vmand vm2, vm1  }
0x26b: {  	s26 =	simm.s32 $0xC0B0;
	v10 =	vadd.s32 v9, v10;
	v12 =	vsel vm1, $0x1, v12  }
0x26c: {  	v13 =	vld [tilespmem:s26+$0x0];
	vm2 =	vle.s32 v6, v10;
	vm3 =	veq.s32 v12, $0x0  }
0x26d: {  	v15 =	vld [tilespmem:s26+$0xFFFFFFF0];
	v14 =	vadd.s32 v10, v11;
	v11 =	vsub.s32 v6, v7;
	vm2 =	vmand vm2, vm3  }
0x26e: {  	s25 =	simm.s32 $0xF;
	v8 =	vsub.s32 v6, v8;
	v11 =	vsel vm0, v11, v7;
	v12 =	vsel vm2, $0x1, v12  }
0x26f: {  	v7 =	vsel vm0, s25, v7;
	vm3 =	vge.s32 v14, v6;
	vm0 =	veq.s32 v12, $0x0  }
0x270: {  	s28 =	simm.s32 $0xE;
	v17 =	vsub.s32 v6, v10;
	v8 =	vsel vm1, v8, v11;
	v11 =	vld [tilespmem:s26+$0xFFFFFFE0];
	vm3 =	vmand vm3, vm0  }
0x271: {  	v16 =	vsel vm1, s28, v7;
	v7 =	vadd.s32 v14, v13;
	v12 =	vsel vm3, $0x1, v12  }
0x272: {  	[tilespmem:s24+$0x0] =	vst v0;
	v13 =	vld [tilespmem:s26+$0xFFFFFFD0];
	vm1 =	vle.s32 v6, v7;
	v10 =	vadd.s32 v7, v15;
	vm0 =	veq.s32 v12, $0x0  }
0x273: {  	[tilespmem:s24+$0xFFFFFFE0] =	vst v0;
	v9 =	vsub.s32 v6, v9;
	s28 =	simm.s32 $0xD;
	vm4 =	vle.s32 v6, v10;
	vm0 =	vmand vm0, vm1  }
0x274: {  	[tilespmem:s24+$0xFFFFFFD0] =	vst v0;
	v9 =	vsel vm2, v9, v8;
	v8 =	vsel vm2, s28, v16;
	s28 =	simm.s32 $0xC;
	v15 =	vsel vm0, $0x1, v12  }
0x275: {  	[tilespmem:s26+$0x0] =	vst v0;
	v11 =	vadd.s32 v10, v11;
	v8 =	vsel vm3, s28, v8;
	vm1 =	veq.s32 v15, $0x0  }
0x276: {  	[tilespmem:s26+$0xFFFFFFE0] =	vst v0;
	vm2 =	vle.s32 v6, v11;
	v12 =	vsel vm3, v17, v9;
	vm1 =	vmand vm4, vm1  }
0x277: {  	s29 =	simm.s32 $0xC070;
	[tilespmem:s26+$0xFFFFFFD0] =	vst v0;
	s28 =	simm.s32 $0x4;
	v9 =	vadd.s32 v11, v13;
	v13 =	vsub.s32 v6, v14;
	v14 =	vsel vm1, $0x1, v15  }
.LBB2_59:
0x278: {  	v15 =	vld [tilespmem:s29+$0x0];
	s28 =	sadd.s32 $0x4, s28;
	vm3 =	veq.s32 v14, $0x0;
	v10 =	vsub.s32 v6, v10;
	v16 =	vsub.s32 v6, v11;
	[tilespmem:s24+$0xFFFFFFF0] =	vst v0;
	s25 =	sadd.s32 $0xFFFFFFFC, s25;
	v17 =	vmovc v9;
	s24 =	smov.u32 s26  }
0x279: {  	v12 =	vsel vm0, v13, v12;
	v7 =	vsub.s32 v6, v7;
	s26 =	smov.u32 s29;
	[tilespmem:s29+$0x0] =	vst v0;
	v11 =	vld [tilespmem:s29+$0xFFFFFFF0];
	p2 =	slt.u32 s28, $0xC;
	vm2 =	vmand vm2, vm3  }
0x27a: {  	v8 =	vsel vm0, s25, v8;
	s30 =	sadd.s32 $0xFFFFFFFF, s25;
	v7 =	vsel vm1, v7, v12;
	v13 =	vld [tilespmem:s29+$0xFFFFFFE0];
	v12 =	vsel vm2, $0x1, v14  }
0x27b: {  	v8 =	vsel vm1, s30, v8;
	s30 =	sadd.s32 $0xFFFFFFFE, s25;
	vm1 =	vge.s32 v9, v6;
	[tilespmem:s29+$0xFFFFFFE0] =	vst v0;
	v14 =	vld [tilespmem:s29+$0xFFFFFFD0];
	vm0 =	veq.s32 v12, $0x0  }
0x27c: {  	v18 =	vsel vm2, v10, v7;
	v8 =	vsel vm2, s30, v8;
	s30 =	sadd.s32 $0xFFFFFFFD, s25;
	[tilespmem:s29+$0xFFFFFFD0] =	vst v0;
	vm1 =	vmand vm1, vm0  }
0x27d: {  	v7 =	vadd.s32 v9, v15;
	v8 =	vsel vm1, s30, v8;
	v9 =	vsel vm1, $0x1, v12  }
0x27e: {  	vm0 =	veq.s32 v9, $0x0;
	vm2 =	vle.s32 v6, v7;
	v10 =	vadd.s32 v7, v11  }
.Ltmp36:
0x27f: {  	v12 =	vsel vm1, v16, v18;
	vm0 =	vmand vm0, vm2;
	v11 =	vadd.s32 v10, v13;
	(pc) =	sbr.rel @p2 .LBB2_59-.Ltmp36, $4  }
0x280: {  	v15 =	vsel vm0, $0x1, v9;
	vm2 =	vle.s32 v6, v11;
	v9 =	vadd.s32 v11, v14  }
0x281: {  	v13 =	vsub.s32 v6, v17;
	vm3 =	vle.s32 v6, v10;
	vm1 =	veq.s32 v15, $0x0  }
0x282: {  	vm1 =	vmand vm3, vm1  }
0x283: {  	s29 =	sadd.s32 $0xFFFFFFC0, s29;
	v14 =	vsel vm1, $0x1, v15  }
0x284: {  	vm3 =	veq.s32 v14, $0x0  }
0x285: {  	s25 =	sadd.s32 $0xFFFFFFFC, s25;
	vm2 =	vmand vm2, vm3  }
0x286: {  	vm4 =	vge.s32 v9, v6;
	v8 =	vsel vm0, s25, v8;
	s28 =	sadd.s32 $0xFFFFFFFF, s25;
	v62 =	vsel vm2, $0x1, v14  }
.Ltmp37:
0x287: {  	v63 =	vsel vm0, v13, v12;
	s31 =	sadd.s32 $0xFFFFFFFE, s25;
	v8 =	vsel vm1, s28, v8;
	vm14 =	veq.s32 v62, $0x0;
	(pc) =	sbr.rel @p0 .LBB2_70-.Ltmp37, $4  }
0x288: {  	v7 =	vsub.s32 v6, v7;
	s25 =	sadd.s32 $0xFFFFFFFD, s25;
	v8 =	vsel vm2, s31, v8;
	vm15 =	vmand vm4, vm14  }
0x289: {  	v10 =	vsub.s32 v6, v10;
	v7 =	vsel vm1, v7, v63;
	v8 =	vsel vm15, s25, v8  }
0x28a: {  	v6 =	vsub.s32 v6, v11;
	[tilespmem:s24+$0xFFFFFFF0] =	vst v0;
	v7 =	vsel vm2, v10, v7;
	v8 =	vshll.u32 v8, $0x8  }
0x28b: {  	[tilespmem:s26+$0xFFFFFFF0] =	vst v0;
	v6 =	vsel vm15, v6, v7;
	v5 =	vor.u32 v5, v8  }
0x28c: {  	s25 =	simm.s32 $0x8020  }
0x28d: {  	v9 =	vld [tilespmem:s25+$0x0]  }
0x28e: {  	p3 =	sgt.s32 s20, $0x4;
	v13 =	vld [tilespmem:s25+$0xFFFFFFE0]  }
.Ltmp38:
0x28f: {  	_ = 	snop;
	(pc) =	sbr.rel @!p3 .LBB2_62-.Ltmp38, $2  }
0x290: {  	v7 =	vld [tilespmem:s25+$0x10];
	_ =	sdelay $0x2  }
0x291: {  	s26 =	simm.s32 $0x0;
	s24 =	simm.s32 $0x4;
	p2 =	por $0x0, $0x0;
	v15 =	vld [tilespmem:s25+$0xFFFFFFF0];
	v11 =	vand.u32 $0xF0, v9;
	v12 =	vand.u32 $0xFFFFFF00, v13  }
0x292: {  	_ = 	snop  }
0x293: {  	s25 =	simm.s32 $0x8060;
	v10 =	vand.u32 $0xFFFFFF00, v9;
	s28 =	simm.s32 $0x2  }
0x294: {  	v14 =	vand.u32 $0xF0, v13;
	s29 =	simm.s32 $0x1;
	v9 =	vld [tilespmem:s25+$0x0];
	vm0 =	vgt.s32 v4, s28;
	vm1 =	veq.s32 v10, v5  }
0x295: {  	p3 =	sgt.s32 s20, $0x8;
	v13 =	vld [tilespmem:s25+$0xFFFFFFE0];
	vm2 =	vgt.s32 v4, s29;
	v10 =	vor.u32 v1, v14;
	v14 =	vor.u32 v1, v11  }
.Ltmp39:
0x296: {  	s31 =	simm.s32 $0x3;
	v16 =	vld [tilespmem:s25+$0x10];
	vm0 =	vmand vm0, vm1;
	v8 =	vand.u32 $0xF0, v15;
	v15 =	vand.u32 $0xFFFFFF00, v15;
	(pc) =	sbr.rel @!p3 .LBB2_77-.Ltmp39, $4  }
0x297: {  	vm4 =	vgt.s32 v4, s31;
	vm1 =	vgt.s32 v4, s26;
	vm3 =	veq.s32 v15, v5;
	v15 =	vld [tilespmem:s25+$0xFFFFFFF0]  }
0x298: {  	vm3 =	vmand vm2, vm3;
	vm2 =	veq.s32 v12, v5;
	v12 =	vand.u32 $0xFFFFFF00, v7  }
0x299: {  	v8 =	vor.u32 v1, v8;
	v11 =	vand.u32 $0xF0, v9;
	vm5 =	veq.s32 v12, v5  }
0x29a: {  	p2 =	por $0x1, $0x1;
	s26 =	simm.s32 $0x8;
	v12 =	vand.u32 $0xFFFFFF00, v13;
	vm2 =	vmand vm1, vm2;
	vm1 =	vmand vm4, vm5  }
.LBB2_78:
0x29b: {  	v17 =	vand.u32 $0xF0, v13  }
0x29c: {  	v13 =	vand.u32 $0xF0, v15;
	s25 =	sadd.s32 $0x40, s25;
	[tilespmem:v14+s11+$0x0] =	vst.idx.add.s32.msk vm0, v2;
	v14 =	vand.u32 $0xF0, v7;
	v7 =	vmovc v16;
	vm4 =	vmmov vm3;
	s28 =	smov.u32 s26;
	s26 =	sadd.s32 $0x4, s26  }
0x29d: {  	v16 =	vand.u32 $0xFFFFFF00, v15;
	s29 =	sadd.s32 $0x2, s24;
	v18 =	vand.u32 $0xFFFFFF00, v9;
	p3 =	slt.s32 s26, s20;
	v15 =	vld [tilespmem:s25+$0xFFFFFFF0];
	v19 =	vor.u32 v1, v14  }
0x29e: {  	s30 =	sadd.s32 $0x1, s24;
	v20 =	vor.u32 v1, v13;
	vm0 =	vgt.s32 v4, s29;
	vm3 =	veq.s32 v18, v5;
	v9 =	vld [tilespmem:s25+$0x0]  }
0x29f: {  	vm5 =	vgt.s32 v4, s30;
	vm6 =	veq.s32 v16, v5;
	vm0 =	vmand vm0, vm3;
	v13 =	vld [tilespmem:s25+$0xFFFFFFE0]  }
.Ltmp40:
0x2a0: {  	v17 =	vor.u32 v1, v17;
	v14 =	vor.u32 v1, v11;
	vm3 =	vmand vm5, vm6;
	v16 =	vld [tilespmem:s25+$0x10];
	(pc) =	sbr.rel @p3 .LBB2_78-.Ltmp40, $4  }
0x2a1: {  	[tilespmem:v10+s11+$0x0] =	vst.idx.add.s32.msk vm2, v2;
	v10 =	vmov v17  }
0x2a2: {  	s29 =	sadd.s32 $0x3, s24;
	vm5 =	veq.s32 v12, v5;
	v12 =	vand.u32 $0xFFFFFF00, v7;
	vm2 =	vgt.s32 v4, s24;
	s24 =	smov.u32 s28;
	[tilespmem:v19+s11+$0x0] =	vst.idx.add.s32.msk vm1, v2  }
0x2a3: {  	vm6 =	veq.s32 v12, v5;
	vm1 =	vgt.s32 v4, s29;
	v11 =	vand.u32 $0xF0, v9;
	[tilespmem:v8+s11+$0x0] =	vst.idx.add.s32.msk vm4, v2;
	v8 =	vmovc v20  }
0x2a4: {  	vm2 =	vmand vm2, vm5;
	vm1 =	vmand vm1, vm6;
	v12 =	vand.u32 $0xFFFFFF00, v13  }
0x2a5: {  	v17 =	vmov v7;
	v7 =	vmov v16;
	s26 =	smov.u32 s24  }
.LBB2_80:
0x2a6: {  	v13 =	vand.u32 $0xF0, v13  }
0x2a7: {  	v16 =	vand.u32 @p2 $0xF0, v17;
	vm3 =	vmmov @p2 vm3;
	v58 =	vand.u32 $0xFFFFFF00, v15  }
0x2a8: {  	v9 =	vand.u32 $0xFFFFFF00, v9;
	v59 =	vor.u32 v1, v11;
	vm11 =	vgt.s32 v4, s26  }
0x2a9: {  	s24 =	sadd.s32 $0x2, s26;
	s25 =	sadd.s32 $0x1, s26;
	vm12 =	veq.s32 v12, v5;
	v60 =	vand.u32 $0xFFFFFF00, v7;
	v16 =	vor.u32 @p2 v1, v16  }
0x2aa: {  	s31 =	sadd.s32 $0x3, s26;
	vm4 =	vgt.s32 v4, s24;
	vm5 =	veq.s32 v9, v5;
	vm6 =	vgt.s32 v4, s25  }
0x2ab: {  	vm7 =	veq.s32 v58, v5;
	vm13 =	vgt.s32 v4, s31;
	vm4 =	vmand vm4, vm5  }
0x2ac: {  	vm8 =	veq.s32 v60, v5;
	vm5 =	vmand vm6, vm7;
	vm6 =	vmand vm11, vm12  }
0x2ad: {  	[tilespmem:v14+s11+$0x0] =	vst.idx.add.s32.msk @p2 vm0, v2;
	v7 =	vand.u32 $0xF0, v7;
	v61 =	vor.u32 v1, v13;
	vm14 =	vmand vm13, vm8  }
0x2ae: {  	v62 =	vand.u32 $0xF0, v15;
	[tilespmem:v10+s11+$0x0] =	vst.idx.add.s32.msk @p2 vm2, v2;
	v7 =	vor.u32 v1, v7  }
0x2af: {  	v63 =	vor.u32 v1, v62;
	[tilespmem:v16+s11+$0x0] =	vst.idx.add.s32.msk @p2 vm1, v2  }
0x2b0: {  	[tilespmem:v8+s11+$0x0] =	vst.idx.add.s32.msk @p2 vm3, v2  }
0x2b1: {  	[tilespmem:v59+s11+$0x0] =	vst.idx.add.s32.msk vm4, v2  }
0x2b2: {  	[tilespmem:v61+s11+$0x0] =	vst.idx.add.s32.msk vm6, v2  }
0x2b3: {  	[tilespmem:v7+s11+$0x0] =	vst.idx.add.s32.msk vm14, v2  }
0x2b4: {  	vm15 =	vmmov vm5;
	[tilespmem:v63+s11+$0x0] =	vst.idx.add.s32.msk vm5, v2  }
.LBB2_70:
.Ltmp41:
0x2b5: {  	(pc) =	sbr.rel @!p1 .LBB2_71-.Ltmp41, $1  }
0x2b6: {  	_ =	sdelay $0x3  }
0x2b7: {  	s24 =	sshra.s32 s22, $0x2  }
0x2b8: {  	s23 =	ssub.s32 $0x0, s23;
	s24 =	sadd.s32 $0x8000, s24  }
.LBB2_82:
0x2b9: {  	v7 =	vld [tilespmem:s24+$0x0];
	_ =	sdelay $0x4  }
0x2ba: {  	s25 =	sadd.s32 s23, s19;
	v8 =	vand.u32 $0xFFFFFF00, v7  }
0x2bb: {  	vm0 =	vgt.s32 v4, s25;
	vm1 =	veq.s32 v8, v5  }
0x2bc: {  	s23 =	sadd.s32 $0x1, s23;
	v7 =	vand.u32 $0xF0, v7;
	vm0 =	vmand vm0, vm1  }
0x2bd: {  	p2 =	seq.s32 s23, $0x0;
	v7 =	vor.u32 v1, v7  }
.Ltmp42:
0x2be: {  	_ = 	snop;
	(pc) =	sbr.rel @!p2 .LBB2_82-.Ltmp42, $2  }
0x2bf: {  	_ =	sdelay $0x2  }
0x2c0: {  	s24 =	sadd.s32 $0x10, s24;
	[tilespmem:v7+s11+$0x0] =	vst.idx.add.s32.msk vm0, v2  }
.LBB2_71:
0x2c1: {  	s23 =	simm.s32 $0xC0F0  }
0x2c2: {  	v8 =	vld [tilespmem:s23+$0x0];
	_ =	sdelay $0x2  }
0x2c3: {  	v9 =	vld [tilespmem:s23+$0xFFFFFFF0]  }
0x2c4: {  	v7 =	vimm.s32 $0x0  }
0x2c5: {  	v8 =	vadd.s32 v7, v8  }
0x2c6: {  	v10 =	vld [tilespmem:s23+$0xFFFFFFE0];
	vm0 =	veq.s32 v7, $0x0;
	vm1 =	vle.s32 v6, v8  }
0x2c7: {  	vm0 =	vmand vm0, vm1  }
0x2c8: {  	v11 =	vld [tilespmem:s23+$0xFFFFFFD0];
	v9 =	vadd.s32 v8, v9;
	v12 =	vsel vm0, $0x1, v7  }
0x2c9: {  	vm2 =	vle.s32 v6, v9;
	vm1 =	veq.s32 v12, $0x0  }
0x2ca: {  	vm1 =	vmand vm2, vm1  }
0x2cb: {  	s25 =	simm.s32 $0xC0B0;
	v10 =	vadd.s32 v9, v10;
	v12 =	vsel vm1, $0x1, v12  }
0x2cc: {  	v13 =	vld [tilespmem:s25+$0x0];
	vm2 =	vle.s32 v6, v10;
	vm3 =	veq.s32 v12, $0x0  }
0x2cd: {  	v15 =	vld [tilespmem:s25+$0xFFFFFFF0];
	v14 =	vadd.s32 v10, v11;
	v11 =	vsub.s32 v6, v7;
	vm2 =	vmand vm2, vm3  }
0x2ce: {  	s24 =	simm.s32 $0xF;
	v8 =	vsub.s32 v6, v8;
	v11 =	vsel vm0, v11, v7;
	v12 =	vsel vm2, $0x1, v12  }
0x2cf: {  	v7 =	vsel vm0, s24, v7;
	vm3 =	vge.s32 v14, v6;
	vm0 =	veq.s32 v12, $0x0  }
0x2d0: {  	s26 =	simm.s32 $0xE;
	v17 =	vsub.s32 v6, v10;
	v8 =	vsel vm1, v8, v11;
	v11 =	vld [tilespmem:s25+$0xFFFFFFE0];
	vm3 =	vmand vm3, vm0  }
0x2d1: {  	v16 =	vsel vm1, s26, v7;
	v7 =	vadd.s32 v14, v13;
	v12 =	vsel vm3, $0x1, v12  }
0x2d2: {  	[tilespmem:s23+$0x0] =	vst v0;
	v13 =	vld [tilespmem:s25+$0xFFFFFFD0];
	vm1 =	vle.s32 v6, v7;
	v10 =	vadd.s32 v7, v15;
	vm0 =	veq.s32 v12, $0x0  }
0x2d3: {  	s30 =	simm.s32 $0xD;
	[tilespmem:s23+$0xFFFFFFE0] =	vst v0;
	v9 =	vsub.s32 v6, v9;
	vm4 =	vle.s32 v6, v10;
	vm0 =	vmand vm0, vm1  }
0x2d4: {  	s31 =	simm.s32 $0xC;
	[tilespmem:s23+$0xFFFFFFD0] =	vst v0;
	v9 =	vsel vm2, v9, v8;
	v8 =	vsel vm2, s30, v16;
	v15 =	vsel vm0, $0x1, v12  }
0x2d5: {  	[tilespmem:s25+$0x0] =	vst v0;
	v11 =	vadd.s32 v10, v11;
	v8 =	vsel vm3, s31, v8;
	vm1 =	veq.s32 v15, $0x0  }
0x2d6: {  	[tilespmem:s25+$0xFFFFFFE0] =	vst v0;
	vm2 =	vle.s32 v6, v11;
	v12 =	vsel vm3, v17, v9;
	vm1 =	vmand vm4, vm1  }
0x2d7: {  	s28 =	simm.s32 $0xC070;
	s26 =	simm.s32 $0x4;
	[tilespmem:s25+$0xFFFFFFD0] =	vst v0;
	v9 =	vadd.s32 v11, v13;
	v13 =	vsub.s32 v6, v14;
	v14 =	vsel vm1, $0x1, v15  }
.LBB2_72:
0x2d8: {  	v15 =	vld [tilespmem:s28+$0x0];
	s26 =	sadd.s32 $0x4, s26;
	vm3 =	veq.s32 v14, $0x0;
	v10 =	vsub.s32 v6, v10;
	v16 =	vsub.s32 v6, v11;
	[tilespmem:s23+$0xFFFFFFF0] =	vst v0;
	s24 =	sadd.s32 $0xFFFFFFFC, s24;
	v17 =	vmovc v9;
	s23 =	smov.u32 s25  }
0x2d9: {  	v12 =	vsel vm0, v13, v12;
	v7 =	vsub.s32 v6, v7;
	s25 =	smov.u32 s28;
	[tilespmem:s28+$0x0] =	vst v0;
	v11 =	vld [tilespmem:s28+$0xFFFFFFF0];
	p2 =	slt.u32 s26, $0xC;
	vm2 =	vmand vm2, vm3  }
0x2da: {  	v8 =	vsel vm0, s24, v8;
	s29 =	sadd.s32 $0xFFFFFFFF, s24;
	v7 =	vsel vm1, v7, v12;
	v13 =	vld [tilespmem:s28+$0xFFFFFFE0];
	v12 =	vsel vm2, $0x1, v14  }
0x2db: {  	v8 =	vsel vm1, s29, v8;
	s29 =	sadd.s32 $0xFFFFFFFE, s24;
	vm1 =	vge.s32 v9, v6;
	[tilespmem:s28+$0xFFFFFFE0] =	vst v0;
	v14 =	vld [tilespmem:s28+$0xFFFFFFD0];
	vm0 =	veq.s32 v12, $0x0  }
0x2dc: {  	v18 =	vsel vm2, v10, v7;
	v8 =	vsel vm2, s29, v8;
	s29 =	sadd.s32 $0xFFFFFFFD, s24;
	[tilespmem:s28+$0xFFFFFFD0] =	vst v0;
	vm1 =	vmand vm1, vm0  }
0x2dd: {  	v7 =	vadd.s32 v9, v15;
	v8 =	vsel vm1, s29, v8;
	v9 =	vsel vm1, $0x1, v12  }
0x2de: {  	vm0 =	veq.s32 v9, $0x0;
	vm2 =	vle.s32 v6, v7;
	v10 =	vadd.s32 v7, v11  }
.Ltmp43:
0x2df: {  	v12 =	vsel vm1, v16, v18;
	vm0 =	vmand vm0, vm2;
	v11 =	vadd.s32 v10, v13;
	(pc) =	sbr.rel @p2 .LBB2_72-.Ltmp43, $4  }
0x2e0: {  	v15 =	vsel vm0, $0x1, v9;
	vm2 =	vle.s32 v6, v11;
	v9 =	vadd.s32 v11, v14  }
0x2e1: {  	v13 =	vsub.s32 v6, v17;
	vm3 =	vle.s32 v6, v10;
	vm1 =	veq.s32 v15, $0x0  }
0x2e2: {  	vm1 =	vmand vm3, vm1  }
0x2e3: {  	s28 =	sadd.s32 $0xFFFFFFC0, s28;
	v14 =	vsel vm1, $0x1, v15  }
0x2e4: {  	vm3 =	veq.s32 v14, $0x0  }
0x2e5: {  	s24 =	sadd.s32 $0xFFFFFFFC, s24;
	vm2 =	vmand vm2, vm3  }
0x2e6: {  	vm4 =	vge.s32 v9, v6;
	v8 =	vsel vm0, s24, v8;
	s26 =	sadd.s32 $0xFFFFFFFF, s24;
	v62 =	vsel vm2, $0x1, v14  }
.Ltmp44:
0x2e7: {  	v63 =	vsel vm0, v13, v12;
	s31 =	sadd.s32 $0xFFFFFFFE, s24;
	v8 =	vsel vm1, s26, v8;
	vm14 =	veq.s32 v62, $0x0;
	(pc) =	sbr.rel @p0 .LBB2_83-.Ltmp44, $4  }
0x2e8: {  	v7 =	vsub.s32 v6, v7;
	s24 =	sadd.s32 $0xFFFFFFFD, s24;
	v8 =	vsel vm2, s31, v8;
	vm15 =	vmand vm4, vm14  }
0x2e9: {  	v10 =	vsub.s32 v6, v10;
	v7 =	vsel vm1, v7, v63;
	v8 =	vsel vm15, s24, v8  }
0x2ea: {  	v6 =	vsub.s32 v6, v11;
	[tilespmem:s23+$0xFFFFFFF0] =	vst v0;
	v7 =	vsel vm2, v10, v7;
	v8 =	vshll.u32 v8, $0x4  }
0x2eb: {  	[tilespmem:s25+$0xFFFFFFF0] =	vst v0;
	v6 =	vsel vm15, v6, v7;
	v5 =	vor.u32 v5, v8  }
0x2ec: {  	s25 =	simm.s32 $0x8020  }
0x2ed: {  	v7 =	vld [tilespmem:s25+$0x0]  }
0x2ee: {  	v13 =	vld [tilespmem:s25+$0x10]  }
0x2ef: {  	v9 =	vld [tilespmem:s25+$0xFFFFFFF0]  }
0x2f0: {  	s23 =	simm.s32 $0x3;
	p2 =	sgt.s32 s20, $0x4  }
.Ltmp45:
0x2f1: {  	s31 =	simm.s32 $0x2;
	vm0 =	vgt.s32 v4, s23;
	(pc) =	sbr.rel @!p2 .LBB2_75-.Ltmp45, $4  }
0x2f2: {  	vm1 =	vgt.s32 v4, s31;
	v8 =	vshll.u32 v7, $0x4;
	v10 =	vand.u32 $0xFFFFFFF0, v7  }
0x2f3: {  	v7 =	vor.u32 $0xF8, v1;
	v12 =	vand.u32 $0xFFFFFFF0, v13;
	v14 =	vshll.u32 v13, $0x4  }
0x2f4: {  	s24 =	simm.s32 $0x0;
	vm2 =	veq.s32 v10, v5;
	v8 =	vor.u32 v1, v8;
	v10 =	vand.u32 $0xFFFFFFF0, v9  }
0x2f5: {  	p0 =	por $0x0, $0x0;
	s23 =	simm.s32 $0x4;
	v11 =	vld [tilespmem:s25+$0xFFFFFFE0];
	s25 =	simm.s32 $0x8060;
	v9 =	vshll.u32 v9, $0x4;
	vm1 =	vmand vm1, vm2;
	v8 =	vand.u32 v7, v8  }
0x2f6: {  	_ =	sdelay $0x3  }
0x2f7: {  	v15 =	vand.u32 $0xFFFFFFF0, v11  }
0x2f8: {  	v13 =	vld [tilespmem:s25+$0x0];
	vm2 =	vgt.s32 v4, s24;
	v11 =	vshll.u32 v11, $0x4;
	vm3 =	veq.s32 v15, v5  }
0x2f9: {  	v17 =	vld [tilespmem:s25+$0xFFFFFFF0];
	v11 =	vor.u32 v1, v11;
	vm3 =	vmand vm2, vm3;
	vm2 =	veq.s32 v12, v5  }
0x2fa: {  	s30 =	simm.s32 $0x1;
	[tilespmem:v8+s11+$0x0] =	vst.idx.add.s32.msk vm1, v2;
	v12 =	vor.u32 v1, v14;
	v15 =	vand.u32 v7, v11;
	vm4 =	vmand vm0, vm2  }
0x2fb: {  	vm5 =	veq.s32 v10, v5;
	s31 =	simm.s32 $0x6;
	p2 =	sgt.s32 s20, $0x8;
	v14 =	vld [tilespmem:s25+$0x10];
	v16 =	vand.u32 v7, v12;
	vm2 =	vgt.s32 v4, s30  }
.Ltmp46:
0x2fc: {  	v9 =	vor.u32 v1, v9;
	vm1 =	vgt.s32 v4, s31;
	v11 =	vld [tilespmem:s25+$0xFFFFFFE0];
	vm2 =	vmand vm2, vm5;
	(pc) =	sbr.rel @!p2 .LBB2_90-.Ltmp46, $4  }
0x2fd: {  	v10 =	vshll.u32 v13, $0x4;
	v8 =	vand.u32 $0xFFFFFFF0, v13;
	v13 =	vand.u32 v7, v9  }
0x2fe: {  	s26 =	simm.s32 $0x7;
	v9 =	vshll.u32 v17, $0x4;
	vm15 =	veq.s32 v8, v5;
	v8 =	vor.u32 v1, v10  }
0x2ff: {  	v10 =	vand.u32 $0xFFFFFFF0, v17;
	vm0 =	vgt.s32 v4, s26;
	vm1 =	vmand vm1, vm15;
	[tilespmem:v15+s11+$0x0] =	vst.idx.add.s32.msk vm3, v2  }
0x300: {  	s24 =	simm.s32 $0x8;
	p0 =	por $0x1, $0x1;
	s25 =	simm.s32 $0x80A0;
	v8 =	vand.u32 v7, v8;
	v12 =	vand.u32 $0xFFFFFFF0, v14;
	v14 =	vshll.u32 v14, $0x4;
	[tilespmem:v16+s11+$0x0] =	vst.idx.add.s32.msk vm4, v2  }
.LBB2_91:
0x301: {  	v15 =	vld [tilespmem:s25+$0x0];
	v16 =	vand.u32 $0xFFFFFFF0, v11;
	v11 =	vshll.u32 v11, $0x4;
	v14 =	vor.u32 v1, v14;
	s26 =	smov.u32 s24;
	s24 =	sadd.s32 $0x4, s24  }
0x302: {  	vm3 =	vgt.s32 v4, s23;
	p2 =	slt.s32 s24, s20;
	vm4 =	veq.s32 v16, v5;
	v16 =	vand.u32 v7, v14;
	[tilespmem:v13+s11+$0x0] =	vst.idx.add.s32.msk vm2, v2  }
0x303: {  	v11 =	vor.u32 v1, v11;
	vm2 =	veq.s32 v12, v5;
	v14 =	vld [tilespmem:s25+$0xFFFFFFF0];
	vm3 =	vmand vm3, vm4  }
0x304: {  	s29 =	sadd.s32 $0x1, s23;
	s28 =	sadd.s32 $0x3, s26;
	s23 =	smov.u32 s26;
	v18 =	vand.u32 v7, v11;
	vm4 =	vmand vm0, vm2;
	v17 =	vld [tilespmem:s25+$0x10]  }
0x305: {  	vm5 =	veq.s32 v10, v5;
	vm0 =	vgt.s32 v4, s28;
	vm2 =	vgt.s32 v4, s29;
	v11 =	vld [tilespmem:s25+$0xFFFFFFE0]  }
.Ltmp47:
0x306: {  	v9 =	vor.u32 v1, v9;
	s26 =	sadd.s32 $0x2, s23;
	vm2 =	vmand vm2, vm5;
	v10 =	vshll.u32 v15, $0x4;
	[tilespmem:v8+s11+$0x0] =	vst.idx.add.s32.msk vm1, v2;
	(pc) =	sbr.rel @p2 .LBB2_91-.Ltmp47, $4  }
0x307: {  	v13 =	vand.u32 v7, v9;
	vm1 =	vgt.s32 v4, s26;
	v8 =	vand.u32 $0xFFFFFFF0, v15  }
0x308: {  	vm5 =	veq.s32 v8, v5;
	v8 =	vor.u32 v1, v10  }
0x309: {  	vm1 =	vmand vm1, vm5;
	v8 =	vand.u32 v7, v8;
	v12 =	vand.u32 $0xFFFFFFF0, v17;
	[tilespmem:v18+s11+$0x0] =	vst.idx.add.s32.msk vm3, v2  }
0x30a: {  	s25 =	sadd.s32 $0x40, s25;
	v10 =	vand.u32 $0xFFFFFFF0, v14;
	v9 =	vshll.u32 v14, $0x4;
	v14 =	vshll.u32 v17, $0x4;
	[tilespmem:v16+s11+$0x0] =	vst.idx.add.s32.msk vm4, v2  }
0x30b: {  	s24 =	smov.u32 s23  }
.LBB2_93:
0x30c: {  	v15 =	vand.u32 $0xFFFFFFF0, v11;
	v62 =	vshll.u32 v11, $0x4;
	v14 =	vor.u32 v1, v14  }
0x30d: {  	vm3 =	vgt.s32 v4, s24;
	vm14 =	veq.s32 v12, v5;
	vm5 =	veq.s32 v10, v5  }
0x30e: {  	s20 =	sadd.s32 $0x1, s24;
	vm4 =	veq.s32 v15, v5;
	v11 =	vor.u32 v1, v62;
	vm0 =	vmand vm0, vm14  }
0x30f: {  	vm15 =	vgt.s32 v4, s20;
	v63 =	vand.u32 v7, v14;
	vm3 =	vmand vm3, vm4  }
0x310: {  	v9 =	vor.u32 v1, v9;
	v11 =	vand.u32 v7, v11;
	vm4 =	vmand vm15, vm5  }
0x311: {  	v7 =	vand.u32 v7, v9  }
0x312: {  	[tilespmem:v13+s11+$0x0] =	vst.idx.add.s32.msk @p0 vm2, v2  }
0x313: {  	[tilespmem:v8+s11+$0x0] =	vst.idx.add.s32.msk vm1, v2  }
0x314: {  	[tilespmem:v63+s11+$0x0] =	vst.idx.add.s32.msk vm0, v2  }
0x315: {  	[tilespmem:v11+s11+$0x0] =	vst.idx.add.s32.msk vm3, v2  }
0x316: {  	[tilespmem:v7+s11+$0x0] =	vst.idx.add.s32.msk vm4, v2  }
.LBB2_83:
.Ltmp48:
0x317: {  	(pc) =	sbr.rel @!p1 .LBB2_84-.Ltmp48, $1  }
0x318: {  	_ =	sdelay $0x3  }
0x319: {  	s20 =	sshra.s32 s22, $0x2  }
0x31a: {  	s20 =	sadd.s32 $0x8000, s20  }
.LBB2_95:
0x31b: {  	v7 =	vld [tilespmem:s20+$0x0];
	_ =	sdelay $0x4  }
0x31c: {  	s22 =	sadd.s32 s21, s19;
	v8 =	vand.u32 $0xFFFFFFF0, v7  }
0x31d: {  	vm0 =	vgt.s32 v4, s22;
	v7 =	vshll.u32 v7, $0x4;
	vm1 =	veq.s32 v8, v5  }
0x31e: {  	s21 =	sadd.s32 $0x1, s21;
	v7 =	vor.u32 v1, v7;
	v8 =	vor.u32 $0xF8, v1;
	vm0 =	vmand vm0, vm1  }
0x31f: {  	p0 =	seq.s32 s21, $0x0;
	v7 =	vand.u32 v8, v7  }
.Ltmp49:
0x320: {  	_ = 	snop;
	(pc) =	sbr.rel @!p0 .LBB2_95-.Ltmp49, $2  }
0x321: {  	_ =	sdelay $0x2  }
0x322: {  	s20 =	sadd.s32 $0x10, s20;
	[tilespmem:v7+s11+$0x0] =	vst.idx.add.s32.msk vm0, v2  }
.LBB2_84:
0x323: {  	s20 =	simm.s32 $0xC0F0  }
0x324: {  	v7 =	vld [tilespmem:s20+$0x0];
	_ =	sdelay $0x1  }
0x325: {  	v8 =	vld [tilespmem:s20+$0xFFFFFFF0];
	_ =	sdelay $0x1  }
0x326: {  	v4 =	vimm.s32 $0x0;
	v9 =	vld [tilespmem:s20+$0xFFFFFFE0]  }
0x327: {  	v10 =	vld [tilespmem:s20+$0xFFFFFFD0];
	v7 =	vadd.s32 v4, v7  }
0x328: {  	vm0 =	veq.s32 v4, $0x0;
	vm1 =	vge.s32 v7, v6  }
0x329: {  	v7 =	vadd.s32 v7, v8;
	vm0 =	vmand vm0, vm1  }
0x32a: {  	s19 =	simm.s32 $0xF;
	[tilespmem:s20+$0x0] =	vst v0;
	vm2 =	vge.s32 v7, v6;
	v8 =	vsel vm0, $0x1, v4  }
0x32b: {  	[tilespmem:s20+$0xFFFFFFF0] =	vst v0;
	v7 =	vadd.s32 v7, v9;
	v9 =	vsel vm0, s19, v4;
	vm0 =	veq.s32 v8, $0x0  }
0x32c: {  	s21 =	simm.s32 $0xE;
	[tilespmem:s20+$0xFFFFFFE0] =	vst v0;
	v4 =	vadd.s32 v7, v10;
	vm1 =	vge.s32 v7, v6;
	vm2 =	vmand vm2, vm0  }
0x32d: {  	[tilespmem:s20+$0xFFFFFFD0] =	vst v0;
	s20 =	simm.s32 $0x0;
	vm0 =	vge.s32 v4, v6;
	v7 =	vsel vm2, s21, v9;
	v8 =	vsel vm2, $0x1, v8;
	s21 =	simm.s32 $0xC0B0  }
.LBB2_85:
0x32e: {  	v9 =	vld [tilespmem:s21+$0x0];
	[tilespmem:s21+$0x0] =	vst v0;
	s20 =	sadd.s32 $0x4, s20;
	vm2 =	veq.s32 v8, $0x0  }
0x32f: {  	s22 =	sadd.s32 $0xFFFFFFFE, s19;
	v10 =	vld [tilespmem:s21+$0xFFFFFFF0];
	[tilespmem:s21+$0xFFFFFFF0] =	vst v0;
	p0 =	slt.u32 s20, $0xC;
	vm1 =	vmand vm1, vm2  }
0x330: {  	v11 =	vld [tilespmem:s21+$0xFFFFFFE0];
	[tilespmem:s21+$0xFFFFFFE0] =	vst v0;
	v7 =	vsel vm1, s22, v7;
	v8 =	vsel vm1, $0x1, v8  }
0x331: {  	v12 =	vld [tilespmem:s21+$0xFFFFFFD0];
	[tilespmem:s21+$0xFFFFFFD0] =	vst v0;
	vm1 =	veq.s32 v8, $0x0  }
0x332: {  	s22 =	sadd.s32 $0xFFFFFFFD, s19;
	vm0 =	vmand vm0, vm1  }
0x333: {  	v4 =	vadd.s32 v4, v9;
	v7 =	vsel vm0, s22, v7;
	v8 =	vsel vm0, $0x1, v8  }
0x334: {  	vm0 =	veq.s32 v8, $0x0;
	vm1 =	vge.s32 v4, v6;
	v4 =	vadd.s32 v4, v10  }
.Ltmp50:
0x335: {  	s19 =	sadd.s32 $0xFFFFFFFC, s19;
	vm0 =	vmand vm0, vm1;
	vm2 =	vge.s32 v4, v6;
	v9 =	vadd.s32 v4, v11;
	(pc) =	sbr.rel @p0 .LBB2_85-.Ltmp50, $4  }
0x336: {  	v7 =	vsel vm0, s19, v7;
	v8 =	vsel vm0, $0x1, v8;
	v4 =	vadd.s32 v9, v12  }
0x337: {  	vm1 =	vge.s32 v9, v6;
	vm3 =	veq.s32 v8, $0x0;
	vm0 =	vge.s32 v4, v6  }
0x338: {  	s22 =	sadd.s32 $0xFFFFFFFF, s19;
	vm2 =	vmand vm2, vm3  }
0x339: {  	s21 =	sadd.s32 $0xFFFFFFC0, s21;
	v7 =	vsel vm2, s22, v7;
	v8 =	vsel vm2, $0x1, v8  }
0x33a: {  	vm2 =	veq.s32 v8, $0x0  }
0x33b: {  	vm1 =	vmand vm1, vm2  }
0x33c: {  	v4 =	vsel vm1, $0x1, v8  }
0x33d: {  	s20 =	sadd.s32 $0xFFFFFFFE, s19;
	vm14 =	veq.s32 v4, $0x0  }
0x33e: {  	s31 =	sadd.s32 $0xFFFFFFFD, s19;
	v4 =	vsel vm1, s20, v7;
	vm0 =	vmand vm0, vm14  }
0x33f: {  	p0 =	slt.u32 s18, $0x8;
	v4 =	vsel vm0, s31, v4  }
.Ltmp51:
0x340: {  	v4 =	vor.u32 v5, v4;
	(pc) =	sbr.rel @p0 .LBB2_4-.Ltmp51, $4  }
.Ltmp52:
0x341: {  	vm15 =	vgt.s32 v4, $0xFFFFFFFF;
	(pc) =	sbr.rel @!p0 .LBB2_87-.Ltmp52, $4  }
0x342: {  	s17 =	sshll.u32 s17, $0x4;
	v5 =	vsel vm15, $0xFFFFFFFF, v3  }
0x343: {  	s17 =	sand.u32 $0x3FFFFFF0, s17;
	v4 =	vxor.u32 v4, v5  }
0x344: {  	[tilespmem:s17+$0xD000] =	vst v4;
	s17 =	smov.u32 s18  }
0x345: {  	_ = 	snop  }
.LBB2_17:
.Ltmp53:
0x346: {  	(pc) =	sbr.rel .LBB2_28-.Ltmp53, $2  }
0x347: {  	_ =	sdelay $0x2  }
0x348: {  	_ = 	snop  }
.LBB2_23:
.Ltmp54:
0x349: {  	(pc) =	sbr.rel .LBB2_41-.Ltmp54, $2  }
0x34a: {  	_ =	sdelay $0x2  }
0x34b: {  	_ = 	snop  }
.LBB2_36:
.Ltmp55:
0x34c: {  	(pc) =	sbr.rel .LBB2_54-.Ltmp55, $2  }
0x34d: {  	_ =	sdelay $0x2  }
0x34e: {  	_ = 	snop  }
.LBB2_49:
.Ltmp56:
0x34f: {  	(pc) =	sbr.rel .LBB2_67-.Ltmp56, $2  }
0x350: {  	_ =	sdelay $0x2  }
0x351: {  	_ = 	snop  }
.LBB2_62:
.Ltmp57:
0x352: {  	(pc) =	sbr.rel .LBB2_80-.Ltmp57, $2  }
0x353: {  	_ =	sdelay $0x2  }
0x354: {  	_ = 	snop  }
.LBB2_75:
.Ltmp58:
0x355: {  	(pc) =	sbr.rel .LBB2_93-.Ltmp58, $2  }
0x356: {  	_ =	sdelay $0x2  }
0x357: {  	_ = 	snop  }
.LBB2_25:
.Ltmp59:
0x358: {  	(pc) =	sbr.rel .LBB2_28-.Ltmp59, $2  }
0x359: {  	_ =	sdelay $0x2  }
0x35a: {  	s23 =	simm.s32 $0x4  }
.LBB2_38:
.Ltmp60:
0x35b: {  	(pc) =	sbr.rel .LBB2_41-.Ltmp60, $2  }
0x35c: {  	_ =	sdelay $0x2  }
0x35d: {  	s25 =	simm.s32 $0x4  }
.LBB2_51:
.Ltmp61:
0x35e: {  	(pc) =	sbr.rel .LBB2_54-.Ltmp61, $2  }
0x35f: {  	_ =	sdelay $0x2  }
0x360: {  	s25 =	simm.s32 $0x4  }
.LBB2_64:
.Ltmp62:
0x361: {  	(pc) =	sbr.rel .LBB2_67-.Ltmp62, $2  }
0x362: {  	_ =	sdelay $0x2  }
0x363: {  	s25 =	simm.s32 $0x4  }
.LBB2_77:
.Ltmp63:
0x364: {  	(pc) =	sbr.rel .LBB2_80-.Ltmp63, $2  }
0x365: {  	_ =	sdelay $0x2  }
0x366: {  	v17 =	vmov v7;
	v7 =	vmov v16;
	s26 =	simm.s32 $0x4  }
.LBB2_90:
.Ltmp64:
0x367: {  	(pc) =	sbr.rel .LBB2_93-.Ltmp64, $2  }
0x368: {  	_ =	sdelay $0x2  }
0x369: {  	s24 =	simm.s32 $0x4  }
.LBB2_88:
0x36a: {  	_ =	sfence.sel $0x180000  }
0x36b: {  	[bflag:$0x0] =	sbarrier.arrive $0xFFFF  }
0x36c: {  	p0 =	sne.s32 s1, $0x0;
	_ =	strace $0x90000047  }
0x36d: {  	s0 =	sadd.s32 @!p0 $0x100000, s0;
	[bflag:$0x2] =	sbarrier.arrive $0xFFFF  }
0x36e: {  	[sflag:s0] =	ssyncadd.tile.s32 @!p0 $0x1;
	_ =	shalt  }
.Lfunc_end2:
_tile_overlayer_lowered:
.L_overlay_start_2:
0x36f: {  	(tag) =	ssettag $0x2  }
0x370: {  	s0 =	rddreg [dreg:$0x0];
	s2 =	stileid.u32  }
0x371: {  	s1 =	rddreg [dreg:$0x1];
	p0 =	sne.s32 s2, $0x0  }
0x372: {  	s3 =	rddreg [dreg:$0x2];
	[bflag:$0x3] =	sbarrier.arrive $0xFFFF;
	s2 =	simm.s32 @!p0 $0x1C03  }
0x373: {  	[timem:s3], [sflag:s2] =	dma.local @!p0 [hbm:s0], s1  }
0x374: {  	s0 =	simm.s32 @!p0 $0x3  }
0x375: {  	_ =	swait.ge @!p0 [sflag:s0], s1  }
0x376: {  	s1 =	ssub.s32 @!p0 $0x0, s1;
	[sflag:s0] =	ssyncset.done @!p0 $0x0  }
0x377: {  	[sflag:s0] =	ssyncadd.s32 @!p0 s1  }
0x378: {  	[bflag:$0x3] =	sbarrier.arrive $0xFFFF  }
0x379: {  	_ =	shalt  }

</sc_bundles>
